<compile_context>
chip_gen: v7x
topology: tpu7x:2x2x1
jax: 0.10.2.dev20260603
libtpu: 0.0.44.dev20260713+nightly
codegen_flags: <defaults>
</compile_context>

<pallas_src>
import functools

import jax
import jax.numpy as jnp
from jax import lax
from jax.experimental import pallas as pl
from jax.experimental.pallas import tpu as pltpu
from jax.experimental.pallas import tpu_sc as plsc

N_NODES = 10000
N_EDGES = 320000
DIM = 128

NC = 2
NS = 16
NW = NC * NS

CHP = 112
NCH = 92
EPT = CHP * NCH
NPAIR = NCH // 2
E_PAD = NW * EPT
E_ALLOC = E_PAD + 2 * CHP
DGRP = 4
CHD = 128
EPTD = 10240
E_DEG = NW * EPTD
ROWS = 10240
RPT = ROWS // NS
ZB = 80
NZB = RPT // ZB


_sc_mesh = plsc.VectorSubcoreMesh(core_axis_name="c", subcore_axis_name="s")


@functools.partial(
    pl.kernel,
    mesh=_sc_mesh,
    out_type=jax.ShapeDtypeStruct((NC * ROWS, DIM), jnp.float32),
    scratch_types=[
        pltpu.VMEM((2 * CHP,), jnp.int32),
        pltpu.VMEM((2 * CHP,), jnp.int32),
        pltpu.VMEM((2, CHP), jnp.int32),
        pltpu.VMEM((CHP, DIM), jnp.float32),
        pltpu.VMEM((CHP, DIM), jnp.float32),
        pltpu.VMEM_SHARED((ROWS, DIM), jnp.float32),
        pltpu.SemaphoreType.DMA,
        pltpu.SemaphoreType.DMA,
    ],
)
def _sc_sums(x_hbm, src_hbm, dst_hbm, zrow_hbm,
             s_out, srcA_v, srcB_v, dst2_v, rows0_v, rows1_v,
             acc, sem0, sem1):
    cid = lax.axis_index("c")
    sid = lax.axis_index("s")
    wid = cid * NS + sid

    pltpu.sync_copy(zrow_hbm.at[pl.ds(0, CHP)], rows0_v)
    row0 = pl.multiple_of(sid * RPT, RPT)
    for j in range(NZB):
        r0 = pl.multiple_of(row0 + j * ZB, ZB)
        pltpu.sync_copy(rows0_v.at[pl.ds(0, ZB)], acc.at[pl.ds(r0, ZB)])
    plsc.subcore_barrier()

    ebase = wid * EPT
    sA0 = srcA_v.at[pl.ds(0, CHP)]
    sA1 = srcA_v.at[pl.ds(CHP, CHP)]
    sB0 = srcB_v.at[pl.ds(0, CHP)]
    sB1 = srcB_v.at[pl.ds(CHP, CHP)]

    def load_dst_pair(e0):
        pltpu.sync_copy(dst_hbm.at[pl.ds(pl.multiple_of(e0, CHP), CHP)],
                        dst2_v.at[0])
        pltpu.sync_copy(dst_hbm.at[pl.ds(pl.multiple_of(e0 + CHP, CHP), CHP)],
                        dst2_v.at[1])

    pltpu.sync_copy(src_hbm.at[pl.ds(pl.multiple_of(ebase, 2 * CHP), 2 * CHP)],
                    srcA_v)
    load_dst_pair(ebase)
    pltpu.async_copy(x_hbm.at[sA0], rows0_v, sem0)

    def body(q, carry):
        e0 = ebase + q * (4 * CHP)
        pltpu.async_copy(x_hbm.at[sA1], rows1_v, sem1)
        pltpu.make_async_copy(x_hbm.at[sA0], rows0_v, sem0).wait()
        pltpu.sync_copy(rows0_v, acc.at[dst2_v.at[0]], add=True)
        pltpu.sync_copy(
            src_hbm.at[pl.ds(pl.multiple_of(e0 + 2 * CHP, 2 * CHP), 2 * CHP)],
            srcB_v)
        pltpu.async_copy(x_hbm.at[sB0], rows0_v, sem0)
        pltpu.make_async_copy(x_hbm.at[sA1], rows1_v, sem1).wait()
        pltpu.sync_copy(rows1_v, acc.at[dst2_v.at[1]], add=True)
        load_dst_pair(e0 + 2 * CHP)
        pltpu.async_copy(x_hbm.at[sB1], rows1_v, sem1)
        pltpu.make_async_copy(x_hbm.at[sB0], rows0_v, sem0).wait()
        pltpu.sync_copy(rows0_v, acc.at[dst2_v.at[0]], add=True)
        pltpu.sync_copy(
            src_hbm.at[pl.ds(pl.multiple_of(e0 + 4 * CHP, 2 * CHP), 2 * CHP)],
            srcA_v)
        pltpu.async_copy(x_hbm.at[sA0], rows0_v, sem0)
        pltpu.make_async_copy(x_hbm.at[sB1], rows1_v, sem1).wait()
        pltpu.sync_copy(rows1_v, acc.at[dst2_v.at[1]], add=True)
        load_dst_pair(e0 + 4 * CHP)
        return carry

    lax.fori_loop(0, NPAIR // 2, body, 0)
    pltpu.make_async_copy(x_hbm.at[sA0], rows0_v, sem0).wait()
    plsc.subcore_barrier()

    wb0 = cid * ROWS + sid * RPT
    for j in range(NZB):
        r0 = pl.multiple_of(row0 + j * ZB, ZB)
        w0 = pl.multiple_of(wb0 + j * ZB, ZB)
        pltpu.sync_copy(acc.at[pl.ds(r0, ZB)], rows0_v.at[pl.ds(0, ZB)])
        pltpu.sync_copy(rows0_v.at[pl.ds(0, ZB)], s_out.at[pl.ds(w0, ZB)])


@functools.partial(
    pl.kernel,
    mesh=_sc_mesh,
    out_type=jax.ShapeDtypeStruct((NC * ROWS, DIM), jnp.float32),
    scratch_types=[
        pltpu.VMEM((DGRP, CHD), jnp.int32),
        pltpu.VMEM((CHD, DIM), jnp.float32),
        pltpu.VMEM_SHARED((ROWS, DIM), jnp.float32),
    ],
)
def _sc_degree(dst2_hbm, zrow_hbm, ones_hbm,
               d_out, dst2_v, blk_v, dacc):
    cid = lax.axis_index("c")
    sid = lax.axis_index("s")
    wid = cid * NS + sid

    pltpu.sync_copy(zrow_hbm, blk_v)
    row0 = pl.multiple_of(sid * RPT, RPT)
    for j in range(NZB):
        r0 = pl.multiple_of(row0 + j * ZB, ZB)
        pltpu.sync_copy(blk_v.at[pl.ds(0, ZB)], dacc.at[pl.ds(r0, ZB)])
    pltpu.sync_copy(ones_hbm, blk_v)
    plsc.subcore_barrier()

    gbase = wid * (EPTD // CHD)

    def body(g, carry):
        grow = pl.multiple_of(gbase + g * DGRP, DGRP)
        pltpu.sync_copy(dst2_hbm.at[pl.ds(grow, DGRP)], dst2_v)
        for j in range(DGRP):
            pltpu.sync_copy(blk_v, dacc.at[dst2_v.at[j]], add=True)
        return carry

    lax.fori_loop(0, EPTD // (CHD * DGRP), body, 0)
    plsc.subcore_barrier()

    wb0 = cid * ROWS + sid * RPT
    for j in range(NZB):
        r0 = pl.multiple_of(row0 + j * ZB, ZB)
        w0 = pl.multiple_of(wb0 + j * ZB, ZB)
        pltpu.sync_copy(dacc.at[pl.ds(r0, ZB)], blk_v.at[pl.ds(0, ZB)])
        pltpu.sync_copy(blk_v.at[pl.ds(0, ZB)], d_out.at[pl.ds(w0, ZB)])


_R = 1024


def _tc_body(s_ref, d_ref, w_ref, b_ref, o_ref):
    s = s_ref[0] + s_ref[1]
    deg = d_ref[0, :, 0] + d_ref[1, :, 0]
    inv = 1.0 / jnp.maximum(deg, 1.0)
    mm = lax.dot_general(
        s, w_ref[...], (((1,), (1,)), ((), ())),
        preferred_element_type=jnp.float32,
    )
    bias = jnp.where(deg > 0.0, 1.0, 0.0)[:, None] * b_ref[0][None, :]
    o_ref[...] = mm * inv[:, None] + bias


_tc_finalize = pl.pallas_call(
    _tc_body,
    grid=(ROWS // _R,),
    in_specs=[
        pl.BlockSpec((NC, _R, DIM), lambda i: (0, i, 0)),
        pl.BlockSpec((NC, _R, DIM), lambda i: (0, i, 0)),
        pl.BlockSpec((DIM, DIM), lambda i: (0, 0)),
        pl.BlockSpec((1, DIM), lambda i: (0, 0)),
    ],
    out_specs=pl.BlockSpec((_R, DIM), lambda i: (i, 0)),
    out_shape=jax.ShapeDtypeStruct((ROWS, DIM), jnp.float32),
)


def kernel(x, edge_index, W, b):
    src = edge_index[0]
    dst = edge_index[1]
    pad = E_ALLOC - N_EDGES
    pad_iota = jnp.arange(pad, dtype=jnp.int32)
    pad_src = pad_iota % N_NODES
    pad_dst = N_NODES + (pad_iota % (ROWS - N_NODES))
    src_p = jnp.concatenate([src, pad_src])
    dst_p = jnp.concatenate([dst, pad_dst])
    dst_2d = dst_p[:E_DEG].reshape(E_DEG // CHD, CHD)
    zrow = jnp.zeros((CHD, DIM), jnp.float32)
    ones = jnp.ones((CHD, DIM), jnp.float32)

    s_part = _sc_sums(x, src_p, dst_p, zrow)
    d_part = _sc_degree(dst_2d, zrow, ones)
    out = _tc_finalize(s_part.reshape(NC, ROWS, DIM),
                       d_part.reshape(NC, ROWS, DIM),
                       W, b.reshape(1, DIM))
    return out[:N_NODES]

# --- scband reference (transcript-rebuilt; emitter-appended) ---
"""Pipeline reference for scband-graph-conv-layer-29025388986628 (READ-ONLY COPY).

The authoritative reference and input builder live on the scoring server;
editing this copy changes nothing except your own understanding.
"""

import jax, jax.numpy as jnp
import numpy as np

N_NODES = 10000
N_EDGES = 320000
IN_DIM = 128
OUT_DIM = 128

def setup_inputs(seed: int = 0) -> dict:
    key = jax.random.key(seed)
    k1, k2, k3 = jax.random.split(key, 3)
    x = jax.random.normal(k1, (N_NODES, IN_DIM), dtype=jnp.float32)
    edge_index = jax.random.randint(k2, (2, N_EDGES), 0, N_NODES, dtype=jnp.int32)
    # Linear layer parameters (nn.Linear(in_dim, out_dim)): W [out, in], b [out]
    bound = 1.0 / np.sqrt(IN_DIM)
    W = jax.random.uniform(k3, (OUT_DIM, IN_DIM), dtype=jnp.float32, minval=-bound, maxval=bound)
    b = jnp.zeros((OUT_DIM,), dtype=jnp.float32)
    return {"x": x, "edge_index": edge_index, "W": W, "b": b}

def reference(x, edge_index, W, b):
    # x = self.linear(x)
    h = x @ W.T + b
    src = edge_index[0]
    dst = edge_index[1]
    num_nodes = h.shape[0]
    # degree via scatter-add of ones onto dst
    degree = jnp.zeros((num_nodes,), dtype=jnp.float32).at[dst].add(1.0)
    degree = jnp.clip(degree, 1.0, None)
    # gather messages from src nodes (edge_weight is None)
    messages = h[src]
    # scatter-add messages onto dst
    out = jnp.zeros_like(h).at[dst].add(messages)
    out = out / degree[:, None]
    return out

if __name__ == "__main__":
    import jax
    _d = setup_inputs()
    print(jax.jit(kernel)(*tuple(_d.values())))

</pallas_src>

<mosaic_0001>
#map = affine_map<(d0, d1) -> (0, 0)>
module attributes {stable_mosaic.version = 14 : i64} {
  func.func @_sc_degree(%arg0: i32, %arg1: i32, %arg2: memref<2560x128xi32, #tpu.memory_space<hbm>>, %arg3: memref<128x128xf32, #tpu.memory_space<hbm>>, %arg4: memref<128x128xf32, #tpu.memory_space<hbm>>, %arg5: memref<20480x128xf32, #tpu.memory_space<hbm>>, %arg6: memref<4x128xi32, #tpu.memory_space<vmem>>, %arg7: memref<128x128xf32, #tpu.memory_space<vmem>>, %arg8: memref<10240x128xf32, #tpu.memory_space<vmem_shared>>) attributes {dimension_semantics = [#tpu.dimension_semantics<core_parallel>, #tpu.dimension_semantics<subcore_parallel>], iteration_bounds = array<i64: 2, 16>, scalar_prefetch = 0 : i64, scratch_operands = 3 : i64, tpu.core_type = #tpu.core_type<sc_vector_subcore>, window_params = [{transform_indices = #map}, {transform_indices = #map}, {transform_indices = #map}, {transform_indices = #map}]} {
    %mul3A = arith.constant 16 : i32
    %mul3A_0 = arith.muli %arg0, %mul3A : i32
    %add3A = arith.addi %mul3A_0, %arg1 : i32
    "tpu.region"() ({
      %run_scoped3A = tpu.sem_alloc : memref<!tpu.dma_semaphore, #tpu.memory_space<semaphore_mem>>
      tpu.enqueue_dma source(%arg3 : memref<128x128xf32, #tpu.memory_space<hbm>>) target(%arg7 : memref<128x128xf32, #tpu.memory_space<vmem>>) target_semaphore(%run_scoped3A : memref<!tpu.dma_semaphore, #tpu.memory_space<semaphore_mem>>)
      tpu.wait_dma2 semaphore(%run_scoped3A : memref<!tpu.dma_semaphore, #tpu.memory_space<semaphore_mem>>) src(%arg3 : memref<128x128xf32, #tpu.memory_space<hbm>>) dst(%arg7 : memref<128x128xf32, #tpu.memory_space<vmem>>)
      tpu.yield
    }) : () -> ()
    %mul3A_1 = arith.constant 640 : i32
    %mul3A_2 = arith.muli %arg1, %mul3A_1 : i32
    %multiple_of3A = tpu.assume_multiple %mul3A_2, 640 : i32
    %add3A_3 = arith.constant 0 : i32
    %add3A_4 = arith.addi %multiple_of3A, %add3A_3 : i32
    %multiple_of3A_5 = tpu.assume_multiple %add3A_4, 80 : i32
    "tpu.region"() ({
      %run_scoped3A = tpu.sem_alloc : memref<!tpu.dma_semaphore, #tpu.memory_space<semaphore_mem>>
      %dma_start3A = arith.constant 0 : i32
      %dma_start3A_88 = arith.constant 0 : i32
      %dma_start3A_89 = tpu.memref_slice %arg7[%dma_start3A, %dma_start3A_88] : memref<128x128xf32, #tpu.memory_space<vmem>> -> memref<80x128xf32, #tpu.memory_space<vmem>>
      %dma_start3A_90 = arith.constant 0 : i32
      %dma_start3A_91 = tpu.memref_slice %arg8[%multiple_of3A_5, %dma_start3A_90] : memref<10240x128xf32, #tpu.memory_space<vmem_shared>> -> memref<80x128xf32, #tpu.memory_space<vmem_shared>>
      %dma_start3A_92 = arith.constant 0 : i32
      %dma_start3A_93 = tpu.memref_slice %arg8[%multiple_of3A_5, %dma_start3A_92] : memref<10240x128xf32, #tpu.memory_space<vmem_shared>> -> memref<80x128xf32, #tpu.memory_space<vmem_shared>>
      %dma_start3A_94 = arith.constant 0 : i32
      %dma_start3A_95 = arith.constant 0 : i32
      %dma_start3A_96 = tpu.memref_slice %arg7[%dma_start3A_94, %dma_start3A_95] : memref<128x128xf32, #tpu.memory_space<vmem>> -> memref<80x128xf32, #tpu.memory_space<vmem>>
      tpu.enqueue_dma source(%dma_start3A_96 : memref<80x128xf32, #tpu.memory_space<vmem>>) target(%dma_start3A_93 : memref<80x128xf32, #tpu.memory_space<vmem_shared>>) target_semaphore(%run_scoped3A : memref<!tpu.dma_semaphore, #tpu.memory_space<semaphore_mem>>)
      %dma_wait3A = arith.constant 0 : i32
      %dma_wait3A_97 = arith.constant 0 : i32
      %dma_wait3A_98 = tpu.memref_slice %arg7[%dma_wait3A, %dma_wait3A_97] : memref<128x128xf32, #tpu.memory_space<vmem>> -> memref<80x128xf32, #tpu.memory_space<vmem>>
      %dma_wait3A_99 = arith.constant 0 : i32
      %dma_wait3A_100 = tpu.memref_slice %arg8[%multiple_of3A_5, %dma_wait3A_99] : memref<10240x128xf32, #tpu.memory_space<vmem_shared>> -> memref<80x128xf32, #tpu.memory_space<vmem_shared>>
      %dma_wait3A_101 = arith.constant 0 : i32
      %dma_wait3A_102 = tpu.memref_slice %arg8[%multiple_of3A_5, %dma_wait3A_101] : memref<10240x128xf32, #tpu.memory_space<vmem_shared>> -> memref<80x128xf32, #tpu.memory_space<vmem_shared>>
      %dma_wait3A_103 = arith.constant 0 : i32
      %dma_wait3A_104 = arith.constant 0 : i32
      %dma_wait3A_105 = tpu.memref_slice %arg7[%dma_wait3A_103, %dma_wait3A_104] : memref<128x128xf32, #tpu.memory_space<vmem>> -> memref<80x128xf32, #tpu.memory_space<vmem>>
      tpu.wait_dma2 semaphore(%run_scoped3A : memref<!tpu.dma_semaphore, #tpu.memory_space<semaphore_mem>>) src(%dma_wait3A_105 : memref<80x128xf32, #tpu.memory_space<vmem>>) dst(%dma_wait3A_102 : memref<80x128xf32, #tpu.memory_space<vmem_shared>>)
      tpu.yield
    }) : () -> ()
    %add3A_6 = arith.constant 80 : i32
    %add3A_7 = arith.addi %multiple_of3A, %add3A_6 : i32
    %multiple_of3A_8 = tpu.assume_multiple %add3A_7, 80 : i32
    "tpu.region"() ({
      %run_scoped3A = tpu.sem_alloc : memref<!tpu.dma_semaphore, #tpu.memory_space<semaphore_mem>>
      %dma_start3A = arith.constant 0 : i32
      %dma_start3A_88 = arith.constant 0 : i32
      %dma_start3A_89 = tpu.memref_slice %arg7[%dma_start3A, %dma_start3A_88] : memref<128x128xf32, #tpu.memory_space<vmem>> -> memref<80x128xf32, #tpu.memory_space<vmem>>
      %dma_start3A_90 = arith.constant 0 : i32
      %dma_start3A_91 = tpu.memref_slice %arg8[%multiple_of3A_8, %dma_start3A_90] : memref<10240x128xf32, #tpu.memory_space<vmem_shared>> -> memref<80x128xf32, #tpu.memory_space<vmem_shared>>
      %dma_start3A_92 = arith.constant 0 : i32
      %dma_start3A_93 = tpu.memref_slice %arg8[%multiple_of3A_8, %dma_start3A_92] : memref<10240x128xf32, #tpu.memory_space<vmem_shared>> -> memref<80x128xf32, #tpu.memory_space<vmem_shared>>
      %dma_start3A_94 = arith.constant 0 : i32
      %dma_start3A_95 = arith.constant 0 : i32
      %dma_start3A_96 = tpu.memref_slice %arg7[%dma_start3A_94, %dma_start3A_95] : memref<128x128xf32, #tpu.memory_space<vmem>> -> memref<80x128xf32, #tpu.memory_space<vmem>>
      tpu.enqueue_dma source(%dma_start3A_96 : memref<80x128xf32, #tpu.memory_space<vmem>>) target(%dma_start3A_93 : memref<80x128xf32, #tpu.memory_space<vmem_shared>>) target_semaphore(%run_scoped3A : memref<!tpu.dma_semaphore, #tpu.memory_space<semaphore_mem>>)
      %dma_wait3A = arith.constant 0 : i32
      %dma_wait3A_97 = arith.constant 0 : i32
      %dma_wait3A_98 = tpu.memref_slice %arg7[%dma_wait3A, %dma_wait3A_97] : memref<128x128xf32, #tpu.memory_space<vmem>> -> memref<80x128xf32, #tpu.memory_space<vmem>>
      %dma_wait3A_99 = arith.constant 0 : i32
      %dma_wait3A_100 = tpu.memref_slice %arg8[%multiple_of3A_8, %dma_wait3A_99] : memref<10240x128xf32, #tpu.memory_space<vmem_shared>> -> memref<80x128xf32, #tpu.memory_space<vmem_shared>>
      %dma_wait3A_101 = arith.constant 0 : i32
      %dma_wait3A_102 = tpu.memref_slice %arg8[%multiple_of3A_8, %dma_wait3A_101] : memref<10240x128xf32, #tpu.memory_space<vmem_shared>> -> memref<80x128xf32, #tpu.memory_space<vmem_shared>>
      %dma_wait3A_103 = arith.constant 0 : i32
      %dma_wait3A_104 = arith.constant 0 : i32
      %dma_wait3A_105 = tpu.memref_slice %arg7[%dma_wait3A_103, %dma_wait3A_104] : memref<128x128xf32, #tpu.memory_space<vmem>> -> memref<80x128xf32, #tpu.memory_space<vmem>>
      tpu.wait_dma2 semaphore(%run_scoped3A : memref<!tpu.dma_semaphore, #tpu.memory_space<semaphore_mem>>) src(%dma_wait3A_105 : memref<80x128xf32, #tpu.memory_space<vmem>>) dst(%dma_wait3A_102 : memref<80x128xf32, #tpu.memory_space<vmem_shared>>)
      tpu.yield
    }) : () -> ()
    %add3A_9 = arith.constant 160 : i32
    %add3A_10 = arith.addi %multiple_of3A, %add3A_9 : i32
    %multiple_of3A_11 = tpu.assume_multiple %add3A_10, 80 : i32
    "tpu.region"() ({
      %run_scoped3A = tpu.sem_alloc : memref<!tpu.dma_semaphore, #tpu.memory_space<semaphore_mem>>
      %dma_start3A = arith.constant 0 : i32
      %dma_start3A_88 = arith.constant 0 : i32
      %dma_start3A_89 = tpu.memref_slice %arg7[%dma_start3A, %dma_start3A_88] : memref<128x128xf32, #tpu.memory_space<vmem>> -> memref<80x128xf32, #tpu.memory_space<vmem>>
      %dma_start3A_90 = arith.constant 0 : i32
      %dma_start3A_91 = tpu.memref_slice %arg8[%multiple_of3A_11, %dma_start3A_90] : memref<10240x128xf32, #tpu.memory_space<vmem_shared>> -> memref<80x128xf32, #tpu.memory_space<vmem_shared>>
      %dma_start3A_92 = arith.constant 0 : i32
      %dma_start3A_93 = tpu.memref_slice %arg8[%multiple_of3A_11, %dma_start3A_92] : memref<10240x128xf32, #tpu.memory_space<vmem_shared>> -> memref<80x128xf32, #tpu.memory_space<vmem_shared>>
      %dma_start3A_94 = arith.constant 0 : i32
      %dma_start3A_95 = arith.constant 0 : i32
      %dma_start3A_96 = tpu.memref_slice %arg7[%dma_start3A_94, %dma_start3A_95] : memref<128x128xf32, #tpu.memory_space<vmem>> -> memref<80x128xf32, #tpu.memory_space<vmem>>
      tpu.enqueue_dma source(%dma_start3A_96 : memref<80x128xf32, #tpu.memory_space<vmem>>) target(%dma_start3A_93 : memref<80x128xf32, #tpu.memory_space<vmem_shared>>) target_semaphore(%run_scoped3A : memref<!tpu.dma_semaphore, #tpu.memory_space<semaphore_mem>>)
      %dma_wait3A = arith.constant 0 : i32
      %dma_wait3A_97 = arith.constant 0 : i32
      %dma_wait3A_98 = tpu.memref_slice %arg7[%dma_wait3A, %dma_wait3A_97] : memref<128x128xf32, #tpu.memory_space<vmem>> -> memref<80x128xf32, #tpu.memory_space<vmem>>
      %dma_wait3A_99 = arith.constant 0 : i32
      %dma_wait3A_100 = tpu.memref_slice %arg8[%multiple_of3A_11, %dma_wait3A_99] : memref<10240x128xf32, #tpu.memory_space<vmem_shared>> -> memref<80x128xf32, #tpu.memory_space<vmem_shared>>
      %dma_wait3A_101 = arith.constant 0 : i32
      %dma_wait3A_102 = tpu.memref_slice %arg8[%multiple_of3A_11, %dma_wait3A_101] : memref<10240x128xf32, #tpu.memory_space<vmem_shared>> -> memref<80x128xf32, #tpu.memory_space<vmem_shared>>
      %dma_wait3A_103 = arith.constant 0 : i32
      %dma_wait3A_104 = arith.constant 0 : i32
      %dma_wait3A_105 = tpu.memref_slice %arg7[%dma_wait3A_103, %dma_wait3A_104] : memref<128x128xf32, #tpu.memory_space<vmem>> -> memref<80x128xf32, #tpu.memory_space<vmem>>
      tpu.wait_dma2 semaphore(%run_scoped3A : memref<!tpu.dma_semaphore, #tpu.memory_space<semaphore_mem>>) src(%dma_wait3A_105 : memref<80x128xf32, #tpu.memory_space<vmem>>) dst(%dma_wait3A_102 : memref<80x128xf32, #tpu.memory_space<vmem_shared>>)
      tpu.yield
    }) : () -> ()
    %add3A_12 = arith.constant 240 : i32
    %add3A_13 = arith.addi %multiple_of3A, %add3A_12 : i32
    %multiple_of3A_14 = tpu.assume_multiple %add3A_13, 80 : i32
    "tpu.region"() ({
      %run_scoped3A = tpu.sem_alloc : memref<!tpu.dma_semaphore, #tpu.memory_space<semaphore_mem>>
      %dma_start3A = arith.constant 0 : i32
      %dma_start3A_88 = arith.constant 0 : i32
      %dma_start3A_89 = tpu.memref_slice %arg7[%dma_start3A, %dma_start3A_88] : memref<128x128xf32, #tpu.memory_space<vmem>> -> memref<80x128xf32, #tpu.memory_space<vmem>>
      %dma_start3A_90 = arith.constant 0 : i32
      %dma_start3A_91 = tpu.memref_slice %arg8[%multiple_of3A_14, %dma_start3A_90] : memref<10240x128xf32, #tpu.memory_space<vmem_shared>> -> memref<80x128xf32, #tpu.memory_space<vmem_shared>>
      %dma_start3A_92 = arith.constant 0 : i32
      %dma_start3A_93 = tpu.memref_slice %arg8[%multiple_of3A_14, %dma_start3A_92] : memref<10240x128xf32, #tpu.memory_space<vmem_shared>> -> memref<80x128xf32, #tpu.memory_space<vmem_shared>>
      %dma_start3A_94 = arith.constant 0 : i32
      %dma_start3A_95 = arith.constant 0 : i32
      %dma_start3A_96 = tpu.memref_slice %arg7[%dma_start3A_94, %dma_start3A_95] : memref<128x128xf32, #tpu.memory_space<vmem>> -> memref<80x128xf32, #tpu.memory_space<vmem>>
      tpu.enqueue_dma source(%dma_start3A_96 : memref<80x128xf32, #tpu.memory_space<vmem>>) target(%dma_start3A_93 : memref<80x128xf32, #tpu.memory_space<vmem_shared>>) target_semaphore(%run_scoped3A : memref<!tpu.dma_semaphore, #tpu.memory_space<semaphore_mem>>)
      %dma_wait3A = arith.constant 0 : i32
      %dma_wait3A_97 = arith.constant 0 : i32
      %dma_wait3A_98 = tpu.memref_slice %arg7[%dma_wait3A, %dma_wait3A_97] : memref<128x128xf32, #tpu.memory_space<vmem>> -> memref<80x128xf32, #tpu.memory_space<vmem>>
      %dma_wait3A_99 = arith.constant 0 : i32
      %dma_wait3A_100 = tpu.memref_slice %arg8[%multiple_of3A_14, %dma_wait3A_99] : memref<10240x128xf32, #tpu.memory_space<vmem_shared>> -> memref<80x128xf32, #tpu.memory_space<vmem_shared>>
      %dma_wait3A_101 = arith.constant 0 : i32
      %dma_wait3A_102 = tpu.memref_slice %arg8[%multiple_of3A_14, %dma_wait3A_101] : memref<10240x128xf32, #tpu.memory_space<vmem_shared>> -> memref<80x128xf32, #tpu.memory_space<vmem_shared>>
      %dma_wait3A_103 = arith.constant 0 : i32
      %dma_wait3A_104 = arith.constant 0 : i32
      %dma_wait3A_105 = tpu.memref_slice %arg7[%dma_wait3A_103, %dma_wait3A_104] : memref<128x128xf32, #tpu.memory_space<vmem>> -> memref<80x128xf32, #tpu.memory_space<vmem>>
      tpu.wait_dma2 semaphore(%run_scoped3A : memref<!tpu.dma_semaphore, #tpu.memory_space<semaphore_mem>>) src(%dma_wait3A_105 : memref<80x128xf32, #tpu.memory_space<vmem>>) dst(%dma_wait3A_102 : memref<80x128xf32, #tpu.memory_space<vmem_shared>>)
      tpu.yield
    }) : () -> ()
    %add3A_15 = arith.constant 320 : i32
    %add3A_16 = arith.addi %multiple_of3A, %add3A_15 : i32
    %multiple_of3A_17 = tpu.assume_multiple %add3A_16, 80 : i32
    "tpu.region"() ({
      %run_scoped3A = tpu.sem_alloc : memref<!tpu.dma_semaphore, #tpu.memory_space<semaphore_mem>>
      %dma_start3A = arith.constant 0 : i32
      %dma_start3A_88 = arith.constant 0 : i32
      %dma_start3A_89 = tpu.memref_slice %arg7[%dma_start3A, %dma_start3A_88] : memref<128x128xf32, #tpu.memory_space<vmem>> -> memref<80x128xf32, #tpu.memory_space<vmem>>
      %dma_start3A_90 = arith.constant 0 : i32
      %dma_start3A_91 = tpu.memref_slice %arg8[%multiple_of3A_17, %dma_start3A_90] : memref<10240x128xf32, #tpu.memory_space<vmem_shared>> -> memref<80x128xf32, #tpu.memory_space<vmem_shared>>
      %dma_start3A_92 = arith.constant 0 : i32
      %dma_start3A_93 = tpu.memref_slice %arg8[%multiple_of3A_17, %dma_start3A_92] : memref<10240x128xf32, #tpu.memory_space<vmem_shared>> -> memref<80x128xf32, #tpu.memory_space<vmem_shared>>
      %dma_start3A_94 = arith.constant 0 : i32
      %dma_start3A_95 = arith.constant 0 : i32
      %dma_start3A_96 = tpu.memref_slice %arg7[%dma_start3A_94, %dma_start3A_95] : memref<128x128xf32, #tpu.memory_space<vmem>> -> memref<80x128xf32, #tpu.memory_space<vmem>>
      tpu.enqueue_dma source(%dma_start3A_96 : memref<80x128xf32, #tpu.memory_space<vmem>>) target(%dma_start3A_93 : memref<80x128xf32, #tpu.memory_space<vmem_shared>>) target_semaphore(%run_scoped3A : memref<!tpu.dma_semaphore, #tpu.memory_space<semaphore_mem>>)
      %dma_wait3A = arith.constant 0 : i32
      %dma_wait3A_97 = arith.constant 0 : i32
      %dma_wait3A_98 = tpu.memref_slice %arg7[%dma_wait3A, %dma_wait3A_97] : memref<128x128xf32, #tpu.memory_space<vmem>> -> memref<80x128xf32, #tpu.memory_space<vmem>>
      %dma_wait3A_99 = arith.constant 0 : i32
      %dma_wait3A_100 = tpu.memref_slice %arg8[%multiple_of3A_17, %dma_wait3A_99] : memref<10240x128xf32, #tpu.memory_space<vmem_shared>> -> memref<80x128xf32, #tpu.memory_space<vmem_shared>>
      %dma_wait3A_101 = arith.constant 0 : i32
      %dma_wait3A_102 = tpu.memref_slice %arg8[%multiple_of3A_17, %dma_wait3A_101] : memref<10240x128xf32, #tpu.memory_space<vmem_shared>> -> memref<80x128xf32, #tpu.memory_space<vmem_shared>>
      %dma_wait3A_103 = arith.constant 0 : i32
      %dma_wait3A_104 = arith.constant 0 : i32
      %dma_wait3A_105 = tpu.memref_slice %arg7[%dma_wait3A_103, %dma_wait3A_104] : memref<128x128xf32, #tpu.memory_space<vmem>> -> memref<80x128xf32, #tpu.memory_space<vmem>>
      tpu.wait_dma2 semaphore(%run_scoped3A : memref<!tpu.dma_semaphore, #tpu.memory_space<semaphore_mem>>) src(%dma_wait3A_105 : memref<80x128xf32, #tpu.memory_space<vmem>>) dst(%dma_wait3A_102 : memref<80x128xf32, #tpu.memory_space<vmem_shared>>)
      tpu.yield
    }) : () -> ()
    %add3A_18 = arith.constant 400 : i32
    %add3A_19 = arith.addi %multiple_of3A, %add3A_18 : i32
    %multiple_of3A_20 = tpu.assume_multiple %add3A_19, 80 : i32
    "tpu.region"() ({
      %run_scoped3A = tpu.sem_alloc : memref<!tpu.dma_semaphore, #tpu.memory_space<semaphore_mem>>
      %dma_start3A = arith.constant 0 : i32
      %dma_start3A_88 = arith.constant 0 : i32
      %dma_start3A_89 = tpu.memref_slice %arg7[%dma_start3A, %dma_start3A_88] : memref<128x128xf32, #tpu.memory_space<vmem>> -> memref<80x128xf32, #tpu.memory_space<vmem>>
      %dma_start3A_90 = arith.constant 0 : i32
      %dma_start3A_91 = tpu.memref_slice %arg8[%multiple_of3A_20, %dma_start3A_90] : memref<10240x128xf32, #tpu.memory_space<vmem_shared>> -> memref<80x128xf32, #tpu.memory_space<vmem_shared>>
      %dma_start3A_92 = arith.constant 0 : i32
      %dma_start3A_93 = tpu.memref_slice %arg8[%multiple_of3A_20, %dma_start3A_92] : memref<10240x128xf32, #tpu.memory_space<vmem_shared>> -> memref<80x128xf32, #tpu.memory_space<vmem_shared>>
      %dma_start3A_94 = arith.constant 0 : i32
      %dma_start3A_95 = arith.constant 0 : i32
      %dma_start3A_96 = tpu.memref_slice %arg7[%dma_start3A_94, %dma_start3A_95] : memref<128x128xf32, #tpu.memory_space<vmem>> -> memref<80x128xf32, #tpu.memory_space<vmem>>
      tpu.enqueue_dma source(%dma_start3A_96 : memref<80x128xf32, #tpu.memory_space<vmem>>) target(%dma_start3A_93 : memref<80x128xf32, #tpu.memory_space<vmem_shared>>) target_semaphore(%run_scoped3A : memref<!tpu.dma_semaphore, #tpu.memory_space<semaphore_mem>>)
      %dma_wait3A = arith.constant 0 : i32
      %dma_wait3A_97 = arith.constant 0 : i32
      %dma_wait3A_98 = tpu.memref_slice %arg7[%dma_wait3A, %dma_wait3A_97] : memref<128x128xf32, #tpu.memory_space<vmem>> -> memref<80x128xf32, #tpu.memory_space<vmem>>
      %dma_wait3A_99 = arith.constant 0 : i32
      %dma_wait3A_100 = tpu.memref_slice %arg8[%multiple_of3A_20, %dma_wait3A_99] : memref<10240x128xf32, #tpu.memory_space<vmem_shared>> -> memref<80x128xf32, #tpu.memory_space<vmem_shared>>
      %dma_wait3A_101 = arith.constant 0 : i32
      %dma_wait3A_102 = tpu.memref_slice %arg8[%multiple_of3A_20, %dma_wait3A_101] : memref<10240x128xf32, #tpu.memory_space<vmem_shared>> -> memref<80x128xf32, #tpu.memory_space<vmem_shared>>
      %dma_wait3A_103 = arith.constant 0 : i32
      %dma_wait3A_104 = arith.constant 0 : i32
      %dma_wait3A_105 = tpu.memref_slice %arg7[%dma_wait3A_103, %dma_wait3A_104] : memref<128x128xf32, #tpu.memory_space<vmem>> -> memref<80x128xf32, #tpu.memory_space<vmem>>
      tpu.wait_dma2 semaphore(%run_scoped3A : memref<!tpu.dma_semaphore, #tpu.memory_space<semaphore_mem>>) src(%dma_wait3A_105 : memref<80x128xf32, #tpu.memory_space<vmem>>) dst(%dma_wait3A_102 : memref<80x128xf32, #tpu.memory_space<vmem_shared>>)
      tpu.yield
    }) : () -> ()
    %add3A_21 = arith.constant 480 : i32
    %add3A_22 = arith.addi %multiple_of3A, %add3A_21 : i32
    %multiple_of3A_23 = tpu.assume_multiple %add3A_22, 80 : i32
    "tpu.region"() ({
      %run_scoped3A = tpu.sem_alloc : memref<!tpu.dma_semaphore, #tpu.memory_space<semaphore_mem>>
      %dma_start3A = arith.constant 0 : i32
      %dma_start3A_88 = arith.constant 0 : i32
      %dma_start3A_89 = tpu.memref_slice %arg7[%dma_start3A, %dma_start3A_88] : memref<128x128xf32, #tpu.memory_space<vmem>> -> memref<80x128xf32, #tpu.memory_space<vmem>>
      %dma_start3A_90 = arith.constant 0 : i32
      %dma_start3A_91 = tpu.memref_slice %arg8[%multiple_of3A_23, %dma_start3A_90] : memref<10240x128xf32, #tpu.memory_space<vmem_shared>> -> memref<80x128xf32, #tpu.memory_space<vmem_shared>>
      %dma_start3A_92 = arith.constant 0 : i32
      %dma_start3A_93 = tpu.memref_slice %arg8[%multiple_of3A_23, %dma_start3A_92] : memref<10240x128xf32, #tpu.memory_space<vmem_shared>> -> memref<80x128xf32, #tpu.memory_space<vmem_shared>>
      %dma_start3A_94 = arith.constant 0 : i32
      %dma_start3A_95 = arith.constant 0 : i32
      %dma_start3A_96 = tpu.memref_slice %arg7[%dma_start3A_94, %dma_start3A_95] : memref<128x128xf32, #tpu.memory_space<vmem>> -> memref<80x128xf32, #tpu.memory_space<vmem>>
      tpu.enqueue_dma source(%dma_start3A_96 : memref<80x128xf32, #tpu.memory_space<vmem>>) target(%dma_start3A_93 : memref<80x128xf32, #tpu.memory_space<vmem_shared>>) target_semaphore(%run_scoped3A : memref<!tpu.dma_semaphore, #tpu.memory_space<semaphore_mem>>)
      %dma_wait3A = arith.constant 0 : i32
      %dma_wait3A_97 = arith.constant 0 : i32
      %dma_wait3A_98 = tpu.memref_slice %arg7[%dma_wait3A, %dma_wait3A_97] : memref<128x128xf32, #tpu.memory_space<vmem>> -> memref<80x128xf32, #tpu.memory_space<vmem>>
      %dma_wait3A_99 = arith.constant 0 : i32
      %dma_wait3A_100 = tpu.memref_slice %arg8[%multiple_of3A_23, %dma_wait3A_99] : memref<10240x128xf32, #tpu.memory_space<vmem_shared>> -> memref<80x128xf32, #tpu.memory_space<vmem_shared>>
      %dma_wait3A_101 = arith.constant 0 : i32
      %dma_wait3A_102 = tpu.memref_slice %arg8[%multiple_of3A_23, %dma_wait3A_101] : memref<10240x128xf32, #tpu.memory_space<vmem_shared>> -> memref<80x128xf32, #tpu.memory_space<vmem_shared>>
      %dma_wait3A_103 = arith.constant 0 : i32
      %dma_wait3A_104 = arith.constant 0 : i32
      %dma_wait3A_105 = tpu.memref_slice %arg7[%dma_wait3A_103, %dma_wait3A_104] : memref<128x128xf32, #tpu.memory_space<vmem>> -> memref<80x128xf32, #tpu.memory_space<vmem>>
      tpu.wait_dma2 semaphore(%run_scoped3A : memref<!tpu.dma_semaphore, #tpu.memory_space<semaphore_mem>>) src(%dma_wait3A_105 : memref<80x128xf32, #tpu.memory_space<vmem>>) dst(%dma_wait3A_102 : memref<80x128xf32, #tpu.memory_space<vmem_shared>>)
      tpu.yield
    }) : () -> ()
    %add3A_24 = arith.constant 560 : i32
    %add3A_25 = arith.addi %multiple_of3A, %add3A_24 : i32
    %multiple_of3A_26 = tpu.assume_multiple %add3A_25, 80 : i32
    "tpu.region"() ({
      %run_scoped3A = tpu.sem_alloc : memref<!tpu.dma_semaphore, #tpu.memory_space<semaphore_mem>>
      %dma_start3A = arith.constant 0 : i32
      %dma_start3A_88 = arith.constant 0 : i32
      %dma_start3A_89 = tpu.memref_slice %arg7[%dma_start3A, %dma_start3A_88] : memref<128x128xf32, #tpu.memory_space<vmem>> -> memref<80x128xf32, #tpu.memory_space<vmem>>
      %dma_start3A_90 = arith.constant 0 : i32
      %dma_start3A_91 = tpu.memref_slice %arg8[%multiple_of3A_26, %dma_start3A_90] : memref<10240x128xf32, #tpu.memory_space<vmem_shared>> -> memref<80x128xf32, #tpu.memory_space<vmem_shared>>
      %dma_start3A_92 = arith.constant 0 : i32
      %dma_start3A_93 = tpu.memref_slice %arg8[%multiple_of3A_26, %dma_start3A_92] : memref<10240x128xf32, #tpu.memory_space<vmem_shared>> -> memref<80x128xf32, #tpu.memory_space<vmem_shared>>
      %dma_start3A_94 = arith.constant 0 : i32
      %dma_start3A_95 = arith.constant 0 : i32
      %dma_start3A_96 = tpu.memref_slice %arg7[%dma_start3A_94, %dma_start3A_95] : memref<128x128xf32, #tpu.memory_space<vmem>> -> memref<80x128xf32, #tpu.memory_space<vmem>>
      tpu.enqueue_dma source(%dma_start3A_96 : memref<80x128xf32, #tpu.memory_space<vmem>>) target(%dma_start3A_93 : memref<80x128xf32, #tpu.memory_space<vmem_shared>>) target_semaphore(%run_scoped3A : memref<!tpu.dma_semaphore, #tpu.memory_space<semaphore_mem>>)
      %dma_wait3A = arith.constant 0 : i32
      %dma_wait3A_97 = arith.constant 0 : i32
      %dma_wait3A_98 = tpu.memref_slice %arg7[%dma_wait3A, %dma_wait3A_97] : memref<128x128xf32, #tpu.memory_space<vmem>> -> memref<80x128xf32, #tpu.memory_space<vmem>>
      %dma_wait3A_99 = arith.constant 0 : i32
      %dma_wait3A_100 = tpu.memref_slice %arg8[%multiple_of3A_26, %dma_wait3A_99] : memref<10240x128xf32, #tpu.memory_space<vmem_shared>> -> memref<80x128xf32, #tpu.memory_space<vmem_shared>>
      %dma_wait3A_101 = arith.constant 0 : i32
      %dma_wait3A_102 = tpu.memref_slice %arg8[%multiple_of3A_26, %dma_wait3A_101] : memref<10240x128xf32, #tpu.memory_space<vmem_shared>> -> memref<80x128xf32, #tpu.memory_space<vmem_shared>>
      %dma_wait3A_103 = arith.constant 0 : i32
      %dma_wait3A_104 = arith.constant 0 : i32
      %dma_wait3A_105 = tpu.memref_slice %arg7[%dma_wait3A_103, %dma_wait3A_104] : memref<128x128xf32, #tpu.memory_space<vmem>> -> memref<80x128xf32, #tpu.memory_space<vmem>>
      tpu.wait_dma2 semaphore(%run_scoped3A : memref<!tpu.dma_semaphore, #tpu.memory_space<semaphore_mem>>) src(%dma_wait3A_105 : memref<80x128xf32, #tpu.memory_space<vmem>>) dst(%dma_wait3A_102 : memref<80x128xf32, #tpu.memory_space<vmem_shared>>)
      tpu.yield
    }) : () -> ()
    "tpu.region"() ({
      %run_scoped3A = tpu.sem_alloc : memref<!tpu.dma_semaphore, #tpu.memory_space<semaphore_mem>>
      tpu.enqueue_dma source(%arg4 : memref<128x128xf32, #tpu.memory_space<hbm>>) target(%arg7 : memref<128x128xf32, #tpu.memory_space<vmem>>) target_semaphore(%run_scoped3A : memref<!tpu.dma_semaphore, #tpu.memory_space<semaphore_mem>>)
      tpu.wait_dma2 semaphore(%run_scoped3A : memref<!tpu.dma_semaphore, #tpu.memory_space<semaphore_mem>>) src(%arg4 : memref<128x128xf32, #tpu.memory_space<hbm>>) dst(%arg7 : memref<128x128xf32, #tpu.memory_space<vmem>>)
      tpu.yield
    }) : () -> ()
    %barrier3A = arith.constant 0 : index
    tpu.barrier barrier_id(%barrier3A)
    %mul3A_27 = arith.constant 80 : i32
    %mul3A_28 = arith.muli %add3A, %mul3A_27 : i32
    %scan3A = arith.constant 0 : i32
    %scan3A_29 = arith.constant 0 : i32
    %scan3A_30 = arith.constant 20 : i32
    %scan3A_31 = arith.addi %scan3A_29, %scan3A_30 : i32
    %scan3A_32 = arith.constant 1 : i32
    scf.for %scan3A_88 = %scan3A_29 to %scan3A_31 step %scan3A_32  : i32 {
      %mul3A_89 = arith.constant 4 : i32
      %mul3A_90 = arith.muli %scan3A_88, %mul3A_89 : i32
      %add3A_91 = arith.addi %mul3A_28, %mul3A_90 : i32
      %multiple_of3A_92 = tpu.assume_multiple %add3A_91, 4 : i32
      "tpu.region"() ({
        %run_scoped3A_96 = tpu.sem_alloc : memref<!tpu.dma_semaphore, #tpu.memory_space<semaphore_mem>>
        %dma_start3A = arith.constant 0 : i32
        %dma_start3A_97 = tpu.memref_slice %arg2[%multiple_of3A_92, %dma_start3A] : memref<2560x128xi32, #tpu.memory_space<hbm>> -> memref<4x128xi32, #tpu.memory_space<hbm>>
        %dma_start3A_98 = arith.constant 0 : i32
        %dma_start3A_99 = tpu.memref_slice %arg2[%multiple_of3A_92, %dma_start3A_98] : memref<2560x128xi32, #tpu.memory_space<hbm>> -> memref<4x128xi32, #tpu.memory_space<hbm>>
        tpu.enqueue_dma source(%dma_start3A_99 : memref<4x128xi32, #tpu.memory_space<hbm>>) target(%arg6 : memref<4x128xi32, #tpu.memory_space<vmem>>) target_semaphore(%run_scoped3A_96 : memref<!tpu.dma_semaphore, #tpu.memory_space<semaphore_mem>>)
        %dma_wait3A = arith.constant 0 : i32
        %dma_wait3A_100 = tpu.memref_slice %arg2[%multiple_of3A_92, %dma_wait3A] : memref<2560x128xi32, #tpu.memory_space<hbm>> -> memref<4x128xi32, #tpu.memory_space<hbm>>
        %dma_wait3A_101 = arith.constant 0 : i32
        %dma_wait3A_102 = tpu.memref_slice %arg2[%multiple_of3A_92, %dma_wait3A_101] : memref<2560x128xi32, #tpu.memory_space<hbm>> -> memref<4x128xi32, #tpu.memory_space<hbm>>
        tpu.wait_dma2 semaphore(%run_scoped3A_96 : memref<!tpu.dma_semaphore, #tpu.memory_space<semaphore_mem>>) src(%dma_wait3A_102 : memref<4x128xi32, #tpu.memory_space<hbm>>) dst(%arg6 : memref<4x128xi32, #tpu.memory_space<vmem>>)
        tpu.yield
      }) : () -> ()
      %run_scoped3A = arith.constant 0 : i32
      "tpu.region"() ({
        %run_scoped3A_96 = tpu.sem_alloc : memref<!tpu.dma_semaphore, #tpu.memory_space<semaphore_mem>>
        %dma_start3A = arith.constant 0 : i32
        %dma_start3A_97 = tpu.memref_slice %arg6[%run_scoped3A, %dma_start3A] : memref<4x128xi32, #tpu.memory_space<vmem>> -> memref<1x128xi32, #tpu.memory_space<vmem>>
        %dma_start3A_98 = tpu.memref_squeeze %dma_start3A_97 : memref<1x128xi32, #tpu.memory_space<vmem>> -> memref<128xi32, #tpu.memory_space<vmem>>
        %dma_start3A_99 = arith.constant 0 : i32
        %dma_start3A_100 = arith.constant 0 : i32
        %dma_start3A_101 = tpu.memref_slice %arg8[%dma_start3A_99, %dma_start3A_100] : memref<10240x128xf32, #tpu.memory_space<vmem_shared>> -> memref<10240x128xf32, #tpu.memory_space<vmem_shared>>
        tpu.enqueue_indirect_dma source(%arg7 : memref<128x128xf32, #tpu.memory_space<vmem>>) target(%dma_start3A_101 : memref<10240x128xf32, #tpu.memory_space<vmem_shared>>) offsets(%dma_start3A_98 : memref<128xi32, #tpu.memory_space<vmem>>) semaphore(%run_scoped3A_96 : memref<!tpu.dma_semaphore, #tpu.memory_space<semaphore_mem>>) {add = true}
        %dma_wait3A = arith.constant 0 : i32
        %dma_wait3A_102 = tpu.memref_slice %arg6[%run_scoped3A, %dma_wait3A] : memref<4x128xi32, #tpu.memory_space<vmem>> -> memref<1x128xi32, #tpu.memory_space<vmem>>
        %dma_wait3A_103 = tpu.memref_squeeze %dma_wait3A_102 : memref<1x128xi32, #tpu.memory_space<vmem>> -> memref<128xi32, #tpu.memory_space<vmem>>
        %dma_wait3A_104 = arith.constant 0 : i32
        %dma_wait3A_105 = arith.constant 0 : i32
        %dma_wait3A_106 = tpu.memref_slice %arg8[%dma_wait3A_104, %dma_wait3A_105] : memref<10240x128xf32, #tpu.memory_space<vmem_shared>> -> memref<10240x128xf32, #tpu.memory_space<vmem_shared>>
        tpu.wait_indirect_dma semaphore(%run_scoped3A_96 : memref<!tpu.dma_semaphore, #tpu.memory_space<semaphore_mem>>) src(%arg7 : memref<128x128xf32, #tpu.memory_space<vmem>>) dst(%dma_wait3A_106 : memref<10240x128xf32, #tpu.memory_space<vmem_shared>>)
        tpu.yield
      }) : () -> ()
      %run_scoped3A_93 = arith.constant 1 : i32
      "tpu.region"() ({
        %run_scoped3A_96 = tpu.sem_alloc : memref<!tpu.dma_semaphore, #tpu.memory_space<semaphore_mem>>
        %dma_start3A = arith.constant 0 : i32
        %dma_start3A_97 = tpu.memref_slice %arg6[%run_scoped3A_93, %dma_start3A] : memref<4x128xi32, #tpu.memory_space<vmem>> -> memref<1x128xi32, #tpu.memory_space<vmem>>
        %dma_start3A_98 = tpu.memref_squeeze %dma_start3A_97 : memref<1x128xi32, #tpu.memory_space<vmem>> -> memref<128xi32, #tpu.memory_space<vmem>>
        %dma_start3A_99 = arith.constant 0 : i32
        %dma_start3A_100 = arith.constant 0 : i32
        %dma_start3A_101 = tpu.memref_slice %arg8[%dma_start3A_99, %dma_start3A_100] : memref<10240x128xf32, #tpu.memory_space<vmem_shared>> -> memref<10240x128xf32, #tpu.memory_space<vmem_shared>>
        tpu.enqueue_indirect_dma source(%arg7 : memref<128x128xf32, #tpu.memory_space<vmem>>) target(%dma_start3A_101 : memref<10240x128xf32, #tpu.memory_space<vmem_shared>>) offsets(%dma_start3A_98 : memref<128xi32, #tpu.memory_space<vmem>>) semaphore(%run_scoped3A_96 : memref<!tpu.dma_semaphore, #tpu.memory_space<semaphore_mem>>) {add = true}
        %dma_wait3A = arith.constant 0 : i32
        %dma_wait3A_102 = tpu.memref_slice %arg6[%run_scoped3A_93, %dma_wait3A] : memref<4x128xi32, #tpu.memory_space<vmem>> -> memref<1x128xi32, #tpu.memory_space<vmem>>
        %dma_wait3A_103 = tpu.memref_squeeze %dma_wait3A_102 : memref<1x128xi32, #tpu.memory_space<vmem>> -> memref<128xi32, #tpu.memory_space<vmem>>
        %dma_wait3A_104 = arith.constant 0 : i32
        %dma_wait3A_105 = arith.constant 0 : i32
        %dma_wait3A_106 = tpu.memref_slice %arg8[%dma_wait3A_104, %dma_wait3A_105] : memref<10240x128xf32, #tpu.memory_space<vmem_shared>> -> memref<10240x128xf32, #tpu.memory_space<vmem_shared>>
        tpu.wait_indirect_dma semaphore(%run_scoped3A_96 : memref<!tpu.dma_semaphore, #tpu.memory_space<semaphore_mem>>) src(%arg7 : memref<128x128xf32, #tpu.memory_space<vmem>>) dst(%dma_wait3A_106 : memref<10240x128xf32, #tpu.memory_space<vmem_shared>>)
        tpu.yield
      }) : () -> ()
      %run_scoped3A_94 = arith.constant 2 : i32
      "tpu.region"() ({
        %run_scoped3A_96 = tpu.sem_alloc : memref<!tpu.dma_semaphore, #tpu.memory_space<semaphore_mem>>
        %dma_start3A = arith.constant 0 : i32
        %dma_start3A_97 = tpu.memref_slice %arg6[%run_scoped3A_94, %dma_start3A] : memref<4x128xi32, #tpu.memory_space<vmem>> -> memref<1x128xi32, #tpu.memory_space<vmem>>
        %dma_start3A_98 = tpu.memref_squeeze %dma_start3A_97 : memref<1x128xi32, #tpu.memory_space<vmem>> -> memref<128xi32, #tpu.memory_space<vmem>>
        %dma_start3A_99 = arith.constant 0 : i32
        %dma_start3A_100 = arith.constant 0 : i32
        %dma_start3A_101 = tpu.memref_slice %arg8[%dma_start3A_99, %dma_start3A_100] : memref<10240x128xf32, #tpu.memory_space<vmem_shared>> -> memref<10240x128xf32, #tpu.memory_space<vmem_shared>>
        tpu.enqueue_indirect_dma source(%arg7 : memref<128x128xf32, #tpu.memory_space<vmem>>) target(%dma_start3A_101 : memref<10240x128xf32, #tpu.memory_space<vmem_shared>>) offsets(%dma_start3A_98 : memref<128xi32, #tpu.memory_space<vmem>>) semaphore(%run_scoped3A_96 : memref<!tpu.dma_semaphore, #tpu.memory_space<semaphore_mem>>) {add = true}
        %dma_wait3A = arith.constant 0 : i32
        %dma_wait3A_102 = tpu.memref_slice %arg6[%run_scoped3A_94, %dma_wait3A] : memref<4x128xi32, #tpu.memory_space<vmem>> -> memref<1x128xi32, #tpu.memory_space<vmem>>
        %dma_wait3A_103 = tpu.memref_squeeze %dma_wait3A_102 : memref<1x128xi32, #tpu.memory_space<vmem>> -> memref<128xi32, #tpu.memory_space<vmem>>
        %dma_wait3A_104 = arith.constant 0 : i32
        %dma_wait3A_105 = arith.constant 0 : i32
        %dma_wait3A_106 = tpu.memref_slice %arg8[%dma_wait3A_104, %dma_wait3A_105] : memref<10240x128xf32, #tpu.memory_space<vmem_shared>> -> memref<10240x128xf32, #tpu.memory_space<vmem_shared>>
        tpu.wait_indirect_dma semaphore(%run_scoped3A_96 : memref<!tpu.dma_semaphore, #tpu.memory_space<semaphore_mem>>) src(%arg7 : memref<128x128xf32, #tpu.memory_space<vmem>>) dst(%dma_wait3A_106 : memref<10240x128xf32, #tpu.memory_space<vmem_shared>>)
        tpu.yield
      }) : () -> ()
      %run_scoped3A_95 = arith.constant 3 : i32
      "tpu.region"() ({
        %run_scoped3A_96 = tpu.sem_alloc : memref<!tpu.dma_semaphore, #tpu.memory_space<semaphore_mem>>
        %dma_start3A = arith.constant 0 : i32
        %dma_start3A_97 = tpu.memref_slice %arg6[%run_scoped3A_95, %dma_start3A] : memref<4x128xi32, #tpu.memory_space<vmem>> -> memref<1x128xi32, #tpu.memory_space<vmem>>
        %dma_start3A_98 = tpu.memref_squeeze %dma_start3A_97 : memref<1x128xi32, #tpu.memory_space<vmem>> -> memref<128xi32, #tpu.memory_space<vmem>>
        %dma_start3A_99 = arith.constant 0 : i32
        %dma_start3A_100 = arith.constant 0 : i32
        %dma_start3A_101 = tpu.memref_slice %arg8[%dma_start3A_99, %dma_start3A_100] : memref<10240x128xf32, #tpu.memory_space<vmem_shared>> -> memref<10240x128xf32, #tpu.memory_space<vmem_shared>>
        tpu.enqueue_indirect_dma source(%arg7 : memref<128x128xf32, #tpu.memory_space<vmem>>) target(%dma_start3A_101 : memref<10240x128xf32, #tpu.memory_space<vmem_shared>>) offsets(%dma_start3A_98 : memref<128xi32, #tpu.memory_space<vmem>>) semaphore(%run_scoped3A_96 : memref<!tpu.dma_semaphore, #tpu.memory_space<semaphore_mem>>) {add = true}
        %dma_wait3A = arith.constant 0 : i32
        %dma_wait3A_102 = tpu.memref_slice %arg6[%run_scoped3A_95, %dma_wait3A] : memref<4x128xi32, #tpu.memory_space<vmem>> -> memref<1x128xi32, #tpu.memory_space<vmem>>
        %dma_wait3A_103 = tpu.memref_squeeze %dma_wait3A_102 : memref<1x128xi32, #tpu.memory_space<vmem>> -> memref<128xi32, #tpu.memory_space<vmem>>
        %dma_wait3A_104 = arith.constant 0 : i32
        %dma_wait3A_105 = arith.constant 0 : i32
        %dma_wait3A_106 = tpu.memref_slice %arg8[%dma_wait3A_104, %dma_wait3A_105] : memref<10240x128xf32, #tpu.memory_space<vmem_shared>> -> memref<10240x128xf32, #tpu.memory_space<vmem_shared>>
        tpu.wait_indirect_dma semaphore(%run_scoped3A_96 : memref<!tpu.dma_semaphore, #tpu.memory_space<semaphore_mem>>) src(%arg7 : memref<128x128xf32, #tpu.memory_space<vmem>>) dst(%dma_wait3A_106 : memref<10240x128xf32, #tpu.memory_space<vmem_shared>>)
        tpu.yield
      }) : () -> ()
    }
    %scan3A_33 = arith.constant 20 : i32
    %barrier3A_34 = arith.constant 0 : index
    tpu.barrier barrier_id(%barrier3A_34)
    %mul3A_35 = arith.constant 10240 : i32
    %mul3A_36 = arith.muli %arg0, %mul3A_35 : i32
    %mul3A_37 = arith.constant 640 : i32
    %mul3A_38 = arith.muli %arg1, %mul3A_37 : i32
    %add3A_39 = arith.addi %mul3A_36, %mul3A_38 : i32
    %add3A_40 = arith.constant 0 : i32
    %add3A_41 = arith.addi %multiple_of3A, %add3A_40 : i32
    %multiple_of3A_42 = tpu.assume_multiple %add3A_41, 80 : i32
    %add3A_43 = arith.constant 0 : i32
    %add3A_44 = arith.addi %add3A_39, %add3A_43 : i32
    %multiple_of3A_45 = tpu.assume_multiple %add3A_44, 80 : i32
    "tpu.region"() ({
      %run_scoped3A = tpu.sem_alloc : memref<!tpu.dma_semaphore, #tpu.memory_space<semaphore_mem>>
      %dma_start3A = arith.constant 0 : i32
      %dma_start3A_88 = arith.constant 0 : i32
      %dma_start3A_89 = tpu.memref_slice %arg7[%dma_start3A, %dma_start3A_88] : memref<128x128xf32, #tpu.memory_space<vmem>> -> memref<80x128xf32, #tpu.memory_space<vmem>>
      %dma_start3A_90 = arith.constant 0 : i32
      %dma_start3A_91 = tpu.memref_slice %arg8[%multiple_of3A_42, %dma_start3A_90] : memref<10240x128xf32, #tpu.memory_space<vmem_shared>> -> memref<80x128xf32, #tpu.memory_space<vmem_shared>>
      %dma_start3A_92 = arith.constant 0 : i32
      %dma_start3A_93 = arith.constant 0 : i32
      %dma_start3A_94 = tpu.memref_slice %arg7[%dma_start3A_92, %dma_start3A_93] : memref<128x128xf32, #tpu.memory_space<vmem>> -> memref<80x128xf32, #tpu.memory_space<vmem>>
      %dma_start3A_95 = arith.constant 0 : i32
      %dma_start3A_96 = tpu.memref_slice %arg8[%multiple_of3A_42, %dma_start3A_95] : memref<10240x128xf32, #tpu.memory_space<vmem_shared>> -> memref<80x128xf32, #tpu.memory_space<vmem_shared>>
      tpu.enqueue_dma source(%dma_start3A_96 : memref<80x128xf32, #tpu.memory_space<vmem_shared>>) target(%dma_start3A_94 : memref<80x128xf32, #tpu.memory_space<vmem>>) target_semaphore(%run_scoped3A : memref<!tpu.dma_semaphore, #tpu.memory_space<semaphore_mem>>)
      %dma_wait3A = arith.constant 0 : i32
      %dma_wait3A_97 = arith.constant 0 : i32
      %dma_wait3A_98 = tpu.memref_slice %arg7[%dma_wait3A, %dma_wait3A_97] : memref<128x128xf32, #tpu.memory_space<vmem>> -> memref<80x128xf32, #tpu.memory_space<vmem>>
      %dma_wait3A_99 = arith.constant 0 : i32
      %dma_wait3A_100 = tpu.memref_slice %arg8[%multiple_of3A_42, %dma_wait3A_99] : memref<10240x128xf32, #tpu.memory_space<vmem_shared>> -> memref<80x128xf32, #tpu.memory_space<vmem_shared>>
      %dma_wait3A_101 = arith.constant 0 : i32
      %dma_wait3A_102 = arith.constant 0 : i32
      %dma_wait3A_103 = tpu.memref_slice %arg7[%dma_wait3A_101, %dma_wait3A_102] : memref<128x128xf32, #tpu.memory_space<vmem>> -> memref<80x128xf32, #tpu.memory_space<vmem>>
      %dma_wait3A_104 = arith.constant 0 : i32
      %dma_wait3A_105 = tpu.memref_slice %arg8[%multiple_of3A_42, %dma_wait3A_104] : memref<10240x128xf32, #tpu.memory_space<vmem_shared>> -> memref<80x128xf32, #tpu.memory_space<vmem_shared>>
      tpu.wait_dma2 semaphore(%run_scoped3A : memref<!tpu.dma_semaphore, #tpu.memory_space<semaphore_mem>>) src(%dma_wait3A_105 : memref<80x128xf32, #tpu.memory_space<vmem_shared>>) dst(%dma_wait3A_103 : memref<80x128xf32, #tpu.memory_space<vmem>>)
      tpu.yield
    }) : () -> ()
    "tpu.region"() ({
      %run_scoped3A = tpu.sem_alloc : memref<!tpu.dma_semaphore, #tpu.memory_space<semaphore_mem>>
      %dma_start3A = arith.constant 0 : i32
      %dma_start3A_88 = arith.constant 0 : i32
      %dma_start3A_89 = tpu.memref_slice %arg7[%dma_start3A, %dma_start3A_88] : memref<128x128xf32, #tpu.memory_space<vmem>> -> memref<80x128xf32, #tpu.memory_space<vmem>>
      %dma_start3A_90 = arith.constant 0 : i32
      %dma_start3A_91 = tpu.memref_slice %arg5[%multiple_of3A_45, %dma_start3A_90] : memref<20480x128xf32, #tpu.memory_space<hbm>> -> memref<80x128xf32, #tpu.memory_space<hbm>>
      %dma_start3A_92 = arith.constant 0 : i32
      %dma_start3A_93 = tpu.memref_slice %arg5[%multiple_of3A_45, %dma_start3A_92] : memref<20480x128xf32, #tpu.memory_space<hbm>> -> memref<80x128xf32, #tpu.memory_space<hbm>>
      %dma_start3A_94 = arith.constant 0 : i32
      %dma_start3A_95 = arith.constant 0 : i32
      %dma_start3A_96 = tpu.memref_slice %arg7[%dma_start3A_94, %dma_start3A_95] : memref<128x128xf32, #tpu.memory_space<vmem>> -> memref<80x128xf32, #tpu.memory_space<vmem>>
      tpu.enqueue_dma source(%dma_start3A_96 : memref<80x128xf32, #tpu.memory_space<vmem>>) target(%dma_start3A_93 : memref<80x128xf32, #tpu.memory_space<hbm>>) target_semaphore(%run_scoped3A : memref<!tpu.dma_semaphore, #tpu.memory_space<semaphore_mem>>)
      %dma_wait3A = arith.constant 0 : i32
      %dma_wait3A_97 = arith.constant 0 : i32
      %dma_wait3A_98 = tpu.memref_slice %arg7[%dma_wait3A, %dma_wait3A_97] : memref<128x128xf32, #tpu.memory_space<vmem>> -> memref<80x128xf32, #tpu.memory_space<vmem>>
      %dma_wait3A_99 = arith.constant 0 : i32
      %dma_wait3A_100 = tpu.memref_slice %arg5[%multiple_of3A_45, %dma_wait3A_99] : memref<20480x128xf32, #tpu.memory_space<hbm>> -> memref<80x128xf32, #tpu.memory_space<hbm>>
      %dma_wait3A_101 = arith.constant 0 : i32
      %dma_wait3A_102 = tpu.memref_slice %arg5[%multiple_of3A_45, %dma_wait3A_101] : memref<20480x128xf32, #tpu.memory_space<hbm>> -> memref<80x128xf32, #tpu.memory_space<hbm>>
      %dma_wait3A_103 = arith.constant 0 : i32
      %dma_wait3A_104 = arith.constant 0 : i32
      %dma_wait3A_105 = tpu.memref_slice %arg7[%dma_wait3A_103, %dma_wait3A_104] : memref<128x128xf32, #tpu.memory_space<vmem>> -> memref<80x128xf32, #tpu.memory_space<vmem>>
      tpu.wait_dma2 semaphore(%run_scoped3A : memref<!tpu.dma_semaphore, #tpu.memory_space<semaphore_mem>>) src(%dma_wait3A_105 : memref<80x128xf32, #tpu.memory_space<vmem>>) dst(%dma_wait3A_102 : memref<80x128xf32, #tpu.memory_space<hbm>>)
      tpu.yield
    }) : () -> ()
    %add3A_46 = arith.constant 80 : i32
    %add3A_47 = arith.addi %multiple_of3A, %add3A_46 : i32
    %multiple_of3A_48 = tpu.assume_multiple %add3A_47, 80 : i32
    %add3A_49 = arith.constant 80 : i32
    %add3A_50 = arith.addi %add3A_39, %add3A_49 : i32
    %multiple_of3A_51 = tpu.assume_multiple %add3A_50, 80 : i32
    "tpu.region"() ({
      %run_scoped3A = tpu.sem_alloc : memref<!tpu.dma_semaphore, #tpu.memory_space<semaphore_mem>>
      %dma_start3A = arith.constant 0 : i32
      %dma_start3A_88 = arith.constant 0 : i32
      %dma_start3A_89 = tpu.memref_slice %arg7[%dma_start3A, %dma_start3A_88] : memref<128x128xf32, #tpu.memory_space<vmem>> -> memref<80x128xf32, #tpu.memory_space<vmem>>
      %dma_start3A_90 = arith.constant 0 : i32
      %dma_start3A_91 = tpu.memref_slice %arg8[%multiple_of3A_48, %dma_start3A_90] : memref<10240x128xf32, #tpu.memory_space<vmem_shared>> -> memref<80x128xf32, #tpu.memory_space<vmem_shared>>
      %dma_start3A_92 = arith.constant 0 : i32
      %dma_start3A_93 = arith.constant 0 : i32
      %dma_start3A_94 = tpu.memref_slice %arg7[%dma_start3A_92, %dma_start3A_93] : memref<128x128xf32, #tpu.memory_space<vmem>> -> memref<80x128xf32, #tpu.memory_space<vmem>>
      %dma_start3A_95 = arith.constant 0 : i32
      %dma_start3A_96 = tpu.memref_slice %arg8[%multiple_of3A_48, %dma_start3A_95] : memref<10240x128xf32, #tpu.memory_space<vmem_shared>> -> memref<80x128xf32, #tpu.memory_space<vmem_shared>>
      tpu.enqueue_dma source(%dma_start3A_96 : memref<80x128xf32, #tpu.memory_space<vmem_shared>>) target(%dma_start3A_94 : memref<80x128xf32, #tpu.memory_space<vmem>>) target_semaphore(%run_scoped3A : memref<!tpu.dma_semaphore, #tpu.memory_space<semaphore_mem>>)
      %dma_wait3A = arith.constant 0 : i32
      %dma_wait3A_97 = arith.constant 0 : i32
      %dma_wait3A_98 = tpu.memref_slice %arg7[%dma_wait3A, %dma_wait3A_97] : memref<128x128xf32, #tpu.memory_space<vmem>> -> memref<80x128xf32, #tpu.memory_space<vmem>>
      %dma_wait3A_99 = arith.constant 0 : i32
      %dma_wait3A_100 = tpu.memref_slice %arg8[%multiple_of3A_48, %dma_wait3A_99] : memref<10240x128xf32, #tpu.memory_space<vmem_shared>> -> memref<80x128xf32, #tpu.memory_space<vmem_shared>>
      %dma_wait3A_101 = arith.constant 0 : i32
      %dma_wait3A_102 = arith.constant 0 : i32
      %dma_wait3A_103 = tpu.memref_slice %arg7[%dma_wait3A_101, %dma_wait3A_102] : memref<128x128xf32, #tpu.memory_space<vmem>> -> memref<80x128xf32, #tpu.memory_space<vmem>>
      %dma_wait3A_104 = arith.constant 0 : i32
      %dma_wait3A_105 = tpu.memref_slice %arg8[%multiple_of3A_48, %dma_wait3A_104] : memref<10240x128xf32, #tpu.memory_space<vmem_shared>> -> memref<80x128xf32, #tpu.memory_space<vmem_shared>>
      tpu.wait_dma2 semaphore(%run_scoped3A : memref<!tpu.dma_semaphore, #tpu.memory_space<semaphore_mem>>) src(%dma_wait3A_105 : memref<80x128xf32, #tpu.memory_space<vmem_shared>>) dst(%dma_wait3A_103 : memref<80x128xf32, #tpu.memory_space<vmem>>)
      tpu.yield
    }) : () -> ()
    "tpu.region"() ({
      %run_scoped3A = tpu.sem_alloc : memref<!tpu.dma_semaphore, #tpu.memory_space<semaphore_mem>>
      %dma_start3A = arith.constant 0 : i32
      %dma_start3A_88 = arith.constant 0 : i32
      %dma_start3A_89 = tpu.memref_slice %arg7[%dma_start3A, %dma_start3A_88] : memref<128x128xf32, #tpu.memory_space<vmem>> -> memref<80x128xf32, #tpu.memory_space<vmem>>
      %dma_start3A_90 = arith.constant 0 : i32
      %dma_start3A_91 = tpu.memref_slice %arg5[%multiple_of3A_51, %dma_start3A_90] : memref<20480x128xf32, #tpu.memory_space<hbm>> -> memref<80x128xf32, #tpu.memory_space<hbm>>
      %dma_start3A_92 = arith.constant 0 : i32
      %dma_start3A_93 = tpu.memref_slice %arg5[%multiple_of3A_51, %dma_start3A_92] : memref<20480x128xf32, #tpu.memory_space<hbm>> -> memref<80x128xf32, #tpu.memory_space<hbm>>
      %dma_start3A_94 = arith.constant 0 : i32
      %dma_start3A_95 = arith.constant 0 : i32
      %dma_start3A_96 = tpu.memref_slice %arg7[%dma_start3A_94, %dma_start3A_95] : memref<128x128xf32, #tpu.memory_space<vmem>> -> memref<80x128xf32, #tpu.memory_space<vmem>>
      tpu.enqueue_dma source(%dma_start3A_96 : memref<80x128xf32, #tpu.memory_space<vmem>>) target(%dma_start3A_93 : memref<80x128xf32, #tpu.memory_space<hbm>>) target_semaphore(%run_scoped3A : memref<!tpu.dma_semaphore, #tpu.memory_space<semaphore_mem>>)
      %dma_wait3A = arith.constant 0 : i32
      %dma_wait3A_97 = arith.constant 0 : i32
      %dma_wait3A_98 = tpu.memref_slice %arg7[%dma_wait3A, %dma_wait3A_97] : memref<128x128xf32, #tpu.memory_space<vmem>> -> memref<80x128xf32, #tpu.memory_space<vmem>>
      %dma_wait3A_99 = arith.constant 0 : i32
      %dma_wait3A_100 = tpu.memref_slice %arg5[%multiple_of3A_51, %dma_wait3A_99] : memref<20480x128xf32, #tpu.memory_space<hbm>> -> memref<80x128xf32, #tpu.memory_space<hbm>>
      %dma_wait3A_101 = arith.constant 0 : i32
      %dma_wait3A_102 = tpu.memref_slice %arg5[%multiple_of3A_51, %dma_wait3A_101] : memref<20480x128xf32, #tpu.memory_space<hbm>> -> memref<80x128xf32, #tpu.memory_space<hbm>>
      %dma_wait3A_103 = arith.constant 0 : i32
      %dma_wait3A_104 = arith.constant 0 : i32
      %dma_wait3A_105 = tpu.memref_slice %arg7[%dma_wait3A_103, %dma_wait3A_104] : memref<128x128xf32, #tpu.memory_space<vmem>> -> memref<80x128xf32, #tpu.memory_space<vmem>>
      tpu.wait_dma2 semaphore(%run_scoped3A : memref<!tpu.dma_semaphore, #tpu.memory_space<semaphore_mem>>) src(%dma_wait3A_105 : memref<80x128xf32, #tpu.memory_space<vmem>>) dst(%dma_wait3A_102 : memref<80x128xf32, #tpu.memory_space<hbm>>)
      tpu.yield
    }) : () -> ()
    %add3A_52 = arith.constant 160 : i32
    %add3A_53 = arith.addi %multiple_of3A, %add3A_52 : i32
    %multiple_of3A_54 = tpu.assume_multiple %add3A_53, 80 : i32
    %add3A_55 = arith.constant 160 : i32
    %add3A_56 = arith.addi %add3A_39, %add3A_55 : i32
    %multiple_of3A_57 = tpu.assume_multiple %add3A_56, 80 : i32
    "tpu.region"() ({
      %run_scoped3A = tpu.sem_alloc : memref<!tpu.dma_semaphore, #tpu.memory_space<semaphore_mem>>
      %dma_start3A = arith.constant 0 : i32
      %dma_start3A_88 = arith.constant 0 : i32
      %dma_start3A_89 = tpu.memref_slice %arg7[%dma_start3A, %dma_start3A_88] : memref<128x128xf32, #tpu.memory_space<vmem>> -> memref<80x128xf32, #tpu.memory_space<vmem>>
      %dma_start3A_90 = arith.constant 0 : i32
      %dma_start3A_91 = tpu.memref_slice %arg8[%multiple_of3A_54, %dma_start3A_90] : memref<10240x128xf32, #tpu.memory_space<vmem_shared>> -> memref<80x128xf32, #tpu.memory_space<vmem_shared>>
      %dma_start3A_92 = arith.constant 0 : i32
      %dma_start3A_93 = arith.constant 0 : i32
      %dma_start3A_94 = tpu.memref_slice %arg7[%dma_start3A_92, %dma_start3A_93] : memref<128x128xf32, #tpu.memory_space<vmem>> -> memref<80x128xf32, #tpu.memory_space<vmem>>
      %dma_start3A_95 = arith.constant 0 : i32
      %dma_start3A_96 = tpu.memref_slice %arg8[%multiple_of3A_54, %dma_start3A_95] : memref<10240x128xf32, #tpu.memory_space<vmem_shared>> -> memref<80x128xf32, #tpu.memory_space<vmem_shared>>
      tpu.enqueue_dma source(%dma_start3A_96 : memref<80x128xf32, #tpu.memory_space<vmem_shared>>) target(%dma_start3A_94 : memref<80x128xf32, #tpu.memory_space<vmem>>) target_semaphore(%run_scoped3A : memref<!tpu.dma_semaphore, #tpu.memory_space<semaphore_mem>>)
      %dma_wait3A = arith.constant 0 : i32
      %dma_wait3A_97 = arith.constant 0 : i32
      %dma_wait3A_98 = tpu.memref_slice %arg7[%dma_wait3A, %dma_wait3A_97] : memref<128x128xf32, #tpu.memory_space<vmem>> -> memref<80x128xf32, #tpu.memory_space<vmem>>
      %dma_wait3A_99 = arith.constant 0 : i32
      %dma_wait3A_100 = tpu.memref_slice %arg8[%multiple_of3A_54, %dma_wait3A_99] : memref<10240x128xf32, #tpu.memory_space<vmem_shared>> -> memref<80x128xf32, #tpu.memory_space<vmem_shared>>
      %dma_wait3A_101 = arith.constant 0 : i32
      %dma_wait3A_102 = arith.constant 0 : i32
      %dma_wait3A_103 = tpu.memref_slice %arg7[%dma_wait3A_101, %dma_wait3A_102] : memref<128x128xf32, #tpu.memory_space<vmem>> -> memref<80x128xf32, #tpu.memory_space<vmem>>
      %dma_wait3A_104 = arith.constant 0 : i32
      %dma_wait3A_105 = tpu.memref_slice %arg8[%multiple_of3A_54, %dma_wait3A_104] : memref<10240x128xf32, #tpu.memory_space<vmem_shared>> -> memref<80x128xf32, #tpu.memory_space<vmem_shared>>
      tpu.wait_dma2 semaphore(%run_scoped3A : memref<!tpu.dma_semaphore, #tpu.memory_space<semaphore_mem>>) src(%dma_wait3A_105 : memref<80x128xf32, #tpu.memory_space<vmem_shared>>) dst(%dma_wait3A_103 : memref<80x128xf32, #tpu.memory_space<vmem>>)
      tpu.yield
    }) : () -> ()
    "tpu.region"() ({
      %run_scoped3A = tpu.sem_alloc : memref<!tpu.dma_semaphore, #tpu.memory_space<semaphore_mem>>
      %dma_start3A = arith.constant 0 : i32
      %dma_start3A_88 = arith.constant 0 : i32
      %dma_start3A_89 = tpu.memref_slice %arg7[%dma_start3A, %dma_start3A_88] : memref<128x128xf32, #tpu.memory_space<vmem>> -> memref<80x128xf32, #tpu.memory_space<vmem>>
      %dma_start3A_90 = arith.constant 0 : i32
      %dma_start3A_91 = tpu.memref_slice %arg5[%multiple_of3A_57, %dma_start3A_90] : memref<20480x128xf32, #tpu.memory_space<hbm>> -> memref<80x128xf32, #tpu.memory_space<hbm>>
      %dma_start3A_92 = arith.constant 0 : i32
      %dma_start3A_93 = tpu.memref_slice %arg5[%multiple_of3A_57, %dma_start3A_92] : memref<20480x128xf32, #tpu.memory_space<hbm>> -> memref<80x128xf32, #tpu.memory_space<hbm>>
      %dma_start3A_94 = arith.constant 0 : i32
      %dma_start3A_95 = arith.constant 0 : i32
      %dma_start3A_96 = tpu.memref_slice %arg7[%dma_start3A_94, %dma_start3A_95] : memref<128x128xf32, #tpu.memory_space<vmem>> -> memref<80x128xf32, #tpu.memory_space<vmem>>
      tpu.enqueue_dma source(%dma_start3A_96 : memref<80x128xf32, #tpu.memory_space<vmem>>) target(%dma_start3A_93 : memref<80x128xf32, #tpu.memory_space<hbm>>) target_semaphore(%run_scoped3A : memref<!tpu.dma_semaphore, #tpu.memory_space<semaphore_mem>>)
      %dma_wait3A = arith.constant 0 : i32
      %dma_wait3A_97 = arith.constant 0 : i32
      %dma_wait3A_98 = tpu.memref_slice %arg7[%dma_wait3A, %dma_wait3A_97] : memref<128x128xf32, #tpu.memory_space<vmem>> -> memref<80x128xf32, #tpu.memory_space<vmem>>
      %dma_wait3A_99 = arith.constant 0 : i32
      %dma_wait3A_100 = tpu.memref_slice %arg5[%multiple_of3A_57, %dma_wait3A_99] : memref<20480x128xf32, #tpu.memory_space<hbm>> -> memref<80x128xf32, #tpu.memory_space<hbm>>
      %dma_wait3A_101 = arith.constant 0 : i32
      %dma_wait3A_102 = tpu.memref_slice %arg5[%multiple_of3A_57, %dma_wait3A_101] : memref<20480x128xf32, #tpu.memory_space<hbm>> -> memref<80x128xf32, #tpu.memory_space<hbm>>
      %dma_wait3A_103 = arith.constant 0 : i32
      %dma_wait3A_104 = arith.constant 0 : i32
      %dma_wait3A_105 = tpu.memref_slice %arg7[%dma_wait3A_103, %dma_wait3A_104] : memref<128x128xf32, #tpu.memory_space<vmem>> -> memref<80x128xf32, #tpu.memory_space<vmem>>
      tpu.wait_dma2 semaphore(%run_scoped3A : memref<!tpu.dma_semaphore, #tpu.memory_space<semaphore_mem>>) src(%dma_wait3A_105 : memref<80x128xf32, #tpu.memory_space<vmem>>) dst(%dma_wait3A_102 : memref<80x128xf32, #tpu.memory_space<hbm>>)
      tpu.yield
    }) : () -> ()
    %add3A_58 = arith.constant 240 : i32
    %add3A_59 = arith.addi %multiple_of3A, %add3A_58 : i32
    %multiple_of3A_60 = tpu.assume_multiple %add3A_59, 80 : i32
    %add3A_61 = arith.constant 240 : i32
    %add3A_62 = arith.addi %add3A_39, %add3A_61 : i32
    %multiple_of3A_63 = tpu.assume_multiple %add3A_62, 80 : i32
    "tpu.region"() ({
      %run_scoped3A = tpu.sem_alloc : memref<!tpu.dma_semaphore, #tpu.memory_space<semaphore_mem>>
      %dma_start3A = arith.constant 0 : i32
      %dma_start3A_88 = arith.constant 0 : i32
      %dma_start3A_89 = tpu.memref_slice %arg7[%dma_start3A, %dma_start3A_88] : memref<128x128xf32, #tpu.memory_space<vmem>> -> memref<80x128xf32, #tpu.memory_space<vmem>>
      %dma_start3A_90 = arith.constant 0 : i32
      %dma_start3A_91 = tpu.memref_slice %arg8[%multiple_of3A_60, %dma_start3A_90] : memref<10240x128xf32, #tpu.memory_space<vmem_shared>> -> memref<80x128xf32, #tpu.memory_space<vmem_shared>>
      %dma_start3A_92 = arith.constant 0 : i32
      %dma_start3A_93 = arith.constant 0 : i32
      %dma_start3A_94 = tpu.memref_slice %arg7[%dma_start3A_92, %dma_start3A_93] : memref<128x128xf32, #tpu.memory_space<vmem>> -> memref<80x128xf32, #tpu.memory_space<vmem>>
      %dma_start3A_95 = arith.constant 0 : i32
      %dma_start3A_96 = tpu.memref_slice %arg8[%multiple_of3A_60, %dma_start3A_95] : memref<10240x128xf32, #tpu.memory_space<vmem_shared>> -> memref<80x128xf32, #tpu.memory_space<vmem_shared>>
      tpu.enqueue_dma source(%dma_start3A_96 : memref<80x128xf32, #tpu.memory_space<vmem_shared>>) target(%dma_start3A_94 : memref<80x128xf32, #tpu.memory_space<vmem>>) target_semaphore(%run_scoped3A : memref<!tpu.dma_semaphore, #tpu.memory_space<semaphore_mem>>)
      %dma_wait3A = arith.constant 0 : i32
      %dma_wait3A_97 = arith.constant 0 : i32
      %dma_wait3A_98 = tpu.memref_slice %arg7[%dma_wait3A, %dma_wait3A_97] : memref<128x128xf32, #tpu.memory_space<vmem>> -> memref<80x128xf32, #tpu.memory_space<vmem>>
      %dma_wait3A_99 = arith.constant 0 : i32
      %dma_wait3A_100 = tpu.memref_slice %arg8[%multiple_of3A_60, %dma_wait3A_99] : memref<10240x128xf32, #tpu.memory_space<vmem_shared>> -> memref<80x128xf32, #tpu.memory_space<vmem_shared>>
      %dma_wait3A_101 = arith.constant 0 : i32
      %dma_wait3A_102 = arith.constant 0 : i32
      %dma_wait3A_103 = tpu.memref_slice %arg7[%dma_wait3A_101, %dma_wait3A_102] : memref<128x128xf32, #tpu.memory_space<vmem>> -> memref<80x128xf32, #tpu.memory_space<vmem>>
      %dma_wait3A_104 = arith.constant 0 : i32
      %dma_wait3A_105 = tpu.memref_slice %arg8[%multiple_of3A_60, %dma_wait3A_104] : memref<10240x128xf32, #tpu.memory_space<vmem_shared>> -> memref<80x128xf32, #tpu.memory_space<vmem_shared>>
      tpu.wait_dma2 semaphore(%run_scoped3A : memref<!tpu.dma_semaphore, #tpu.memory_space<semaphore_mem>>) src(%dma_wait3A_105 : memref<80x128xf32, #tpu.memory_space<vmem_shared>>) dst(%dma_wait3A_103 : memref<80x128xf32, #tpu.memory_space<vmem>>)
      tpu.yield
    }) : () -> ()
    "tpu.region"() ({
      %run_scoped3A = tpu.sem_alloc : memref<!tpu.dma_semaphore, #tpu.memory_space<semaphore_mem>>
      %dma_start3A = arith.constant 0 : i32
      %dma_start3A_88 = arith.constant 0 : i32
      %dma_start3A_89 = tpu.memref_slice %arg7[%dma_start3A, %dma_start3A_88] : memref<128x128xf32, #tpu.memory_space<vmem>> -> memref<80x128xf32, #tpu.memory_space<vmem>>
      %dma_start3A_90 = arith.constant 0 : i32
      %dma_start3A_91 = tpu.memref_slice %arg5[%multiple_of3A_63, %dma_start3A_90] : memref<20480x128xf32, #tpu.memory_space<hbm>> -> memref<80x128xf32, #tpu.memory_space<hbm>>
      %dma_start3A_92 = arith.constant 0 : i32
      %dma_start3A_93 = tpu.memref_slice %arg5[%multiple_of3A_63, %dma_start3A_92] : memref<20480x128xf32, #tpu.memory_space<hbm>> -> memref<80x128xf32, #tpu.memory_space<hbm>>
      %dma_start3A_94 = arith.constant 0 : i32
      %dma_start3A_95 = arith.constant 0 : i32
      %dma_start3A_96 = tpu.memref_slice %arg7[%dma_start3A_94, %dma_start3A_95] : memref<128x128xf32, #tpu.memory_space<vmem>> -> memref<80x128xf32, #tpu.memory_space<vmem>>
      tpu.enqueue_dma source(%dma_start3A_96 : memref<80x128xf32, #tpu.memory_space<vmem>>) target(%dma_start3A_93 : memref<80x128xf32, #tpu.memory_space<hbm>>) target_semaphore(%run_scoped3A : memref<!tpu.dma_semaphore, #tpu.memory_space<semaphore_mem>>)
      %dma_wait3A = arith.constant 0 : i32
      %dma_wait3A_97 = arith.constant 0 : i32
      %dma_wait3A_98 = tpu.memref_slice %arg7[%dma_wait3A, %dma_wait3A_97] : memref<128x128xf32, #tpu.memory_space<vmem>> -> memref<80x128xf32, #tpu.memory_space<vmem>>
      %dma_wait3A_99 = arith.constant 0 : i32
      %dma_wait3A_100 = tpu.memref_slice %arg5[%multiple_of3A_63, %dma_wait3A_99] : memref<20480x128xf32, #tpu.memory_space<hbm>> -> memref<80x128xf32, #tpu.memory_space<hbm>>
      %dma_wait3A_101 = arith.constant 0 : i32
      %dma_wait3A_102 = tpu.memref_slice %arg5[%multiple_of3A_63, %dma_wait3A_101] : memref<20480x128xf32, #tpu.memory_space<hbm>> -> memref<80x128xf32, #tpu.memory_space<hbm>>
      %dma_wait3A_103 = arith.constant 0 : i32
      %dma_wait3A_104 = arith.constant 0 : i32
      %dma_wait3A_105 = tpu.memref_slice %arg7[%dma_wait3A_103, %dma_wait3A_104] : memref<128x128xf32, #tpu.memory_space<vmem>> -> memref<80x128xf32, #tpu.memory_space<vmem>>
      tpu.wait_dma2 semaphore(%run_scoped3A : memref<!tpu.dma_semaphore, #tpu.memory_space<semaphore_mem>>) src(%dma_wait3A_105 : memref<80x128xf32, #tpu.memory_space<vmem>>) dst(%dma_wait3A_102 : memref<80x128xf32, #tpu.memory_space<hbm>>)
      tpu.yield
    }) : () -> ()
    %add3A_64 = arith.constant 320 : i32
    %add3A_65 = arith.addi %multiple_of3A, %add3A_64 : i32
    %multiple_of3A_66 = tpu.assume_multiple %add3A_65, 80 : i32
    %add3A_67 = arith.constant 320 : i32
    %add3A_68 = arith.addi %add3A_39, %add3A_67 : i32
    %multiple_of3A_69 = tpu.assume_multiple %add3A_68, 80 : i32
    "tpu.region"() ({
      %run_scoped3A = tpu.sem_alloc : memref<!tpu.dma_semaphore, #tpu.memory_space<semaphore_mem>>
      %dma_start3A = arith.constant 0 : i32
      %dma_start3A_88 = arith.constant 0 : i32
      %dma_start3A_89 = tpu.memref_slice %arg7[%dma_start3A, %dma_start3A_88] : memref<128x128xf32, #tpu.memory_space<vmem>> -> memref<80x128xf32, #tpu.memory_space<vmem>>
      %dma_start3A_90 = arith.constant 0 : i32
      %dma_start3A_91 = tpu.memref_slice %arg8[%multiple_of3A_66, %dma_start3A_90] : memref<10240x128xf32, #tpu.memory_space<vmem_shared>> -> memref<80x128xf32, #tpu.memory_space<vmem_shared>>
      %dma_start3A_92 = arith.constant 0 : i32
      %dma_start3A_93 = arith.constant 0 : i32
      %dma_start3A_94 = tpu.memref_slice %arg7[%dma_start3A_92, %dma_start3A_93] : memref<128x128xf32, #tpu.memory_space<vmem>> -> memref<80x128xf32, #tpu.memory_space<vmem>>
      %dma_start3A_95 = arith.constant 0 : i32
      %dma_start3A_96 = tpu.memref_slice %arg8[%multiple_of3A_66, %dma_start3A_95] : memref<10240x128xf32, #tpu.memory_space<vmem_shared>> -> memref<80x128xf32, #tpu.memory_space<vmem_shared>>
      tpu.enqueue_dma source(%dma_start3A_96 : memref<80x128xf32, #tpu.memory_space<vmem_shared>>) target(%dma_start3A_94 : memref<80x128xf32, #tpu.memory_space<vmem>>) target_semaphore(%run_scoped3A : memref<!tpu.dma_semaphore, #tpu.memory_space<semaphore_mem>>)
      %dma_wait3A = arith.constant 0 : i32
      %dma_wait3A_97 = arith.constant 0 : i32
      %dma_wait3A_98 = tpu.memref_slice %arg7[%dma_wait3A, %dma_wait3A_97] : memref<128x128xf32, #tpu.memory_space<vmem>> -> memref<80x128xf32, #tpu.memory_space<vmem>>
      %dma_wait3A_99 = arith.constant 0 : i32
      %dma_wait3A_100 = tpu.memref_slice %arg8[%multiple_of3A_66, %dma_wait3A_99] : memref<10240x128xf32, #tpu.memory_space<vmem_shared>> -> memref<80x128xf32, #tpu.memory_space<vmem_shared>>
      %dma_wait3A_101 = arith.constant 0 : i32
      %dma_wait3A_102 = arith.constant 0 : i32
      %dma_wait3A_103 = tpu.memref_slice %arg7[%dma_wait3A_101, %dma_wait3A_102] : memref<128x128xf32, #tpu.memory_space<vmem>> -> memref<80x128xf32, #tpu.memory_space<vmem>>
      %dma_wait3A_104 = arith.constant 0 : i32
      %dma_wait3A_105 = tpu.memref_slice %arg8[%multiple_of3A_66, %dma_wait3A_104] : memref<10240x128xf32, #tpu.memory_space<vmem_shared>> -> memref<80x128xf32, #tpu.memory_space<vmem_shared>>
      tpu.wait_dma2 semaphore(%run_scoped3A : memref<!tpu.dma_semaphore, #tpu.memory_space<semaphore_mem>>) src(%dma_wait3A_105 : memref<80x128xf32, #tpu.memory_space<vmem_shared>>) dst(%dma_wait3A_103 : memref<80x128xf32, #tpu.memory_space<vmem>>)
      tpu.yield
    }) : () -> ()
    "tpu.region"() ({
      %run_scoped3A = tpu.sem_alloc : memref<!tpu.dma_semaphore, #tpu.memory_space<semaphore_mem>>
      %dma_start3A = arith.constant 0 : i32
      %dma_start3A_88 = arith.constant 0 : i32
      %dma_start3A_89 = tpu.memref_slice %arg7[%dma_start3A, %dma_start3A_88] : memref<128x128xf32, #tpu.memory_space<vmem>> -> memref<80x128xf32, #tpu.memory_space<vmem>>
      %dma_start3A_90 = arith.constant 0 : i32
      %dma_start3A_91 = tpu.memref_slice %arg5[%multiple_of3A_69, %dma_start3A_90] : memref<20480x128xf32, #tpu.memory_space<hbm>> -> memref<80x128xf32, #tpu.memory_space<hbm>>
      %dma_start3A_92 = arith.constant 0 : i32
      %dma_start3A_93 = tpu.memref_slice %arg5[%multiple_of3A_69, %dma_start3A_92] : memref<20480x128xf32, #tpu.memory_space<hbm>> -> memref<80x128xf32, #tpu.memory_space<hbm>>
      %dma_start3A_94 = arith.constant 0 : i32
      %dma_start3A_95 = arith.constant 0 : i32
      %dma_start3A_96 = tpu.memref_slice %arg7[%dma_start3A_94, %dma_start3A_95] : memref<128x128xf32, #tpu.memory_space<vmem>> -> memref<80x128xf32, #tpu.memory_space<vmem>>
      tpu.enqueue_dma source(%dma_start3A_96 : memref<80x128xf32, #tpu.memory_space<vmem>>) target(%dma_start3A_93 : memref<80x128xf32, #tpu.memory_space<hbm>>) target_semaphore(%run_scoped3A : memref<!tpu.dma_semaphore, #tpu.memory_space<semaphore_mem>>)
      %dma_wait3A = arith.constant 0 : i32
      %dma_wait3A_97 = arith.constant 0 : i32
      %dma_wait3A_98 = tpu.memref_slice %arg7[%dma_wait3A, %dma_wait3A_97] : memref<128x128xf32, #tpu.memory_space<vmem>> -> memref<80x128xf32, #tpu.memory_space<vmem>>
      %dma_wait3A_99 = arith.constant 0 : i32
      %dma_wait3A_100 = tpu.memref_slice %arg5[%multiple_of3A_69, %dma_wait3A_99] : memref<20480x128xf32, #tpu.memory_space<hbm>> -> memref<80x128xf32, #tpu.memory_space<hbm>>
      %dma_wait3A_101 = arith.constant 0 : i32
      %dma_wait3A_102 = tpu.memref_slice %arg5[%multiple_of3A_69, %dma_wait3A_101] : memref<20480x128xf32, #tpu.memory_space<hbm>> -> memref<80x128xf32, #tpu.memory_space<hbm>>
      %dma_wait3A_103 = arith.constant 0 : i32
      %dma_wait3A_104 = arith.constant 0 : i32
      %dma_wait3A_105 = tpu.memref_slice %arg7[%dma_wait3A_103, %dma_wait3A_104] : memref<128x128xf32, #tpu.memory_space<vmem>> -> memref<80x128xf32, #tpu.memory_space<vmem>>
      tpu.wait_dma2 semaphore(%run_scoped3A : memref<!tpu.dma_semaphore, #tpu.memory_space<semaphore_mem>>) src(%dma_wait3A_105 : memref<80x128xf32, #tpu.memory_space<vmem>>) dst(%dma_wait3A_102 : memref<80x128xf32, #tpu.memory_space<hbm>>)
      tpu.yield
    }) : () -> ()
    %add3A_70 = arith.constant 400 : i32
    %add3A_71 = arith.addi %multiple_of3A, %add3A_70 : i32
    %multiple_of3A_72 = tpu.assume_multiple %add3A_71, 80 : i32
    %add3A_73 = arith.constant 400 : i32
    %add3A_74 = arith.addi %add3A_39, %add3A_73 : i32
    %multiple_of3A_75 = tpu.assume_multiple %add3A_74, 80 : i32
    "tpu.region"() ({
      %run_scoped3A = tpu.sem_alloc : memref<!tpu.dma_semaphore, #tpu.memory_space<semaphore_mem>>
      %dma_start3A = arith.constant 0 : i32
      %dma_start3A_88 = arith.constant 0 : i32
      %dma_start3A_89 = tpu.memref_slice %arg7[%dma_start3A, %dma_start3A_88] : memref<128x128xf32, #tpu.memory_space<vmem>> -> memref<80x128xf32, #tpu.memory_space<vmem>>
      %dma_start3A_90 = arith.constant 0 : i32
      %dma_start3A_91 = tpu.memref_slice %arg8[%multiple_of3A_72, %dma_start3A_90] : memref<10240x128xf32, #tpu.memory_space<vmem_shared>> -> memref<80x128xf32, #tpu.memory_space<vmem_shared>>
      %dma_start3A_92 = arith.constant 0 : i32
      %dma_start3A_93 = arith.constant 0 : i32
      %dma_start3A_94 = tpu.memref_slice %arg7[%dma_start3A_92, %dma_start3A_93] : memref<128x128xf32, #tpu.memory_space<vmem>> -> memref<80x128xf32, #tpu.memory_space<vmem>>
      %dma_start3A_95 = arith.constant 0 : i32
      %dma_start3A_96 = tpu.memref_slice %arg8[%multiple_of3A_72, %dma_start3A_95] : memref<10240x128xf32, #tpu.memory_space<vmem_shared>> -> memref<80x128xf32, #tpu.memory_space<vmem_shared>>
      tpu.enqueue_dma source(%dma_start3A_96 : memref<80x128xf32, #tpu.memory_space<vmem_shared>>) target(%dma_start3A_94 : memref<80x128xf32, #tpu.memory_space<vmem>>) target_semaphore(%run_scoped3A : memref<!tpu.dma_semaphore, #tpu.memory_space<semaphore_mem>>)
      %dma_wait3A = arith.constant 0 : i32
      %dma_wait3A_97 = arith.constant 0 : i32
      %dma_wait3A_98 = tpu.memref_slice %arg7[%dma_wait3A, %dma_wait3A_97] : memref<128x128xf32, #tpu.memory_space<vmem>> -> memref<80x128xf32, #tpu.memory_space<vmem>>
      %dma_wait3A_99 = arith.constant 0 : i32
      %dma_wait3A_100 = tpu.memref_slice %arg8[%multiple_of3A_72, %dma_wait3A_99] : memref<10240x128xf32, #tpu.memory_space<vmem_shared>> -> memref<80x128xf32, #tpu.memory_space<vmem_shared>>
      %dma_wait3A_101 = arith.constant 0 : i32
      %dma_wait3A_102 = arith.constant 0 : i32
      %dma_wait3A_103 = tpu.memref_slice %arg7[%dma_wait3A_101, %dma_wait3A_102] : memref<128x128xf32, #tpu.memory_space<vmem>> -> memref<80x128xf32, #tpu.memory_space<vmem>>
      %dma_wait3A_104 = arith.constant 0 : i32
      %dma_wait3A_105 = tpu.memref_slice %arg8[%multiple_of3A_72, %dma_wait3A_104] : memref<10240x128xf32, #tpu.memory_space<vmem_shared>> -> memref<80x128xf32, #tpu.memory_space<vmem_shared>>
      tpu.wait_dma2 semaphore(%run_scoped3A : memref<!tpu.dma_semaphore, #tpu.memory_space<semaphore_mem>>) src(%dma_wait3A_105 : memref<80x128xf32, #tpu.memory_space<vmem_shared>>) dst(%dma_wait3A_103 : memref<80x128xf32, #tpu.memory_space<vmem>>)
      tpu.yield
    }) : () -> ()
    "tpu.region"() ({
      %run_scoped3A = tpu.sem_alloc : memref<!tpu.dma_semaphore, #tpu.memory_space<semaphore_mem>>
      %dma_start3A = arith.constant 0 : i32
      %dma_start3A_88 = arith.constant 0 : i32
      %dma_start3A_89 = tpu.memref_slice %arg7[%dma_start3A, %dma_start3A_88] : memref<128x128xf32, #tpu.memory_space<vmem>> -> memref<80x128xf32, #tpu.memory_space<vmem>>
      %dma_start3A_90 = arith.constant 0 : i32
      %dma_start3A_91 = tpu.memref_slice %arg5[%multiple_of3A_75, %dma_start3A_90] : memref<20480x128xf32, #tpu.memory_space<hbm>> -> memref<80x128xf32, #tpu.memory_space<hbm>>
      %dma_start3A_92 = arith.constant 0 : i32
      %dma_start3A_93 = tpu.memref_slice %arg5[%multiple_of3A_75, %dma_start3A_92] : memref<20480x128xf32, #tpu.memory_space<hbm>> -> memref<80x128xf32, #tpu.memory_space<hbm>>
      %dma_start3A_94 = arith.constant 0 : i32
      %dma_start3A_95 = arith.constant 0 : i32
      %dma_start3A_96 = tpu.memref_slice %arg7[%dma_start3A_94, %dma_start3A_95] : memref<128x128xf32, #tpu.memory_space<vmem>> -> memref<80x128xf32, #tpu.memory_space<vmem>>
      tpu.enqueue_dma source(%dma_start3A_96 : memref<80x128xf32, #tpu.memory_space<vmem>>) target(%dma_start3A_93 : memref<80x128xf32, #tpu.memory_space<hbm>>) target_semaphore(%run_scoped3A : memref<!tpu.dma_semaphore, #tpu.memory_space<semaphore_mem>>)
      %dma_wait3A = arith.constant 0 : i32
      %dma_wait3A_97 = arith.constant 0 : i32
      %dma_wait3A_98 = tpu.memref_slice %arg7[%dma_wait3A, %dma_wait3A_97] : memref<128x128xf32, #tpu.memory_space<vmem>> -> memref<80x128xf32, #tpu.memory_space<vmem>>
      %dma_wait3A_99 = arith.constant 0 : i32
      %dma_wait3A_100 = tpu.memref_slice %arg5[%multiple_of3A_75, %dma_wait3A_99] : memref<20480x128xf32, #tpu.memory_space<hbm>> -> memref<80x128xf32, #tpu.memory_space<hbm>>
      %dma_wait3A_101 = arith.constant 0 : i32
      %dma_wait3A_102 = tpu.memref_slice %arg5[%multiple_of3A_75, %dma_wait3A_101] : memref<20480x128xf32, #tpu.memory_space<hbm>> -> memref<80x128xf32, #tpu.memory_space<hbm>>
      %dma_wait3A_103 = arith.constant 0 : i32
      %dma_wait3A_104 = arith.constant 0 : i32
      %dma_wait3A_105 = tpu.memref_slice %arg7[%dma_wait3A_103, %dma_wait3A_104] : memref<128x128xf32, #tpu.memory_space<vmem>> -> memref<80x128xf32, #tpu.memory_space<vmem>>
      tpu.wait_dma2 semaphore(%run_scoped3A : memref<!tpu.dma_semaphore, #tpu.memory_space<semaphore_mem>>) src(%dma_wait3A_105 : memref<80x128xf32, #tpu.memory_space<vmem>>) dst(%dma_wait3A_102 : memref<80x128xf32, #tpu.memory_space<hbm>>)
      tpu.yield
    }) : () -> ()
    %add3A_76 = arith.constant 480 : i32
    %add3A_77 = arith.addi %multiple_of3A, %add3A_76 : i32
    %multiple_of3A_78 = tpu.assume_multiple %add3A_77, 80 : i32
    %add3A_79 = arith.constant 480 : i32
    %add3A_80 = arith.addi %add3A_39, %add3A_79 : i32
    %multiple_of3A_81 = tpu.assume_multiple %add3A_80, 80 : i32
    "tpu.region"() ({
      %run_scoped3A = tpu.sem_alloc : memref<!tpu.dma_semaphore, #tpu.memory_space<semaphore_mem>>
      %dma_start3A = arith.constant 0 : i32
      %dma_start3A_88 = arith.constant 0 : i32
      %dma_start3A_89 = tpu.memref_slice %arg7[%dma_start3A, %dma_start3A_88] : memref<128x128xf32, #tpu.memory_space<vmem>> -> memref<80x128xf32, #tpu.memory_space<vmem>>
      %dma_start3A_90 = arith.constant 0 : i32
      %dma_start3A_91 = tpu.memref_slice %arg8[%multiple_of3A_78, %dma_start3A_90] : memref<10240x128xf32, #tpu.memory_space<vmem_shared>> -> memref<80x128xf32, #tpu.memory_space<vmem_shared>>
      %dma_start3A_92 = arith.constant 0 : i32
      %dma_start3A_93 = arith.constant 0 : i32
      %dma_start3A_94 = tpu.memref_slice %arg7[%dma_start3A_92, %dma_start3A_93] : memref<128x128xf32, #tpu.memory_space<vmem>> -> memref<80x128xf32, #tpu.memory_space<vmem>>
      %dma_start3A_95 = arith.constant 0 : i32
      %dma_start3A_96 = tpu.memref_slice %arg8[%multiple_of3A_78, %dma_start3A_95] : memref<10240x128xf32, #tpu.memory_space<vmem_shared>> -> memref<80x128xf32, #tpu.memory_space<vmem_shared>>
      tpu.enqueue_dma source(%dma_start3A_96 : memref<80x128xf32, #tpu.memory_space<vmem_shared>>) target(%dma_start3A_94 : memref<80x128xf32, #tpu.memory_space<vmem>>) target_semaphore(%run_scoped3A : memref<!tpu.dma_semaphore, #tpu.memory_space<semaphore_mem>>)
      %dma_wait3A = arith.constant 0 : i32
      %dma_wait3A_97 = arith.constant 0 : i32
      %dma_wait3A_98 = tpu.memref_slice %arg7[%dma_wait3A, %dma_wait3A_97] : memref<128x128xf32, #tpu.memory_space<vmem>> -> memref<80x128xf32, #tpu.memory_space<vmem>>
      %dma_wait3A_99 = arith.constant 0 : i32
      %dma_wait3A_100 = tpu.memref_slice %arg8[%multiple_of3A_78, %dma_wait3A_99] : memref<10240x128xf32, #tpu.memory_space<vmem_shared>> -> memref<80x128xf32, #tpu.memory_space<vmem_shared>>
      %dma_wait3A_101 = arith.constant 0 : i32
      %dma_wait3A_102 = arith.constant 0 : i32
      %dma_wait3A_103 = tpu.memref_slice %arg7[%dma_wait3A_101, %dma_wait3A_102] : memref<128x128xf32, #tpu.memory_space<vmem>> -> memref<80x128xf32, #tpu.memory_space<vmem>>
      %dma_wait3A_104 = arith.constant 0 : i32
      %dma_wait3A_105 = tpu.memref_slice %arg8[%multiple_of3A_78, %dma_wait3A_104] : memref<10240x128xf32, #tpu.memory_space<vmem_shared>> -> memref<80x128xf32, #tpu.memory_space<vmem_shared>>
      tpu.wait_dma2 semaphore(%run_scoped3A : memref<!tpu.dma_semaphore, #tpu.memory_space<semaphore_mem>>) src(%dma_wait3A_105 : memref<80x128xf32, #tpu.memory_space<vmem_shared>>) dst(%dma_wait3A_103 : memref<80x128xf32, #tpu.memory_space<vmem>>)
      tpu.yield
    }) : () -> ()
    "tpu.region"() ({
      %run_scoped3A = tpu.sem_alloc : memref<!tpu.dma_semaphore, #tpu.memory_space<semaphore_mem>>
      %dma_start3A = arith.constant 0 : i32
      %dma_start3A_88 = arith.constant 0 : i32
      %dma_start3A_89 = tpu.memref_slice %arg7[%dma_start3A, %dma_start3A_88] : memref<128x128xf32, #tpu.memory_space<vmem>> -> memref<80x128xf32, #tpu.memory_space<vmem>>
      %dma_start3A_90 = arith.constant 0 : i32
      %dma_start3A_91 = tpu.memref_slice %arg5[%multiple_of3A_81, %dma_start3A_90] : memref<20480x128xf32, #tpu.memory_space<hbm>> -> memref<80x128xf32, #tpu.memory_space<hbm>>
      %dma_start3A_92 = arith.constant 0 : i32
      %dma_start3A_93 = tpu.memref_slice %arg5[%multiple_of3A_81, %dma_start3A_92] : memref<20480x128xf32, #tpu.memory_space<hbm>> -> memref<80x128xf32, #tpu.memory_space<hbm>>
      %dma_start3A_94 = arith.constant 0 : i32
      %dma_start3A_95 = arith.constant 0 : i32
      %dma_start3A_96 = tpu.memref_slice %arg7[%dma_start3A_94, %dma_start3A_95] : memref<128x128xf32, #tpu.memory_space<vmem>> -> memref<80x128xf32, #tpu.memory_space<vmem>>
      tpu.enqueue_dma source(%dma_start3A_96 : memref<80x128xf32, #tpu.memory_space<vmem>>) target(%dma_start3A_93 : memref<80x128xf32, #tpu.memory_space<hbm>>) target_semaphore(%run_scoped3A : memref<!tpu.dma_semaphore, #tpu.memory_space<semaphore_mem>>)
      %dma_wait3A = arith.constant 0 : i32
      %dma_wait3A_97 = arith.constant 0 : i32
      %dma_wait3A_98 = tpu.memref_slice %arg7[%dma_wait3A, %dma_wait3A_97] : memref<128x128xf32, #tpu.memory_space<vmem>> -> memref<80x128xf32, #tpu.memory_space<vmem>>
      %dma_wait3A_99 = arith.constant 0 : i32
      %dma_wait3A_100 = tpu.memref_slice %arg5[%multiple_of3A_81, %dma_wait3A_99] : memref<20480x128xf32, #tpu.memory_space<hbm>> -> memref<80x128xf32, #tpu.memory_space<hbm>>
      %dma_wait3A_101 = arith.constant 0 : i32
      %dma_wait3A_102 = tpu.memref_slice %arg5[%multiple_of3A_81, %dma_wait3A_101] : memref<20480x128xf32, #tpu.memory_space<hbm>> -> memref<80x128xf32, #tpu.memory_space<hbm>>
      %dma_wait3A_103 = arith.constant 0 : i32
      %dma_wait3A_104 = arith.constant 0 : i32
      %dma_wait3A_105 = tpu.memref_slice %arg7[%dma_wait3A_103, %dma_wait3A_104] : memref<128x128xf32, #tpu.memory_space<vmem>> -> memref<80x128xf32, #tpu.memory_space<vmem>>
      tpu.wait_dma2 semaphore(%run_scoped3A : memref<!tpu.dma_semaphore, #tpu.memory_space<semaphore_mem>>) src(%dma_wait3A_105 : memref<80x128xf32, #tpu.memory_space<vmem>>) dst(%dma_wait3A_102 : memref<80x128xf32, #tpu.memory_space<hbm>>)
      tpu.yield
    }) : () -> ()
    %add3A_82 = arith.constant 560 : i32
    %add3A_83 = arith.addi %multiple_of3A, %add3A_82 : i32
    %multiple_of3A_84 = tpu.assume_multiple %add3A_83, 80 : i32
    %add3A_85 = arith.constant 560 : i32
    %add3A_86 = arith.addi %add3A_39, %add3A_85 : i32
    %multiple_of3A_87 = tpu.assume_multiple %add3A_86, 80 : i32
    "tpu.region"() ({
      %run_scoped3A = tpu.sem_alloc : memref<!tpu.dma_semaphore, #tpu.memory_space<semaphore_mem>>
      %dma_start3A = arith.constant 0 : i32
      %dma_start3A_88 = arith.constant 0 : i32
      %dma_start3A_89 = tpu.memref_slice %arg7[%dma_start3A, %dma_start3A_88] : memref<128x128xf32, #tpu.memory_space<vmem>> -> memref<80x128xf32, #tpu.memory_space<vmem>>
      %dma_start3A_90 = arith.constant 0 : i32
      %dma_start3A_91 = tpu.memref_slice %arg8[%multiple_of3A_84, %dma_start3A_90] : memref<10240x128xf32, #tpu.memory_space<vmem_shared>> -> memref<80x128xf32, #tpu.memory_space<vmem_shared>>
      %dma_start3A_92 = arith.constant 0 : i32
      %dma_start3A_93 = arith.constant 0 : i32
      %dma_start3A_94 = tpu.memref_slice %arg7[%dma_start3A_92, %dma_start3A_93] : memref<128x128xf32, #tpu.memory_space<vmem>> -> memref<80x128xf32, #tpu.memory_space<vmem>>
      %dma_start3A_95 = arith.constant 0 : i32
      %dma_start3A_96 = tpu.memref_slice %arg8[%multiple_of3A_84, %dma_start3A_95] : memref<10240x128xf32, #tpu.memory_space<vmem_shared>> -> memref<80x128xf32, #tpu.memory_space<vmem_shared>>
      tpu.enqueue_dma source(%dma_start3A_96 : memref<80x128xf32, #tpu.memory_space<vmem_shared>>) target(%dma_start3A_94 : memref<80x128xf32, #tpu.memory_space<vmem>>) target_semaphore(%run_scoped3A : memref<!tpu.dma_semaphore, #tpu.memory_space<semaphore_mem>>)
      %dma_wait3A = arith.constant 0 : i32
      %dma_wait3A_97 = arith.constant 0 : i32
      %dma_wait3A_98 = tpu.memref_slice %arg7[%dma_wait3A, %dma_wait3A_97] : memref<128x128xf32, #tpu.memory_space<vmem>> -> memref<80x128xf32, #tpu.memory_space<vmem>>
      %dma_wait3A_99 = arith.constant 0 : i32
      %dma_wait3A_100 = tpu.memref_slice %arg8[%multiple_of3A_84, %dma_wait3A_99] : memref<10240x128xf32, #tpu.memory_space<vmem_shared>> -> memref<80x128xf32, #tpu.memory_space<vmem_shared>>
      %dma_wait3A_101 = arith.constant 0 : i32
      %dma_wait3A_102 = arith.constant 0 : i32
      %dma_wait3A_103 = tpu.memref_slice %arg7[%dma_wait3A_101, %dma_wait3A_102] : memref<128x128xf32, #tpu.memory_space<vmem>> -> memref<80x128xf32, #tpu.memory_space<vmem>>
      %dma_wait3A_104 = arith.constant 0 : i32
      %dma_wait3A_105 = tpu.memref_slice %arg8[%multiple_of3A_84, %dma_wait3A_104] : memref<10240x128xf32, #tpu.memory_space<vmem_shared>> -> memref<80x128xf32, #tpu.memory_space<vmem_shared>>
      tpu.wait_dma2 semaphore(%run_scoped3A : memref<!tpu.dma_semaphore, #tpu.memory_space<semaphore_mem>>) src(%dma_wait3A_105 : memref<80x128xf32, #tpu.memory_space<vmem_shared>>) dst(%dma_wait3A_103 : memref<80x128xf32, #tpu.memory_space<vmem>>)
      tpu.yield
    }) : () -> ()
    "tpu.region"() ({
      %run_scoped3A = tpu.sem_alloc : memref<!tpu.dma_semaphore, #tpu.memory_space<semaphore_mem>>
      %dma_start3A = arith.constant 0 : i32
      %dma_start3A_88 = arith.constant 0 : i32
      %dma_start3A_89 = tpu.memref_slice %arg7[%dma_start3A, %dma_start3A_88] : memref<128x128xf32, #tpu.memory_space<vmem>> -> memref<80x128xf32, #tpu.memory_space<vmem>>
      %dma_start3A_90 = arith.constant 0 : i32
      %dma_start3A_91 = tpu.memref_slice %arg5[%multiple_of3A_87, %dma_start3A_90] : memref<20480x128xf32, #tpu.memory_space<hbm>> -> memref<80x128xf32, #tpu.memory_space<hbm>>
      %dma_start3A_92 = arith.constant 0 : i32
      %dma_start3A_93 = tpu.memref_slice %arg5[%multiple_of3A_87, %dma_start3A_92] : memref<20480x128xf32, #tpu.memory_space<hbm>> -> memref<80x128xf32, #tpu.memory_space<hbm>>
      %dma_start3A_94 = arith.constant 0 : i32
      %dma_start3A_95 = arith.constant 0 : i32
      %dma_start3A_96 = tpu.memref_slice %arg7[%dma_start3A_94, %dma_start3A_95] : memref<128x128xf32, #tpu.memory_space<vmem>> -> memref<80x128xf32, #tpu.memory_space<vmem>>
      tpu.enqueue_dma source(%dma_start3A_96 : memref<80x128xf32, #tpu.memory_space<vmem>>) target(%dma_start3A_93 : memref<80x128xf32, #tpu.memory_space<hbm>>) target_semaphore(%run_scoped3A : memref<!tpu.dma_semaphore, #tpu.memory_space<semaphore_mem>>)
      %dma_wait3A = arith.constant 0 : i32
      %dma_wait3A_97 = arith.constant 0 : i32
      %dma_wait3A_98 = tpu.memref_slice %arg7[%dma_wait3A, %dma_wait3A_97] : memref<128x128xf32, #tpu.memory_space<vmem>> -> memref<80x128xf32, #tpu.memory_space<vmem>>
      %dma_wait3A_99 = arith.constant 0 : i32
      %dma_wait3A_100 = tpu.memref_slice %arg5[%multiple_of3A_87, %dma_wait3A_99] : memref<20480x128xf32, #tpu.memory_space<hbm>> -> memref<80x128xf32, #tpu.memory_space<hbm>>
      %dma_wait3A_101 = arith.constant 0 : i32
      %dma_wait3A_102 = tpu.memref_slice %arg5[%multiple_of3A_87, %dma_wait3A_101] : memref<20480x128xf32, #tpu.memory_space<hbm>> -> memref<80x128xf32, #tpu.memory_space<hbm>>
      %dma_wait3A_103 = arith.constant 0 : i32
      %dma_wait3A_104 = arith.constant 0 : i32
      %dma_wait3A_105 = tpu.memref_slice %arg7[%dma_wait3A_103, %dma_wait3A_104] : memref<128x128xf32, #tpu.memory_space<vmem>> -> memref<80x128xf32, #tpu.memory_space<vmem>>
      tpu.wait_dma2 semaphore(%run_scoped3A : memref<!tpu.dma_semaphore, #tpu.memory_space<semaphore_mem>>) src(%dma_wait3A_105 : memref<80x128xf32, #tpu.memory_space<vmem>>) dst(%dma_wait3A_102 : memref<80x128xf32, #tpu.memory_space<hbm>>)
      tpu.yield
    }) : () -> ()
    return
  }
}

#map = affine_map<(d0, d1) -> (0, 0)>
#map1 = affine_map<(d0, d1) -> (0)>
module attributes {stable_mosaic.version = 14 : i64} {
  func.func @_sc_sums(%arg0: i32, %arg1: i32, %arg2: memref<10000x128xf32, #tpu.memory_space<hbm>>, %arg3: memref<329952xi32, #tpu.memory_space<hbm>>, %arg4: memref<329952xi32, #tpu.memory_space<hbm>>, %arg5: memref<128x128xf32, #tpu.memory_space<hbm>>, %arg6: memref<20480x128xf32, #tpu.memory_space<hbm>>, %arg7: memref<224xi32, #tpu.memory_space<vmem>>, %arg8: memref<224xi32, #tpu.memory_space<vmem>>, %arg9: memref<2x112xi32, #tpu.memory_space<vmem>>, %arg10: memref<112x128xf32, #tpu.memory_space<vmem>>, %arg11: memref<112x128xf32, #tpu.memory_space<vmem>>, %arg12: memref<10240x128xf32, #tpu.memory_space<vmem_shared>>, %arg13: memref<!tpu.dma_semaphore, #tpu.memory_space<semaphore_mem>>, %arg14: memref<!tpu.dma_semaphore, #tpu.memory_space<semaphore_mem>>) attributes {dimension_semantics = [#tpu.dimension_semantics<core_parallel>, #tpu.dimension_semantics<subcore_parallel>], iteration_bounds = array<i64: 2, 16>, scalar_prefetch = 0 : i64, scratch_operands = 8 : i64, tpu.core_type = #tpu.core_type<sc_vector_subcore>, window_params = [{transform_indices = #map}, {transform_indices = #map1}, {transform_indices = #map1}, {transform_indices = #map}, {transform_indices = #map}]} {
    %mul3A = arith.constant 16 : i32
    %mul3A_0 = arith.muli %arg0, %mul3A : i32
    %add3A = arith.addi %mul3A_0, %arg1 : i32
    "tpu.region"() ({
      %run_scoped3A_102 = tpu.sem_alloc : memref<!tpu.dma_semaphore, #tpu.memory_space<semaphore_mem>>
      %dma_start3A_103 = arith.constant 0 : i32
      %dma_start3A_104 = arith.constant 0 : i32
      %dma_start3A_105 = tpu.memref_slice %arg5[%dma_start3A_103, %dma_start3A_104] : memref<128x128xf32, #tpu.memory_space<hbm>> -> memref<112x128xf32, #tpu.memory_space<hbm>>
      %dma_start3A_106 = arith.constant 0 : i32
      %dma_start3A_107 = arith.constant 0 : i32
      %dma_start3A_108 = tpu.memref_slice %arg5[%dma_start3A_106, %dma_start3A_107] : memref<128x128xf32, #tpu.memory_space<hbm>> -> memref<112x128xf32, #tpu.memory_space<hbm>>
      tpu.enqueue_dma source(%dma_start3A_108 : memref<112x128xf32, #tpu.memory_space<hbm>>) target(%arg10 : memref<112x128xf32, #tpu.memory_space<vmem>>) target_semaphore(%run_scoped3A_102 : memref<!tpu.dma_semaphore, #tpu.memory_space<semaphore_mem>>)
      %dma_wait3A_109 = arith.constant 0 : i32
      %dma_wait3A_110 = arith.constant 0 : i32
      %dma_wait3A_111 = tpu.memref_slice %arg5[%dma_wait3A_109, %dma_wait3A_110] : memref<128x128xf32, #tpu.memory_space<hbm>> -> memref<112x128xf32, #tpu.memory_space<hbm>>
      %dma_wait3A_112 = arith.constant 0 : i32
      %dma_wait3A_113 = arith.constant 0 : i32
      %dma_wait3A_114 = tpu.memref_slice %arg5[%dma_wait3A_112, %dma_wait3A_113] : memref<128x128xf32, #tpu.memory_space<hbm>> -> memref<112x128xf32, #tpu.memory_space<hbm>>
      tpu.wait_dma2 semaphore(%run_scoped3A_102 : memref<!tpu.dma_semaphore, #tpu.memory_space<semaphore_mem>>) src(%dma_wait3A_114 : memref<112x128xf32, #tpu.memory_space<hbm>>) dst(%arg10 : memref<112x128xf32, #tpu.memory_space<vmem>>)
      tpu.yield
    }) : () -> ()
    %mul3A_1 = arith.constant 640 : i32
    %mul3A_2 = arith.muli %arg1, %mul3A_1 : i32
    %multiple_of3A = tpu.assume_multiple %mul3A_2, 640 : i32
    %add3A_3 = arith.constant 0 : i32
    %add3A_4 = arith.addi %multiple_of3A, %add3A_3 : i32
    %multiple_of3A_5 = tpu.assume_multiple %add3A_4, 80 : i32
    "tpu.region"() ({
      %run_scoped3A_102 = tpu.sem_alloc : memref<!tpu.dma_semaphore, #tpu.memory_space<semaphore_mem>>
      %dma_start3A_103 = arith.constant 0 : i32
      %dma_start3A_104 = arith.constant 0 : i32
      %dma_start3A_105 = tpu.memref_slice %arg10[%dma_start3A_103, %dma_start3A_104] : memref<112x128xf32, #tpu.memory_space<vmem>> -> memref<80x128xf32, #tpu.memory_space<vmem>>
      %dma_start3A_106 = arith.constant 0 : i32
      %dma_start3A_107 = tpu.memref_slice %arg12[%multiple_of3A_5, %dma_start3A_106] : memref<10240x128xf32, #tpu.memory_space<vmem_shared>> -> memref<80x128xf32, #tpu.memory_space<vmem_shared>>
      %dma_start3A_108 = arith.constant 0 : i32
      %dma_start3A_109 = tpu.memref_slice %arg12[%multiple_of3A_5, %dma_start3A_108] : memref<10240x128xf32, #tpu.memory_space<vmem_shared>> -> memref<80x128xf32, #tpu.memory_space<vmem_shared>>
      %dma_start3A_110 = arith.constant 0 : i32
      %dma_start3A_111 = arith.constant 0 : i32
      %dma_start3A_112 = tpu.memref_slice %arg10[%dma_start3A_110, %dma_start3A_111] : memref<112x128xf32, #tpu.memory_space<vmem>> -> memref<80x128xf32, #tpu.memory_space<vmem>>
      tpu.enqueue_dma source(%dma_start3A_112 : memref<80x128xf32, #tpu.memory_space<vmem>>) target(%dma_start3A_109 : memref<80x128xf32, #tpu.memory_space<vmem_shared>>) target_semaphore(%run_scoped3A_102 : memref<!tpu.dma_semaphore, #tpu.memory_space<semaphore_mem>>)
      %dma_wait3A_113 = arith.constant 0 : i32
      %dma_wait3A_114 = arith.constant 0 : i32
      %dma_wait3A_115 = tpu.memref_slice %arg10[%dma_wait3A_113, %dma_wait3A_114] : memref<112x128xf32, #tpu.memory_space<vmem>> -> memref<80x128xf32, #tpu.memory_space<vmem>>
      %dma_wait3A_116 = arith.constant 0 : i32
      %dma_wait3A_117 = tpu.memref_slice %arg12[%multiple_of3A_5, %dma_wait3A_116] : memref<10240x128xf32, #tpu.memory_space<vmem_shared>> -> memref<80x128xf32, #tpu.memory_space<vmem_shared>>
      %dma_wait3A_118 = arith.constant 0 : i32
      %dma_wait3A_119 = tpu.memref_slice %arg12[%multiple_of3A_5, %dma_wait3A_118] : memref<10240x128xf32, #tpu.memory_space<vmem_shared>> -> memref<80x128xf32, #tpu.memory_space<vmem_shared>>
      %dma_wait3A_120 = arith.constant 0 : i32
      %dma_wait3A_121 = arith.constant 0 : i32
      %dma_wait3A_122 = tpu.memref_slice %arg10[%dma_wait3A_120, %dma_wait3A_121] : memref<112x128xf32, #tpu.memory_space<vmem>> -> memref<80x128xf32, #tpu.memory_space<vmem>>
      tpu.wait_dma2 semaphore(%run_scoped3A_102 : memref<!tpu.dma_semaphore, #tpu.memory_space<semaphore_mem>>) src(%dma_wait3A_122 : memref<80x128xf32, #tpu.memory_space<vmem>>) dst(%dma_wait3A_119 : memref<80x128xf32, #tpu.memory_space<vmem_shared>>)
      tpu.yield
    }) : () -> ()
    %add3A_6 = arith.constant 80 : i32
    %add3A_7 = arith.addi %multiple_of3A, %add3A_6 : i32
    %multiple_of3A_8 = tpu.assume_multiple %add3A_7, 80 : i32
    "tpu.region"() ({
      %run_scoped3A_102 = tpu.sem_alloc : memref<!tpu.dma_semaphore, #tpu.memory_space<semaphore_mem>>
      %dma_start3A_103 = arith.constant 0 : i32
      %dma_start3A_104 = arith.constant 0 : i32
      %dma_start3A_105 = tpu.memref_slice %arg10[%dma_start3A_103, %dma_start3A_104] : memref<112x128xf32, #tpu.memory_space<vmem>> -> memref<80x128xf32, #tpu.memory_space<vmem>>
      %dma_start3A_106 = arith.constant 0 : i32
      %dma_start3A_107 = tpu.memref_slice %arg12[%multiple_of3A_8, %dma_start3A_106] : memref<10240x128xf32, #tpu.memory_space<vmem_shared>> -> memref<80x128xf32, #tpu.memory_space<vmem_shared>>
      %dma_start3A_108 = arith.constant 0 : i32
      %dma_start3A_109 = tpu.memref_slice %arg12[%multiple_of3A_8, %dma_start3A_108] : memref<10240x128xf32, #tpu.memory_space<vmem_shared>> -> memref<80x128xf32, #tpu.memory_space<vmem_shared>>
      %dma_start3A_110 = arith.constant 0 : i32
      %dma_start3A_111 = arith.constant 0 : i32
      %dma_start3A_112 = tpu.memref_slice %arg10[%dma_start3A_110, %dma_start3A_111] : memref<112x128xf32, #tpu.memory_space<vmem>> -> memref<80x128xf32, #tpu.memory_space<vmem>>
      tpu.enqueue_dma source(%dma_start3A_112 : memref<80x128xf32, #tpu.memory_space<vmem>>) target(%dma_start3A_109 : memref<80x128xf32, #tpu.memory_space<vmem_shared>>) target_semaphore(%run_scoped3A_102 : memref<!tpu.dma_semaphore, #tpu.memory_space<semaphore_mem>>)
      %dma_wait3A_113 = arith.constant 0 : i32
      %dma_wait3A_114 = arith.constant 0 : i32
      %dma_wait3A_115 = tpu.memref_slice %arg10[%dma_wait3A_113, %dma_wait3A_114] : memref<112x128xf32, #tpu.memory_space<vmem>> -> memref<80x128xf32, #tpu.memory_space<vmem>>
      %dma_wait3A_116 = arith.constant 0 : i32
      %dma_wait3A_117 = tpu.memref_slice %arg12[%multiple_of3A_8, %dma_wait3A_116] : memref<10240x128xf32, #tpu.memory_space<vmem_shared>> -> memref<80x128xf32, #tpu.memory_space<vmem_shared>>
      %dma_wait3A_118 = arith.constant 0 : i32
      %dma_wait3A_119 = tpu.memref_slice %arg12[%multiple_of3A_8, %dma_wait3A_118] : memref<10240x128xf32, #tpu.memory_space<vmem_shared>> -> memref<80x128xf32, #tpu.memory_space<vmem_shared>>
      %dma_wait3A_120 = arith.constant 0 : i32
      %dma_wait3A_121 = arith.constant 0 : i32
      %dma_wait3A_122 = tpu.memref_slice %arg10[%dma_wait3A_120, %dma_wait3A_121] : memref<112x128xf32, #tpu.memory_space<vmem>> -> memref<80x128xf32, #tpu.memory_space<vmem>>
      tpu.wait_dma2 semaphore(%run_scoped3A_102 : memref<!tpu.dma_semaphore, #tpu.memory_space<semaphore_mem>>) src(%dma_wait3A_122 : memref<80x128xf32, #tpu.memory_space<vmem>>) dst(%dma_wait3A_119 : memref<80x128xf32, #tpu.memory_space<vmem_shared>>)
      tpu.yield
    }) : () -> ()
    %add3A_9 = arith.constant 160 : i32
    %add3A_10 = arith.addi %multiple_of3A, %add3A_9 : i32
    %multiple_of3A_11 = tpu.assume_multiple %add3A_10, 80 : i32
    "tpu.region"() ({
      %run_scoped3A_102 = tpu.sem_alloc : memref<!tpu.dma_semaphore, #tpu.memory_space<semaphore_mem>>
      %dma_start3A_103 = arith.constant 0 : i32
      %dma_start3A_104 = arith.constant 0 : i32
      %dma_start3A_105 = tpu.memref_slice %arg10[%dma_start3A_103, %dma_start3A_104] : memref<112x128xf32, #tpu.memory_space<vmem>> -> memref<80x128xf32, #tpu.memory_space<vmem>>
      %dma_start3A_106 = arith.constant 0 : i32
      %dma_start3A_107 = tpu.memref_slice %arg12[%multiple_of3A_11, %dma_start3A_106] : memref<10240x128xf32, #tpu.memory_space<vmem_shared>> -> memref<80x128xf32, #tpu.memory_space<vmem_shared>>
      %dma_start3A_108 = arith.constant 0 : i32
      %dma_start3A_109 = tpu.memref_slice %arg12[%multiple_of3A_11, %dma_start3A_108] : memref<10240x128xf32, #tpu.memory_space<vmem_shared>> -> memref<80x128xf32, #tpu.memory_space<vmem_shared>>
      %dma_start3A_110 = arith.constant 0 : i32
      %dma_start3A_111 = arith.constant 0 : i32
      %dma_start3A_112 = tpu.memref_slice %arg10[%dma_start3A_110, %dma_start3A_111] : memref<112x128xf32, #tpu.memory_space<vmem>> -> memref<80x128xf32, #tpu.memory_space<vmem>>
      tpu.enqueue_dma source(%dma_start3A_112 : memref<80x128xf32, #tpu.memory_space<vmem>>) target(%dma_start3A_109 : memref<80x128xf32, #tpu.memory_space<vmem_shared>>) target_semaphore(%run_scoped3A_102 : memref<!tpu.dma_semaphore, #tpu.memory_space<semaphore_mem>>)
      %dma_wait3A_113 = arith.constant 0 : i32
      %dma_wait3A_114 = arith.constant 0 : i32
      %dma_wait3A_115 = tpu.memref_slice %arg10[%dma_wait3A_113, %dma_wait3A_114] : memref<112x128xf32, #tpu.memory_space<vmem>> -> memref<80x128xf32, #tpu.memory_space<vmem>>
      %dma_wait3A_116 = arith.constant 0 : i32
      %dma_wait3A_117 = tpu.memref_slice %arg12[%multiple_of3A_11, %dma_wait3A_116] : memref<10240x128xf32, #tpu.memory_space<vmem_shared>> -> memref<80x128xf32, #tpu.memory_space<vmem_shared>>
      %dma_wait3A_118 = arith.constant 0 : i32
      %dma_wait3A_119 = tpu.memref_slice %arg12[%multiple_of3A_11, %dma_wait3A_118] : memref<10240x128xf32, #tpu.memory_space<vmem_shared>> -> memref<80x128xf32, #tpu.memory_space<vmem_shared>>
      %dma_wait3A_120 = arith.constant 0 : i32
      %dma_wait3A_121 = arith.constant 0 : i32
      %dma_wait3A_122 = tpu.memref_slice %arg10[%dma_wait3A_120, %dma_wait3A_121] : memref<112x128xf32, #tpu.memory_space<vmem>> -> memref<80x128xf32, #tpu.memory_space<vmem>>
      tpu.wait_dma2 semaphore(%run_scoped3A_102 : memref<!tpu.dma_semaphore, #tpu.memory_space<semaphore_mem>>) src(%dma_wait3A_122 : memref<80x128xf32, #tpu.memory_space<vmem>>) dst(%dma_wait3A_119 : memref<80x128xf32, #tpu.memory_space<vmem_shared>>)
      tpu.yield
    }) : () -> ()
    %add3A_12 = arith.constant 240 : i32
    %add3A_13 = arith.addi %multiple_of3A, %add3A_12 : i32
    %multiple_of3A_14 = tpu.assume_multiple %add3A_13, 80 : i32
    "tpu.region"() ({
      %run_scoped3A_102 = tpu.sem_alloc : memref<!tpu.dma_semaphore, #tpu.memory_space<semaphore_mem>>
      %dma_start3A_103 = arith.constant 0 : i32
      %dma_start3A_104 = arith.constant 0 : i32
      %dma_start3A_105 = tpu.memref_slice %arg10[%dma_start3A_103, %dma_start3A_104] : memref<112x128xf32, #tpu.memory_space<vmem>> -> memref<80x128xf32, #tpu.memory_space<vmem>>
      %dma_start3A_106 = arith.constant 0 : i32
      %dma_start3A_107 = tpu.memref_slice %arg12[%multiple_of3A_14, %dma_start3A_106] : memref<10240x128xf32, #tpu.memory_space<vmem_shared>> -> memref<80x128xf32, #tpu.memory_space<vmem_shared>>
      %dma_start3A_108 = arith.constant 0 : i32
      %dma_start3A_109 = tpu.memref_slice %arg12[%multiple_of3A_14, %dma_start3A_108] : memref<10240x128xf32, #tpu.memory_space<vmem_shared>> -> memref<80x128xf32, #tpu.memory_space<vmem_shared>>
      %dma_start3A_110 = arith.constant 0 : i32
      %dma_start3A_111 = arith.constant 0 : i32
      %dma_start3A_112 = tpu.memref_slice %arg10[%dma_start3A_110, %dma_start3A_111] : memref<112x128xf32, #tpu.memory_space<vmem>> -> memref<80x128xf32, #tpu.memory_space<vmem>>
      tpu.enqueue_dma source(%dma_start3A_112 : memref<80x128xf32, #tpu.memory_space<vmem>>) target(%dma_start3A_109 : memref<80x128xf32, #tpu.memory_space<vmem_shared>>) target_semaphore(%run_scoped3A_102 : memref<!tpu.dma_semaphore, #tpu.memory_space<semaphore_mem>>)
      %dma_wait3A_113 = arith.constant 0 : i32
      %dma_wait3A_114 = arith.constant 0 : i32
      %dma_wait3A_115 = tpu.memref_slice %arg10[%dma_wait3A_113, %dma_wait3A_114] : memref<112x128xf32, #tpu.memory_space<vmem>> -> memref<80x128xf32, #tpu.memory_space<vmem>>
      %dma_wait3A_116 = arith.constant 0 : i32
      %dma_wait3A_117 = tpu.memref_slice %arg12[%multiple_of3A_14, %dma_wait3A_116] : memref<10240x128xf32, #tpu.memory_space<vmem_shared>> -> memref<80x128xf32, #tpu.memory_space<vmem_shared>>
      %dma_wait3A_118 = arith.constant 0 : i32
      %dma_wait3A_119 = tpu.memref_slice %arg12[%multiple_of3A_14, %dma_wait3A_118] : memref<10240x128xf32, #tpu.memory_space<vmem_shared>> -> memref<80x128xf32, #tpu.memory_space<vmem_shared>>
      %dma_wait3A_120 = arith.constant 0 : i32
      %dma_wait3A_121 = arith.constant 0 : i32
      %dma_wait3A_122 = tpu.memref_slice %arg10[%dma_wait3A_120, %dma_wait3A_121] : memref<112x128xf32, #tpu.memory_space<vmem>> -> memref<80x128xf32, #tpu.memory_space<vmem>>
      tpu.wait_dma2 semaphore(%run_scoped3A_102 : memref<!tpu.dma_semaphore, #tpu.memory_space<semaphore_mem>>) src(%dma_wait3A_122 : memref<80x128xf32, #tpu.memory_space<vmem>>) dst(%dma_wait3A_119 : memref<80x128xf32, #tpu.memory_space<vmem_shared>>)
      tpu.yield
    }) : () -> ()
    %add3A_15 = arith.constant 320 : i32
    %add3A_16 = arith.addi %multiple_of3A, %add3A_15 : i32
    %multiple_of3A_17 = tpu.assume_multiple %add3A_16, 80 : i32
    "tpu.region"() ({
      %run_scoped3A_102 = tpu.sem_alloc : memref<!tpu.dma_semaphore, #tpu.memory_space<semaphore_mem>>
      %dma_start3A_103 = arith.constant 0 : i32
      %dma_start3A_104 = arith.constant 0 : i32
      %dma_start3A_105 = tpu.memref_slice %arg10[%dma_start3A_103, %dma_start3A_104] : memref<112x128xf32, #tpu.memory_space<vmem>> -> memref<80x128xf32, #tpu.memory_space<vmem>>
      %dma_start3A_106 = arith.constant 0 : i32
      %dma_start3A_107 = tpu.memref_slice %arg12[%multiple_of3A_17, %dma_start3A_106] : memref<10240x128xf32, #tpu.memory_space<vmem_shared>> -> memref<80x128xf32, #tpu.memory_space<vmem_shared>>
      %dma_start3A_108 = arith.constant 0 : i32
      %dma_start3A_109 = tpu.memref_slice %arg12[%multiple_of3A_17, %dma_start3A_108] : memref<10240x128xf32, #tpu.memory_space<vmem_shared>> -> memref<80x128xf32, #tpu.memory_space<vmem_shared>>
      %dma_start3A_110 = arith.constant 0 : i32
      %dma_start3A_111 = arith.constant 0 : i32
      %dma_start3A_112 = tpu.memref_slice %arg10[%dma_start3A_110, %dma_start3A_111] : memref<112x128xf32, #tpu.memory_space<vmem>> -> memref<80x128xf32, #tpu.memory_space<vmem>>
      tpu.enqueue_dma source(%dma_start3A_112 : memref<80x128xf32, #tpu.memory_space<vmem>>) target(%dma_start3A_109 : memref<80x128xf32, #tpu.memory_space<vmem_shared>>) target_semaphore(%run_scoped3A_102 : memref<!tpu.dma_semaphore, #tpu.memory_space<semaphore_mem>>)
      %dma_wait3A_113 = arith.constant 0 : i32
      %dma_wait3A_114 = arith.constant 0 : i32
      %dma_wait3A_115 = tpu.memref_slice %arg10[%dma_wait3A_113, %dma_wait3A_114] : memref<112x128xf32, #tpu.memory_space<vmem>> -> memref<80x128xf32, #tpu.memory_space<vmem>>
      %dma_wait3A_116 = arith.constant 0 : i32
      %dma_wait3A_117 = tpu.memref_slice %arg12[%multiple_of3A_17, %dma_wait3A_116] : memref<10240x128xf32, #tpu.memory_space<vmem_shared>> -> memref<80x128xf32, #tpu.memory_space<vmem_shared>>
      %dma_wait3A_118 = arith.constant 0 : i32
      %dma_wait3A_119 = tpu.memref_slice %arg12[%multiple_of3A_17, %dma_wait3A_118] : memref<10240x128xf32, #tpu.memory_space<vmem_shared>> -> memref<80x128xf32, #tpu.memory_space<vmem_shared>>
      %dma_wait3A_120 = arith.constant 0 : i32
      %dma_wait3A_121 = arith.constant 0 : i32
      %dma_wait3A_122 = tpu.memref_slice %arg10[%dma_wait3A_120, %dma_wait3A_121] : memref<112x128xf32, #tpu.memory_space<vmem>> -> memref<80x128xf32, #tpu.memory_space<vmem>>
      tpu.wait_dma2 semaphore(%run_scoped3A_102 : memref<!tpu.dma_semaphore, #tpu.memory_space<semaphore_mem>>) src(%dma_wait3A_122 : memref<80x128xf32, #tpu.memory_space<vmem>>) dst(%dma_wait3A_119 : memref<80x128xf32, #tpu.memory_space<vmem_shared>>)
      tpu.yield
    }) : () -> ()
    %add3A_18 = arith.constant 400 : i32
    %add3A_19 = arith.addi %multiple_of3A, %add3A_18 : i32
    %multiple_of3A_20 = tpu.assume_multiple %add3A_19, 80 : i32
    "tpu.region"() ({
      %run_scoped3A_102 = tpu.sem_alloc : memref<!tpu.dma_semaphore, #tpu.memory_space<semaphore_mem>>
      %dma_start3A_103 = arith.constant 0 : i32
      %dma_start3A_104 = arith.constant 0 : i32
      %dma_start3A_105 = tpu.memref_slice %arg10[%dma_start3A_103, %dma_start3A_104] : memref<112x128xf32, #tpu.memory_space<vmem>> -> memref<80x128xf32, #tpu.memory_space<vmem>>
      %dma_start3A_106 = arith.constant 0 : i32
      %dma_start3A_107 = tpu.memref_slice %arg12[%multiple_of3A_20, %dma_start3A_106] : memref<10240x128xf32, #tpu.memory_space<vmem_shared>> -> memref<80x128xf32, #tpu.memory_space<vmem_shared>>
      %dma_start3A_108 = arith.constant 0 : i32
      %dma_start3A_109 = tpu.memref_slice %arg12[%multiple_of3A_20, %dma_start3A_108] : memref<10240x128xf32, #tpu.memory_space<vmem_shared>> -> memref<80x128xf32, #tpu.memory_space<vmem_shared>>
      %dma_start3A_110 = arith.constant 0 : i32
      %dma_start3A_111 = arith.constant 0 : i32
      %dma_start3A_112 = tpu.memref_slice %arg10[%dma_start3A_110, %dma_start3A_111] : memref<112x128xf32, #tpu.memory_space<vmem>> -> memref<80x128xf32, #tpu.memory_space<vmem>>
      tpu.enqueue_dma source(%dma_start3A_112 : memref<80x128xf32, #tpu.memory_space<vmem>>) target(%dma_start3A_109 : memref<80x128xf32, #tpu.memory_space<vmem_shared>>) target_semaphore(%run_scoped3A_102 : memref<!tpu.dma_semaphore, #tpu.memory_space<semaphore_mem>>)
      %dma_wait3A_113 = arith.constant 0 : i32
      %dma_wait3A_114 = arith.constant 0 : i32
      %dma_wait3A_115 = tpu.memref_slice %arg10[%dma_wait3A_113, %dma_wait3A_114] : memref<112x128xf32, #tpu.memory_space<vmem>> -> memref<80x128xf32, #tpu.memory_space<vmem>>
      %dma_wait3A_116 = arith.constant 0 : i32
      %dma_wait3A_117 = tpu.memref_slice %arg12[%multiple_of3A_20, %dma_wait3A_116] : memref<10240x128xf32, #tpu.memory_space<vmem_shared>> -> memref<80x128xf32, #tpu.memory_space<vmem_shared>>
      %dma_wait3A_118 = arith.constant 0 : i32
      %dma_wait3A_119 = tpu.memref_slice %arg12[%multiple_of3A_20, %dma_wait3A_118] : memref<10240x128xf32, #tpu.memory_space<vmem_shared>> -> memref<80x128xf32, #tpu.memory_space<vmem_shared>>
      %dma_wait3A_120 = arith.constant 0 : i32
      %dma_wait3A_121 = arith.constant 0 : i32
      %dma_wait3A_122 = tpu.memref_slice %arg10[%dma_wait3A_120, %dma_wait3A_121] : memref<112x128xf32, #tpu.memory_space<vmem>> -> memref<80x128xf32, #tpu.memory_space<vmem>>
      tpu.wait_dma2 semaphore(%run_scoped3A_102 : memref<!tpu.dma_semaphore, #tpu.memory_space<semaphore_mem>>) src(%dma_wait3A_122 : memref<80x128xf32, #tpu.memory_space<vmem>>) dst(%dma_wait3A_119 : memref<80x128xf32, #tpu.memory_space<vmem_shared>>)
      tpu.yield
    }) : () -> ()
    %add3A_21 = arith.constant 480 : i32
    %add3A_22 = arith.addi %multiple_of3A, %add3A_21 : i32
    %multiple_of3A_23 = tpu.assume_multiple %add3A_22, 80 : i32
    "tpu.region"() ({
      %run_scoped3A_102 = tpu.sem_alloc : memref<!tpu.dma_semaphore, #tpu.memory_space<semaphore_mem>>
      %dma_start3A_103 = arith.constant 0 : i32
      %dma_start3A_104 = arith.constant 0 : i32
      %dma_start3A_105 = tpu.memref_slice %arg10[%dma_start3A_103, %dma_start3A_104] : memref<112x128xf32, #tpu.memory_space<vmem>> -> memref<80x128xf32, #tpu.memory_space<vmem>>
      %dma_start3A_106 = arith.constant 0 : i32
      %dma_start3A_107 = tpu.memref_slice %arg12[%multiple_of3A_23, %dma_start3A_106] : memref<10240x128xf32, #tpu.memory_space<vmem_shared>> -> memref<80x128xf32, #tpu.memory_space<vmem_shared>>
      %dma_start3A_108 = arith.constant 0 : i32
      %dma_start3A_109 = tpu.memref_slice %arg12[%multiple_of3A_23, %dma_start3A_108] : memref<10240x128xf32, #tpu.memory_space<vmem_shared>> -> memref<80x128xf32, #tpu.memory_space<vmem_shared>>
      %dma_start3A_110 = arith.constant 0 : i32
      %dma_start3A_111 = arith.constant 0 : i32
      %dma_start3A_112 = tpu.memref_slice %arg10[%dma_start3A_110, %dma_start3A_111] : memref<112x128xf32, #tpu.memory_space<vmem>> -> memref<80x128xf32, #tpu.memory_space<vmem>>
      tpu.enqueue_dma source(%dma_start3A_112 : memref<80x128xf32, #tpu.memory_space<vmem>>) target(%dma_start3A_109 : memref<80x128xf32, #tpu.memory_space<vmem_shared>>) target_semaphore(%run_scoped3A_102 : memref<!tpu.dma_semaphore, #tpu.memory_space<semaphore_mem>>)
      %dma_wait3A_113 = arith.constant 0 : i32
      %dma_wait3A_114 = arith.constant 0 : i32
      %dma_wait3A_115 = tpu.memref_slice %arg10[%dma_wait3A_113, %dma_wait3A_114] : memref<112x128xf32, #tpu.memory_space<vmem>> -> memref<80x128xf32, #tpu.memory_space<vmem>>
      %dma_wait3A_116 = arith.constant 0 : i32
      %dma_wait3A_117 = tpu.memref_slice %arg12[%multiple_of3A_23, %dma_wait3A_116] : memref<10240x128xf32, #tpu.memory_space<vmem_shared>> -> memref<80x128xf32, #tpu.memory_space<vmem_shared>>
      %dma_wait3A_118 = arith.constant 0 : i32
      %dma_wait3A_119 = tpu.memref_slice %arg12[%multiple_of3A_23, %dma_wait3A_118] : memref<10240x128xf32, #tpu.memory_space<vmem_shared>> -> memref<80x128xf32, #tpu.memory_space<vmem_shared>>
      %dma_wait3A_120 = arith.constant 0 : i32
      %dma_wait3A_121 = arith.constant 0 : i32
      %dma_wait3A_122 = tpu.memref_slice %arg10[%dma_wait3A_120, %dma_wait3A_121] : memref<112x128xf32, #tpu.memory_space<vmem>> -> memref<80x128xf32, #tpu.memory_space<vmem>>
      tpu.wait_dma2 semaphore(%run_scoped3A_102 : memref<!tpu.dma_semaphore, #tpu.memory_space<semaphore_mem>>) src(%dma_wait3A_122 : memref<80x128xf32, #tpu.memory_space<vmem>>) dst(%dma_wait3A_119 : memref<80x128xf32, #tpu.memory_space<vmem_shared>>)
      tpu.yield
    }) : () -> ()
    %add3A_24 = arith.constant 560 : i32
    %add3A_25 = arith.addi %multiple_of3A, %add3A_24 : i32
    %multiple_of3A_26 = tpu.assume_multiple %add3A_25, 80 : i32
    "tpu.region"() ({
      %run_scoped3A_102 = tpu.sem_alloc : memref<!tpu.dma_semaphore, #tpu.memory_space<semaphore_mem>>
      %dma_start3A_103 = arith.constant 0 : i32
      %dma_start3A_104 = arith.constant 0 : i32
      %dma_start3A_105 = tpu.memref_slice %arg10[%dma_start3A_103, %dma_start3A_104] : memref<112x128xf32, #tpu.memory_space<vmem>> -> memref<80x128xf32, #tpu.memory_space<vmem>>
      %dma_start3A_106 = arith.constant 0 : i32
      %dma_start3A_107 = tpu.memref_slice %arg12[%multiple_of3A_26, %dma_start3A_106] : memref<10240x128xf32, #tpu.memory_space<vmem_shared>> -> memref<80x128xf32, #tpu.memory_space<vmem_shared>>
      %dma_start3A_108 = arith.constant 0 : i32
      %dma_start3A_109 = tpu.memref_slice %arg12[%multiple_of3A_26, %dma_start3A_108] : memref<10240x128xf32, #tpu.memory_space<vmem_shared>> -> memref<80x128xf32, #tpu.memory_space<vmem_shared>>
      %dma_start3A_110 = arith.constant 0 : i32
      %dma_start3A_111 = arith.constant 0 : i32
      %dma_start3A_112 = tpu.memref_slice %arg10[%dma_start3A_110, %dma_start3A_111] : memref<112x128xf32, #tpu.memory_space<vmem>> -> memref<80x128xf32, #tpu.memory_space<vmem>>
      tpu.enqueue_dma source(%dma_start3A_112 : memref<80x128xf32, #tpu.memory_space<vmem>>) target(%dma_start3A_109 : memref<80x128xf32, #tpu.memory_space<vmem_shared>>) target_semaphore(%run_scoped3A_102 : memref<!tpu.dma_semaphore, #tpu.memory_space<semaphore_mem>>)
      %dma_wait3A_113 = arith.constant 0 : i32
      %dma_wait3A_114 = arith.constant 0 : i32
      %dma_wait3A_115 = tpu.memref_slice %arg10[%dma_wait3A_113, %dma_wait3A_114] : memref<112x128xf32, #tpu.memory_space<vmem>> -> memref<80x128xf32, #tpu.memory_space<vmem>>
      %dma_wait3A_116 = arith.constant 0 : i32
      %dma_wait3A_117 = tpu.memref_slice %arg12[%multiple_of3A_26, %dma_wait3A_116] : memref<10240x128xf32, #tpu.memory_space<vmem_shared>> -> memref<80x128xf32, #tpu.memory_space<vmem_shared>>
      %dma_wait3A_118 = arith.constant 0 : i32
      %dma_wait3A_119 = tpu.memref_slice %arg12[%multiple_of3A_26, %dma_wait3A_118] : memref<10240x128xf32, #tpu.memory_space<vmem_shared>> -> memref<80x128xf32, #tpu.memory_space<vmem_shared>>
      %dma_wait3A_120 = arith.constant 0 : i32
      %dma_wait3A_121 = arith.constant 0 : i32
      %dma_wait3A_122 = tpu.memref_slice %arg10[%dma_wait3A_120, %dma_wait3A_121] : memref<112x128xf32, #tpu.memory_space<vmem>> -> memref<80x128xf32, #tpu.memory_space<vmem>>
      tpu.wait_dma2 semaphore(%run_scoped3A_102 : memref<!tpu.dma_semaphore, #tpu.memory_space<semaphore_mem>>) src(%dma_wait3A_122 : memref<80x128xf32, #tpu.memory_space<vmem>>) dst(%dma_wait3A_119 : memref<80x128xf32, #tpu.memory_space<vmem_shared>>)
      tpu.yield
    }) : () -> ()
    %barrier3A = arith.constant 0 : index
    tpu.barrier barrier_id(%barrier3A)
    %mul3A_27 = arith.constant 10304 : i32
    %mul3A_28 = arith.muli %add3A, %mul3A_27 : i32
    %multiple_of3A_29 = tpu.assume_multiple %mul3A_28, 224 : i32
    "tpu.region"() ({
      %run_scoped3A_102 = tpu.sem_alloc : memref<!tpu.dma_semaphore, #tpu.memory_space<semaphore_mem>>
      %dma_start3A_103 = tpu.memref_slice %arg3[%multiple_of3A_29] : memref<329952xi32, #tpu.memory_space<hbm>> -> memref<224xi32, #tpu.memory_space<hbm>>
      %dma_start3A_104 = tpu.memref_slice %arg3[%multiple_of3A_29] : memref<329952xi32, #tpu.memory_space<hbm>> -> memref<224xi32, #tpu.memory_space<hbm>>
      tpu.enqueue_dma source(%dma_start3A_104 : memref<224xi32, #tpu.memory_space<hbm>>) target(%arg7 : memref<224xi32, #tpu.memory_space<vmem>>) target_semaphore(%run_scoped3A_102 : memref<!tpu.dma_semaphore, #tpu.memory_space<semaphore_mem>>)
      %dma_wait3A_105 = tpu.memref_slice %arg3[%multiple_of3A_29] : memref<329952xi32, #tpu.memory_space<hbm>> -> memref<224xi32, #tpu.memory_space<hbm>>
      %dma_wait3A_106 = tpu.memref_slice %arg3[%multiple_of3A_29] : memref<329952xi32, #tpu.memory_space<hbm>> -> memref<224xi32, #tpu.memory_space<hbm>>
      tpu.wait_dma2 semaphore(%run_scoped3A_102 : memref<!tpu.dma_semaphore, #tpu.memory_space<semaphore_mem>>) src(%dma_wait3A_106 : memref<224xi32, #tpu.memory_space<hbm>>) dst(%arg7 : memref<224xi32, #tpu.memory_space<vmem>>)
      tpu.yield
    }) : () -> ()
    %multiple_of3A_30 = tpu.assume_multiple %mul3A_28, 112 : i32
    %run_scoped3A = arith.constant 0 : i32
    "tpu.region"() ({
      %run_scoped3A_102 = tpu.sem_alloc : memref<!tpu.dma_semaphore, #tpu.memory_space<semaphore_mem>>
      %dma_start3A_103 = arith.constant 0 : i32
      %dma_start3A_104 = tpu.memref_slice %arg9[%run_scoped3A, %dma_start3A_103] : memref<2x112xi32, #tpu.memory_space<vmem>> -> memref<1x112xi32, #tpu.memory_space<vmem>>
      %dma_start3A_105 = tpu.memref_squeeze %dma_start3A_104 : memref<1x112xi32, #tpu.memory_space<vmem>> -> memref<112xi32, #tpu.memory_space<vmem>>
      %dma_start3A_106 = tpu.memref_slice %arg4[%multiple_of3A_30] : memref<329952xi32, #tpu.memory_space<hbm>> -> memref<112xi32, #tpu.memory_space<hbm>>
      %dma_start3A_107 = arith.constant 0 : i32
      %dma_start3A_108 = tpu.memref_slice %arg9[%run_scoped3A, %dma_start3A_107] : memref<2x112xi32, #tpu.memory_space<vmem>> -> memref<1x112xi32, #tpu.memory_space<vmem>>
      %dma_start3A_109 = tpu.memref_squeeze %dma_start3A_108 : memref<1x112xi32, #tpu.memory_space<vmem>> -> memref<112xi32, #tpu.memory_space<vmem>>
      %dma_start3A_110 = tpu.memref_slice %arg4[%multiple_of3A_30] : memref<329952xi32, #tpu.memory_space<hbm>> -> memref<112xi32, #tpu.memory_space<hbm>>
      tpu.enqueue_dma source(%dma_start3A_110 : memref<112xi32, #tpu.memory_space<hbm>>) target(%dma_start3A_109 : memref<112xi32, #tpu.memory_space<vmem>>) target_semaphore(%run_scoped3A_102 : memref<!tpu.dma_semaphore, #tpu.memory_space<semaphore_mem>>)
      %dma_wait3A_111 = arith.constant 0 : i32
      %dma_wait3A_112 = tpu.memref_slice %arg9[%run_scoped3A, %dma_wait3A_111] : memref<2x112xi32, #tpu.memory_space<vmem>> -> memref<1x112xi32, #tpu.memory_space<vmem>>
      %dma_wait3A_113 = tpu.memref_squeeze %dma_wait3A_112 : memref<1x112xi32, #tpu.memory_space<vmem>> -> memref<112xi32, #tpu.memory_space<vmem>>
      %dma_wait3A_114 = tpu.memref_slice %arg4[%multiple_of3A_30] : memref<329952xi32, #tpu.memory_space<hbm>> -> memref<112xi32, #tpu.memory_space<hbm>>
      %dma_wait3A_115 = arith.constant 0 : i32
      %dma_wait3A_116 = tpu.memref_slice %arg9[%run_scoped3A, %dma_wait3A_115] : memref<2x112xi32, #tpu.memory_space<vmem>> -> memref<1x112xi32, #tpu.memory_space<vmem>>
      %dma_wait3A_117 = tpu.memref_squeeze %dma_wait3A_116 : memref<1x112xi32, #tpu.memory_space<vmem>> -> memref<112xi32, #tpu.memory_space<vmem>>
      %dma_wait3A_118 = tpu.memref_slice %arg4[%multiple_of3A_30] : memref<329952xi32, #tpu.memory_space<hbm>> -> memref<112xi32, #tpu.memory_space<hbm>>
      tpu.wait_dma2 semaphore(%run_scoped3A_102 : memref<!tpu.dma_semaphore, #tpu.memory_space<semaphore_mem>>) src(%dma_wait3A_118 : memref<112xi32, #tpu.memory_space<hbm>>) dst(%dma_wait3A_117 : memref<112xi32, #tpu.memory_space<vmem>>)
      tpu.yield
    }) : () -> ()
    %add3A_31 = arith.constant 112 : i32
    %add3A_32 = arith.addi %mul3A_28, %add3A_31 : i32
    %multiple_of3A_33 = tpu.assume_multiple %add3A_32, 112 : i32
    %run_scoped3A_34 = arith.constant 1 : i32
    "tpu.region"() ({
      %run_scoped3A_102 = tpu.sem_alloc : memref<!tpu.dma_semaphore, #tpu.memory_space<semaphore_mem>>
      %dma_start3A_103 = arith.constant 0 : i32
      %dma_start3A_104 = tpu.memref_slice %arg9[%run_scoped3A_34, %dma_start3A_103] : memref<2x112xi32, #tpu.memory_space<vmem>> -> memref<1x112xi32, #tpu.memory_space<vmem>>
      %dma_start3A_105 = tpu.memref_squeeze %dma_start3A_104 : memref<1x112xi32, #tpu.memory_space<vmem>> -> memref<112xi32, #tpu.memory_space<vmem>>
      %dma_start3A_106 = tpu.memref_slice %arg4[%multiple_of3A_33] : memref<329952xi32, #tpu.memory_space<hbm>> -> memref<112xi32, #tpu.memory_space<hbm>>
      %dma_start3A_107 = arith.constant 0 : i32
      %dma_start3A_108 = tpu.memref_slice %arg9[%run_scoped3A_34, %dma_start3A_107] : memref<2x112xi32, #tpu.memory_space<vmem>> -> memref<1x112xi32, #tpu.memory_space<vmem>>
      %dma_start3A_109 = tpu.memref_squeeze %dma_start3A_108 : memref<1x112xi32, #tpu.memory_space<vmem>> -> memref<112xi32, #tpu.memory_space<vmem>>
      %dma_start3A_110 = tpu.memref_slice %arg4[%multiple_of3A_33] : memref<329952xi32, #tpu.memory_space<hbm>> -> memref<112xi32, #tpu.memory_space<hbm>>
      tpu.enqueue_dma source(%dma_start3A_110 : memref<112xi32, #tpu.memory_space<hbm>>) target(%dma_start3A_109 : memref<112xi32, #tpu.memory_space<vmem>>) target_semaphore(%run_scoped3A_102 : memref<!tpu.dma_semaphore, #tpu.memory_space<semaphore_mem>>)
      %dma_wait3A_111 = arith.constant 0 : i32
      %dma_wait3A_112 = tpu.memref_slice %arg9[%run_scoped3A_34, %dma_wait3A_111] : memref<2x112xi32, #tpu.memory_space<vmem>> -> memref<1x112xi32, #tpu.memory_space<vmem>>
      %dma_wait3A_113 = tpu.memref_squeeze %dma_wait3A_112 : memref<1x112xi32, #tpu.memory_space<vmem>> -> memref<112xi32, #tpu.memory_space<vmem>>
      %dma_wait3A_114 = tpu.memref_slice %arg4[%multiple_of3A_33] : memref<329952xi32, #tpu.memory_space<hbm>> -> memref<112xi32, #tpu.memory_space<hbm>>
      %dma_wait3A_115 = arith.constant 0 : i32
      %dma_wait3A_116 = tpu.memref_slice %arg9[%run_scoped3A_34, %dma_wait3A_115] : memref<2x112xi32, #tpu.memory_space<vmem>> -> memref<1x112xi32, #tpu.memory_space<vmem>>
      %dma_wait3A_117 = tpu.memref_squeeze %dma_wait3A_116 : memref<1x112xi32, #tpu.memory_space<vmem>> -> memref<112xi32, #tpu.memory_space<vmem>>
      %dma_wait3A_118 = tpu.memref_slice %arg4[%multiple_of3A_33] : memref<329952xi32, #tpu.memory_space<hbm>> -> memref<112xi32, #tpu.memory_space<hbm>>
      tpu.wait_dma2 semaphore(%run_scoped3A_102 : memref<!tpu.dma_semaphore, #tpu.memory_space<semaphore_mem>>) src(%dma_wait3A_118 : memref<112xi32, #tpu.memory_space<hbm>>) dst(%dma_wait3A_117 : memref<112xi32, #tpu.memory_space<vmem>>)
      tpu.yield
    }) : () -> ()
    %dma_start3A = arith.constant 0 : i32
    %dma_start3A_35 = tpu.memref_slice %arg7[%dma_start3A] : memref<224xi32, #tpu.memory_space<vmem>> -> memref<112xi32, #tpu.memory_space<vmem>>
    %dma_start3A_36 = arith.constant 0 : i32
    %dma_start3A_37 = arith.constant 0 : i32
    %dma_start3A_38 = tpu.memref_slice %arg2[%dma_start3A_36, %dma_start3A_37] : memref<10000x128xf32, #tpu.memory_space<hbm>> -> memref<10000x128xf32, #tpu.memory_space<hbm>>
    tpu.enqueue_indirect_dma source(%dma_start3A_38 : memref<10000x128xf32, #tpu.memory_space<hbm>>) target(%arg10 : memref<112x128xf32, #tpu.memory_space<vmem>>) offsets(%dma_start3A_35 : memref<112xi32, #tpu.memory_space<vmem>>) semaphore(%arg13 : memref<!tpu.dma_semaphore, #tpu.memory_space<semaphore_mem>>)
    %scan3A = arith.constant 0 : i32
    %scan3A_39 = arith.constant 0 : i32
    %scan3A_40 = arith.constant 23 : i32
    %scan3A_41 = arith.addi %scan3A_39, %scan3A_40 : i32
    %scan3A_42 = arith.constant 1 : i32
    scf.for %scan3A_102 = %scan3A_39 to %scan3A_41 step %scan3A_42  : i32 {
      %mul3A_103 = arith.constant 448 : i32
      %mul3A_104 = arith.muli %scan3A_102, %mul3A_103 : i32
      %add3A_105 = arith.addi %mul3A_28, %mul3A_104 : i32
      %dma_start3A_106 = arith.constant 112 : i32
      %dma_start3A_107 = tpu.memref_slice %arg7[%dma_start3A_106] : memref<224xi32, #tpu.memory_space<vmem>> -> memref<112xi32, #tpu.memory_space<vmem>>
      %dma_start3A_108 = arith.constant 0 : i32
      %dma_start3A_109 = arith.constant 0 : i32
      %dma_start3A_110 = tpu.memref_slice %arg2[%dma_start3A_108, %dma_start3A_109] : memref<10000x128xf32, #tpu.memory_space<hbm>> -> memref<10000x128xf32, #tpu.memory_space<hbm>>
      tpu.enqueue_indirect_dma source(%dma_start3A_110 : memref<10000x128xf32, #tpu.memory_space<hbm>>) target(%arg11 : memref<112x128xf32, #tpu.memory_space<vmem>>) offsets(%dma_start3A_107 : memref<112xi32, #tpu.memory_space<vmem>>) semaphore(%arg14 : memref<!tpu.dma_semaphore, #tpu.memory_space<semaphore_mem>>)
      %dma_wait3A_111 = arith.constant 0 : i32
      %dma_wait3A_112 = tpu.memref_slice %arg7[%dma_wait3A_111] : memref<224xi32, #tpu.memory_space<vmem>> -> memref<112xi32, #tpu.memory_space<vmem>>
      %dma_wait3A_113 = arith.constant 0 : i32
      %dma_wait3A_114 = arith.constant 0 : i32
      %dma_wait3A_115 = tpu.memref_slice %arg2[%dma_wait3A_113, %dma_wait3A_114] : memref<10000x128xf32, #tpu.memory_space<hbm>> -> memref<10000x128xf32, #tpu.memory_space<hbm>>
      tpu.wait_indirect_dma semaphore(%arg13 : memref<!tpu.dma_semaphore, #tpu.memory_space<semaphore_mem>>) src(%dma_wait3A_115 : memref<10000x128xf32, #tpu.memory_space<hbm>>) dst(%arg10 : memref<112x128xf32, #tpu.memory_space<vmem>>)
      %run_scoped3A_116 = arith.constant 0 : i32
      "tpu.region"() ({
        %run_scoped3A_172 = tpu.sem_alloc : memref<!tpu.dma_semaphore, #tpu.memory_space<semaphore_mem>>
        %dma_start3A_173 = arith.constant 0 : i32
        %dma_start3A_174 = tpu.memref_slice %arg9[%run_scoped3A_116, %dma_start3A_173] : memref<2x112xi32, #tpu.memory_space<vmem>> -> memref<1x112xi32, #tpu.memory_space<vmem>>
        %dma_start3A_175 = tpu.memref_squeeze %dma_start3A_174 : memref<1x112xi32, #tpu.memory_space<vmem>> -> memref<112xi32, #tpu.memory_space<vmem>>
        %dma_start3A_176 = arith.constant 0 : i32
        %dma_start3A_177 = arith.constant 0 : i32
        %dma_start3A_178 = tpu.memref_slice %arg12[%dma_start3A_176, %dma_start3A_177] : memref<10240x128xf32, #tpu.memory_space<vmem_shared>> -> memref<10240x128xf32, #tpu.memory_space<vmem_shared>>
        tpu.enqueue_indirect_dma source(%arg10 : memref<112x128xf32, #tpu.memory_space<vmem>>) target(%dma_start3A_178 : memref<10240x128xf32, #tpu.memory_space<vmem_shared>>) offsets(%dma_start3A_175 : memref<112xi32, #tpu.memory_space<vmem>>) semaphore(%run_scoped3A_172 : memref<!tpu.dma_semaphore, #tpu.memory_space<semaphore_mem>>) {add = true}
        %dma_wait3A_179 = arith.constant 0 : i32
        %dma_wait3A_180 = tpu.memref_slice %arg9[%run_scoped3A_116, %dma_wait3A_179] : memref<2x112xi32, #tpu.memory_space<vmem>> -> memref<1x112xi32, #tpu.memory_space<vmem>>
        %dma_wait3A_181 = tpu.memref_squeeze %dma_wait3A_180 : memref<1x112xi32, #tpu.memory_space<vmem>> -> memref<112xi32, #tpu.memory_space<vmem>>
        %dma_wait3A_182 = arith.constant 0 : i32
        %dma_wait3A_183 = arith.constant 0 : i32
        %dma_wait3A_184 = tpu.memref_slice %arg12[%dma_wait3A_182, %dma_wait3A_183] : memref<10240x128xf32, #tpu.memory_space<vmem_shared>> -> memref<10240x128xf32, #tpu.memory_space<vmem_shared>>
        tpu.wait_indirect_dma semaphore(%run_scoped3A_172 : memref<!tpu.dma_semaphore, #tpu.memory_space<semaphore_mem>>) src(%arg10 : memref<112x128xf32, #tpu.memory_space<vmem>>) dst(%dma_wait3A_184 : memref<10240x128xf32, #tpu.memory_space<vmem_shared>>)
        tpu.yield
      }) : () -> ()
      %add3A_117 = arith.constant 224 : i32
      %add3A_118 = arith.addi %add3A_105, %add3A_117 : i32
      %multiple_of3A_119 = tpu.assume_multiple %add3A_118, 224 : i32
      "tpu.region"() ({
        %run_scoped3A_172 = tpu.sem_alloc : memref<!tpu.dma_semaphore, #tpu.memory_space<semaphore_mem>>
        %dma_start3A_173 = tpu.memref_slice %arg3[%multiple_of3A_119] : memref<329952xi32, #tpu.memory_space<hbm>> -> memref<224xi32, #tpu.memory_space<hbm>>
        %dma_start3A_174 = tpu.memref_slice %arg3[%multiple_of3A_119] : memref<329952xi32, #tpu.memory_space<hbm>> -> memref<224xi32, #tpu.memory_space<hbm>>
        tpu.enqueue_dma source(%dma_start3A_174 : memref<224xi32, #tpu.memory_space<hbm>>) target(%arg8 : memref<224xi32, #tpu.memory_space<vmem>>) target_semaphore(%run_scoped3A_172 : memref<!tpu.dma_semaphore, #tpu.memory_space<semaphore_mem>>)
        %dma_wait3A_175 = tpu.memref_slice %arg3[%multiple_of3A_119] : memref<329952xi32, #tpu.memory_space<hbm>> -> memref<224xi32, #tpu.memory_space<hbm>>
        %dma_wait3A_176 = tpu.memref_slice %arg3[%multiple_of3A_119] : memref<329952xi32, #tpu.memory_space<hbm>> -> memref<224xi32, #tpu.memory_space<hbm>>
        tpu.wait_dma2 semaphore(%run_scoped3A_172 : memref<!tpu.dma_semaphore, #tpu.memory_space<semaphore_mem>>) src(%dma_wait3A_176 : memref<224xi32, #tpu.memory_space<hbm>>) dst(%arg8 : memref<224xi32, #tpu.memory_space<vmem>>)
        tpu.yield
      }) : () -> ()
      %dma_start3A_120 = arith.constant 0 : i32
      %dma_start3A_121 = tpu.memref_slice %arg8[%dma_start3A_120] : memref<224xi32, #tpu.memory_space<vmem>> -> memref<112xi32, #tpu.memory_space<vmem>>
      %dma_start3A_122 = arith.constant 0 : i32
      %dma_start3A_123 = arith.constant 0 : i32
      %dma_start3A_124 = tpu.memref_slice %arg2[%dma_start3A_122, %dma_start3A_123] : memref<10000x128xf32, #tpu.memory_space<hbm>> -> memref<10000x128xf32, #tpu.memory_space<hbm>>
      tpu.enqueue_indirect_dma source(%dma_start3A_124 : memref<10000x128xf32, #tpu.memory_space<hbm>>) target(%arg10 : memref<112x128xf32, #tpu.memory_space<vmem>>) offsets(%dma_start3A_121 : memref<112xi32, #tpu.memory_space<vmem>>) semaphore(%arg13 : memref<!tpu.dma_semaphore, #tpu.memory_space<semaphore_mem>>)
      %dma_wait3A_125 = arith.constant 112 : i32
      %dma_wait3A_126 = tpu.memref_slice %arg7[%dma_wait3A_125] : memref<224xi32, #tpu.memory_space<vmem>> -> memref<112xi32, #tpu.memory_space<vmem>>
      %dma_wait3A_127 = arith.constant 0 : i32
      %dma_wait3A_128 = arith.constant 0 : i32
      %dma_wait3A_129 = tpu.memref_slice %arg2[%dma_wait3A_127, %dma_wait3A_128] : memref<10000x128xf32, #tpu.memory_space<hbm>> -> memref<10000x128xf32, #tpu.memory_space<hbm>>
      tpu.wait_indirect_dma semaphore(%arg14 : memref<!tpu.dma_semaphore, #tpu.memory_space<semaphore_mem>>) src(%dma_wait3A_129 : memref<10000x128xf32, #tpu.memory_space<hbm>>) dst(%arg11 : memref<112x128xf32, #tpu.memory_space<vmem>>)
      %run_scoped3A_130 = arith.constant 1 : i32
      "tpu.region"() ({
        %run_scoped3A_172 = tpu.sem_alloc : memref<!tpu.dma_semaphore, #tpu.memory_space<semaphore_mem>>
        %dma_start3A_173 = arith.constant 0 : i32
        %dma_start3A_174 = tpu.memref_slice %arg9[%run_scoped3A_130, %dma_start3A_173] : memref<2x112xi32, #tpu.memory_space<vmem>> -> memref<1x112xi32, #tpu.memory_space<vmem>>
        %dma_start3A_175 = tpu.memref_squeeze %dma_start3A_174 : memref<1x112xi32, #tpu.memory_space<vmem>> -> memref<112xi32, #tpu.memory_space<vmem>>
        %dma_start3A_176 = arith.constant 0 : i32
        %dma_start3A_177 = arith.constant 0 : i32
        %dma_start3A_178 = tpu.memref_slice %arg12[%dma_start3A_176, %dma_start3A_177] : memref<10240x128xf32, #tpu.memory_space<vmem_shared>> -> memref<10240x128xf32, #tpu.memory_space<vmem_shared>>
        tpu.enqueue_indirect_dma source(%arg11 : memref<112x128xf32, #tpu.memory_space<vmem>>) target(%dma_start3A_178 : memref<10240x128xf32, #tpu.memory_space<vmem_shared>>) offsets(%dma_start3A_175 : memref<112xi32, #tpu.memory_space<vmem>>) semaphore(%run_scoped3A_172 : memref<!tpu.dma_semaphore, #tpu.memory_space<semaphore_mem>>) {add = true}
        %dma_wait3A_179 = arith.constant 0 : i32
        %dma_wait3A_180 = tpu.memref_slice %arg9[%run_scoped3A_130, %dma_wait3A_179] : memref<2x112xi32, #tpu.memory_space<vmem>> -> memref<1x112xi32, #tpu.memory_space<vmem>>
        %dma_wait3A_181 = tpu.memref_squeeze %dma_wait3A_180 : memref<1x112xi32, #tpu.memory_space<vmem>> -> memref<112xi32, #tpu.memory_space<vmem>>
        %dma_wait3A_182 = arith.constant 0 : i32
        %dma_wait3A_183 = arith.constant 0 : i32
        %dma_wait3A_184 = tpu.memref_slice %arg12[%dma_wait3A_182, %dma_wait3A_183] : memref<10240x128xf32, #tpu.memory_space<vmem_shared>> -> memref<10240x128xf32, #tpu.memory_space<vmem_shared>>
        tpu.wait_indirect_dma semaphore(%run_scoped3A_172 : memref<!tpu.dma_semaphore, #tpu.memory_space<semaphore_mem>>) src(%arg11 : memref<112x128xf32, #tpu.memory_space<vmem>>) dst(%dma_wait3A_184 : memref<10240x128xf32, #tpu.memory_space<vmem_shared>>)
        tpu.yield
      }) : () -> ()
      %add3A_131 = arith.constant 224 : i32
      %add3A_132 = arith.addi %add3A_105, %add3A_131 : i32
      %multiple_of3A_133 = tpu.assume_multiple %add3A_132, 112 : i32
      %run_scoped3A_134 = arith.constant 0 : i32
      "tpu.region"() ({
        %run_scoped3A_172 = tpu.sem_alloc : memref<!tpu.dma_semaphore, #tpu.memory_space<semaphore_mem>>
        %dma_start3A_173 = arith.constant 0 : i32
        %dma_start3A_174 = tpu.memref_slice %arg9[%run_scoped3A_134, %dma_start3A_173] : memref<2x112xi32, #tpu.memory_space<vmem>> -> memref<1x112xi32, #tpu.memory_space<vmem>>
        %dma_start3A_175 = tpu.memref_squeeze %dma_start3A_174 : memref<1x112xi32, #tpu.memory_space<vmem>> -> memref<112xi32, #tpu.memory_space<vmem>>
        %dma_start3A_176 = tpu.memref_slice %arg4[%multiple_of3A_133] : memref<329952xi32, #tpu.memory_space<hbm>> -> memref<112xi32, #tpu.memory_space<hbm>>
        %dma_start3A_177 = arith.constant 0 : i32
        %dma_start3A_178 = tpu.memref_slice %arg9[%run_scoped3A_134, %dma_start3A_177] : memref<2x112xi32, #tpu.memory_space<vmem>> -> memref<1x112xi32, #tpu.memory_space<vmem>>
        %dma_start3A_179 = tpu.memref_squeeze %dma_start3A_178 : memref<1x112xi32, #tpu.memory_space<vmem>> -> memref<112xi32, #tpu.memory_space<vmem>>
        %dma_start3A_180 = tpu.memref_slice %arg4[%multiple_of3A_133] : memref<329952xi32, #tpu.memory_space<hbm>> -> memref<112xi32, #tpu.memory_space<hbm>>
        tpu.enqueue_dma source(%dma_start3A_180 : memref<112xi32, #tpu.memory_space<hbm>>) target(%dma_start3A_179 : memref<112xi32, #tpu.memory_space<vmem>>) target_semaphore(%run_scoped3A_172 : memref<!tpu.dma_semaphore, #tpu.memory_space<semaphore_mem>>)
        %dma_wait3A_181 = arith.constant 0 : i32
        %dma_wait3A_182 = tpu.memref_slice %arg9[%run_scoped3A_134, %dma_wait3A_181] : memref<2x112xi32, #tpu.memory_space<vmem>> -> memref<1x112xi32, #tpu.memory_space<vmem>>
        %dma_wait3A_183 = tpu.memref_squeeze %dma_wait3A_182 : memref<1x112xi32, #tpu.memory_space<vmem>> -> memref<112xi32, #tpu.memory_space<vmem>>
        %dma_wait3A_184 = tpu.memref_slice %arg4[%multiple_of3A_133] : memref<329952xi32, #tpu.memory_space<hbm>> -> memref<112xi32, #tpu.memory_space<hbm>>
        %dma_wait3A_185 = arith.constant 0 : i32
        %dma_wait3A_186 = tpu.memref_slice %arg9[%run_scoped3A_134, %dma_wait3A_185] : memref<2x112xi32, #tpu.memory_space<vmem>> -> memref<1x112xi32, #tpu.memory_space<vmem>>
        %dma_wait3A_187 = tpu.memref_squeeze %dma_wait3A_186 : memref<1x112xi32, #tpu.memory_space<vmem>> -> memref<112xi32, #tpu.memory_space<vmem>>
        %dma_wait3A_188 = tpu.memref_slice %arg4[%multiple_of3A_133] : memref<329952xi32, #tpu.memory_space<hbm>> -> memref<112xi32, #tpu.memory_space<hbm>>
        tpu.wait_dma2 semaphore(%run_scoped3A_172 : memref<!tpu.dma_semaphore, #tpu.memory_space<semaphore_mem>>) src(%dma_wait3A_188 : memref<112xi32, #tpu.memory_space<hbm>>) dst(%dma_wait3A_187 : memref<112xi32, #tpu.memory_space<vmem>>)
        tpu.yield
      }) : () -> ()
      %add3A_135 = arith.constant 112 : i32
      %add3A_136 = arith.addi %add3A_132, %add3A_135 : i32
      %multiple_of3A_137 = tpu.assume_multiple %add3A_136, 112 : i32
      %run_scoped3A_138 = arith.constant 1 : i32
      "tpu.region"() ({
        %run_scoped3A_172 = tpu.sem_alloc : memref<!tpu.dma_semaphore, #tpu.memory_space<semaphore_mem>>
        %dma_start3A_173 = arith.constant 0 : i32
        %dma_start3A_174 = tpu.memref_slice %arg9[%run_scoped3A_138, %dma_start3A_173] : memref<2x112xi32, #tpu.memory_space<vmem>> -> memref<1x112xi32, #tpu.memory_space<vmem>>
        %dma_start3A_175 = tpu.memref_squeeze %dma_start3A_174 : memref<1x112xi32, #tpu.memory_space<vmem>> -> memref<112xi32, #tpu.memory_space<vmem>>
        %dma_start3A_176 = tpu.memref_slice %arg4[%multiple_of3A_137] : memref<329952xi32, #tpu.memory_space<hbm>> -> memref<112xi32, #tpu.memory_space<hbm>>
        %dma_start3A_177 = arith.constant 0 : i32
        %dma_start3A_178 = tpu.memref_slice %arg9[%run_scoped3A_138, %dma_start3A_177] : memref<2x112xi32, #tpu.memory_space<vmem>> -> memref<1x112xi32, #tpu.memory_space<vmem>>
        %dma_start3A_179 = tpu.memref_squeeze %dma_start3A_178 : memref<1x112xi32, #tpu.memory_space<vmem>> -> memref<112xi32, #tpu.memory_space<vmem>>
        %dma_start3A_180 = tpu.memref_slice %arg4[%multiple_of3A_137] : memref<329952xi32, #tpu.memory_space<hbm>> -> memref<112xi32, #tpu.memory_space<hbm>>
        tpu.enqueue_dma source(%dma_start3A_180 : memref<112xi32, #tpu.memory_space<hbm>>) target(%dma_start3A_179 : memref<112xi32, #tpu.memory_space<vmem>>) target_semaphore(%run_scoped3A_172 : memref<!tpu.dma_semaphore, #tpu.memory_space<semaphore_mem>>)
        %dma_wait3A_181 = arith.constant 0 : i32
        %dma_wait3A_182 = tpu.memref_slice %arg9[%run_scoped3A_138, %dma_wait3A_181] : memref<2x112xi32, #tpu.memory_space<vmem>> -> memref<1x112xi32, #tpu.memory_space<vmem>>
        %dma_wait3A_183 = tpu.memref_squeeze %dma_wait3A_182 : memref<1x112xi32, #tpu.memory_space<vmem>> -> memref<112xi32, #tpu.memory_space<vmem>>
        %dma_wait3A_184 = tpu.memref_slice %arg4[%multiple_of3A_137] : memref<329952xi32, #tpu.memory_space<hbm>> -> memref<112xi32, #tpu.memory_space<hbm>>
        %dma_wait3A_185 = arith.constant 0 : i32
        %dma_wait3A_186 = tpu.memref_slice %arg9[%run_scoped3A_138, %dma_wait3A_185] : memref<2x112xi32, #tpu.memory_space<vmem>> -> memref<1x112xi32, #tpu.memory_space<vmem>>
        %dma_wait3A_187 = tpu.memref_squeeze %dma_wait3A_186 : memref<1x112xi32, #tpu.memory_space<vmem>> -> memref<112xi32, #tpu.memory_space<vmem>>
        %dma_wait3A_188 = tpu.memref_slice %arg4[%multiple_of3A_137] : memref<329952xi32, #tpu.memory_space<hbm>> -> memref<112xi32, #tpu.memory_space<hbm>>
        tpu.wait_dma2 semaphore(%run_scoped3A_172 : memref<!tpu.dma_semaphore, #tpu.memory_space<semaphore_mem>>) src(%dma_wait3A_188 : memref<112xi32, #tpu.memory_space<hbm>>) dst(%dma_wait3A_187 : memref<112xi32, #tpu.memory_space<vmem>>)
        tpu.yield
      }) : () -> ()
      %dma_start3A_139 = arith.constant 112 : i32
      %dma_start3A_140 = tpu.memref_slice %arg8[%dma_start3A_139] : memref<224xi32, #tpu.memory_space<vmem>> -> memref<112xi32, #tpu.memory_space<vmem>>
      %dma_start3A_141 = arith.constant 0 : i32
      %dma_start3A_142 = arith.constant 0 : i32
      %dma_start3A_143 = tpu.memref_slice %arg2[%dma_start3A_141, %dma_start3A_142] : memref<10000x128xf32, #tpu.memory_space<hbm>> -> memref<10000x128xf32, #tpu.memory_space<hbm>>
      tpu.enqueue_indirect_dma source(%dma_start3A_143 : memref<10000x128xf32, #tpu.memory_space<hbm>>) target(%arg11 : memref<112x128xf32, #tpu.memory_space<vmem>>) offsets(%dma_start3A_140 : memref<112xi32, #tpu.memory_space<vmem>>) semaphore(%arg14 : memref<!tpu.dma_semaphore, #tpu.memory_space<semaphore_mem>>)
      %dma_wait3A_144 = arith.constant 0 : i32
      %dma_wait3A_145 = tpu.memref_slice %arg8[%dma_wait3A_144] : memref<224xi32, #tpu.memory_space<vmem>> -> memref<112xi32, #tpu.memory_space<vmem>>
      %dma_wait3A_146 = arith.constant 0 : i32
      %dma_wait3A_147 = arith.constant 0 : i32
      %dma_wait3A_148 = tpu.memref_slice %arg2[%dma_wait3A_146, %dma_wait3A_147] : memref<10000x128xf32, #tpu.memory_space<hbm>> -> memref<10000x128xf32, #tpu.memory_space<hbm>>
      tpu.wait_indirect_dma semaphore(%arg13 : memref<!tpu.dma_semaphore, #tpu.memory_space<semaphore_mem>>) src(%dma_wait3A_148 : memref<10000x128xf32, #tpu.memory_space<hbm>>) dst(%arg10 : memref<112x128xf32, #tpu.memory_space<vmem>>)
      %run_scoped3A_149 = arith.constant 0 : i32
      "tpu.region"() ({
        %run_scoped3A_172 = tpu.sem_alloc : memref<!tpu.dma_semaphore, #tpu.memory_space<semaphore_mem>>
        %dma_start3A_173 = arith.constant 0 : i32
        %dma_start3A_174 = tpu.memref_slice %arg9[%run_scoped3A_149, %dma_start3A_173] : memref<2x112xi32, #tpu.memory_space<vmem>> -> memref<1x112xi32, #tpu.memory_space<vmem>>
        %dma_start3A_175 = tpu.memref_squeeze %dma_start3A_174 : memref<1x112xi32, #tpu.memory_space<vmem>> -> memref<112xi32, #tpu.memory_space<vmem>>
        %dma_start3A_176 = arith.constant 0 : i32
        %dma_start3A_177 = arith.constant 0 : i32
        %dma_start3A_178 = tpu.memref_slice %arg12[%dma_start3A_176, %dma_start3A_177] : memref<10240x128xf32, #tpu.memory_space<vmem_shared>> -> memref<10240x128xf32, #tpu.memory_space<vmem_shared>>
        tpu.enqueue_indirect_dma source(%arg10 : memref<112x128xf32, #tpu.memory_space<vmem>>) target(%dma_start3A_178 : memref<10240x128xf32, #tpu.memory_space<vmem_shared>>) offsets(%dma_start3A_175 : memref<112xi32, #tpu.memory_space<vmem>>) semaphore(%run_scoped3A_172 : memref<!tpu.dma_semaphore, #tpu.memory_space<semaphore_mem>>) {add = true}
        %dma_wait3A_179 = arith.constant 0 : i32
        %dma_wait3A_180 = tpu.memref_slice %arg9[%run_scoped3A_149, %dma_wait3A_179] : memref<2x112xi32, #tpu.memory_space<vmem>> -> memref<1x112xi32, #tpu.memory_space<vmem>>
        %dma_wait3A_181 = tpu.memref_squeeze %dma_wait3A_180 : memref<1x112xi32, #tpu.memory_space<vmem>> -> memref<112xi32, #tpu.memory_space<vmem>>
        %dma_wait3A_182 = arith.constant 0 : i32
        %dma_wait3A_183 = arith.constant 0 : i32
        %dma_wait3A_184 = tpu.memref_slice %arg12[%dma_wait3A_182, %dma_wait3A_183] : memref<10240x128xf32, #tpu.memory_space<vmem_shared>> -> memref<10240x128xf32, #tpu.memory_space<vmem_shared>>
        tpu.wait_indirect_dma semaphore(%run_scoped3A_172 : memref<!tpu.dma_semaphore, #tpu.memory_space<semaphore_mem>>) src(%arg10 : memref<112x128xf32, #tpu.memory_space<vmem>>) dst(%dma_wait3A_184 : memref<10240x128xf32, #tpu.memory_space<vmem_shared>>)
        tpu.yield
      }) : () -> ()
      %add3A_150 = arith.constant 448 : i32
      %add3A_151 = arith.addi %add3A_105, %add3A_150 : i32
      %multiple_of3A_152 = tpu.assume_multiple %add3A_151, 224 : i32
      "tpu.region"() ({
        %run_scoped3A_172 = tpu.sem_alloc : memref<!tpu.dma_semaphore, #tpu.memory_space<semaphore_mem>>
        %dma_start3A_173 = tpu.memref_slice %arg3[%multiple_of3A_152] : memref<329952xi32, #tpu.memory_space<hbm>> -> memref<224xi32, #tpu.memory_space<hbm>>
        %dma_start3A_174 = tpu.memref_slice %arg3[%multiple_of3A_152] : memref<329952xi32, #tpu.memory_space<hbm>> -> memref<224xi32, #tpu.memory_space<hbm>>
        tpu.enqueue_dma source(%dma_start3A_174 : memref<224xi32, #tpu.memory_space<hbm>>) target(%arg7 : memref<224xi32, #tpu.memory_space<vmem>>) target_semaphore(%run_scoped3A_172 : memref<!tpu.dma_semaphore, #tpu.memory_space<semaphore_mem>>)
        %dma_wait3A_175 = tpu.memref_slice %arg3[%multiple_of3A_152] : memref<329952xi32, #tpu.memory_space<hbm>> -> memref<224xi32, #tpu.memory_space<hbm>>
        %dma_wait3A_176 = tpu.memref_slice %arg3[%multiple_of3A_152] : memref<329952xi32, #tpu.memory_space<hbm>> -> memref<224xi32, #tpu.memory_space<hbm>>
        tpu.wait_dma2 semaphore(%run_scoped3A_172 : memref<!tpu.dma_semaphore, #tpu.memory_space<semaphore_mem>>) src(%dma_wait3A_176 : memref<224xi32, #tpu.memory_space<hbm>>) dst(%arg7 : memref<224xi32, #tpu.memory_space<vmem>>)
        tpu.yield
      }) : () -> ()
      %dma_start3A_153 = arith.constant 0 : i32
      %dma_start3A_154 = tpu.memref_slice %arg7[%dma_start3A_153] : memref<224xi32, #tpu.memory_space<vmem>> -> memref<112xi32, #tpu.memory_space<vmem>>
      %dma_start3A_155 = arith.constant 0 : i32
      %dma_start3A_156 = arith.constant 0 : i32
      %dma_start3A_157 = tpu.memref_slice %arg2[%dma_start3A_155, %dma_start3A_156] : memref<10000x128xf32, #tpu.memory_space<hbm>> -> memref<10000x128xf32, #tpu.memory_space<hbm>>
      tpu.enqueue_indirect_dma source(%dma_start3A_157 : memref<10000x128xf32, #tpu.memory_space<hbm>>) target(%arg10 : memref<112x128xf32, #tpu.memory_space<vmem>>) offsets(%dma_start3A_154 : memref<112xi32, #tpu.memory_space<vmem>>) semaphore(%arg13 : memref<!tpu.dma_semaphore, #tpu.memory_space<semaphore_mem>>)
      %dma_wait3A_158 = arith.constant 112 : i32
      %dma_wait3A_159 = tpu.memref_slice %arg8[%dma_wait3A_158] : memref<224xi32, #tpu.memory_space<vmem>> -> memref<112xi32, #tpu.memory_space<vmem>>
      %dma_wait3A_160 = arith.constant 0 : i32
      %dma_wait3A_161 = arith.constant 0 : i32
      %dma_wait3A_162 = tpu.memref_slice %arg2[%dma_wait3A_160, %dma_wait3A_161] : memref<10000x128xf32, #tpu.memory_space<hbm>> -> memref<10000x128xf32, #tpu.memory_space<hbm>>
      tpu.wait_indirect_dma semaphore(%arg14 : memref<!tpu.dma_semaphore, #tpu.memory_space<semaphore_mem>>) src(%dma_wait3A_162 : memref<10000x128xf32, #tpu.memory_space<hbm>>) dst(%arg11 : memref<112x128xf32, #tpu.memory_space<vmem>>)
      %run_scoped3A_163 = arith.constant 1 : i32
      "tpu.region"() ({
        %run_scoped3A_172 = tpu.sem_alloc : memref<!tpu.dma_semaphore, #tpu.memory_space<semaphore_mem>>
        %dma_start3A_173 = arith.constant 0 : i32
        %dma_start3A_174 = tpu.memref_slice %arg9[%run_scoped3A_163, %dma_start3A_173] : memref<2x112xi32, #tpu.memory_space<vmem>> -> memref<1x112xi32, #tpu.memory_space<vmem>>
        %dma_start3A_175 = tpu.memref_squeeze %dma_start3A_174 : memref<1x112xi32, #tpu.memory_space<vmem>> -> memref<112xi32, #tpu.memory_space<vmem>>
        %dma_start3A_176 = arith.constant 0 : i32
        %dma_start3A_177 = arith.constant 0 : i32
        %dma_start3A_178 = tpu.memref_slice %arg12[%dma_start3A_176, %dma_start3A_177] : memref<10240x128xf32, #tpu.memory_space<vmem_shared>> -> memref<10240x128xf32, #tpu.memory_space<vmem_shared>>
        tpu.enqueue_indirect_dma source(%arg11 : memref<112x128xf32, #tpu.memory_space<vmem>>) target(%dma_start3A_178 : memref<10240x128xf32, #tpu.memory_space<vmem_shared>>) offsets(%dma_start3A_175 : memref<112xi32, #tpu.memory_space<vmem>>) semaphore(%run_scoped3A_172 : memref<!tpu.dma_semaphore, #tpu.memory_space<semaphore_mem>>) {add = true}
        %dma_wait3A_179 = arith.constant 0 : i32
        %dma_wait3A_180 = tpu.memref_slice %arg9[%run_scoped3A_163, %dma_wait3A_179] : memref<2x112xi32, #tpu.memory_space<vmem>> -> memref<1x112xi32, #tpu.memory_space<vmem>>
        %dma_wait3A_181 = tpu.memref_squeeze %dma_wait3A_180 : memref<1x112xi32, #tpu.memory_space<vmem>> -> memref<112xi32, #tpu.memory_space<vmem>>
        %dma_wait3A_182 = arith.constant 0 : i32
        %dma_wait3A_183 = arith.constant 0 : i32
        %dma_wait3A_184 = tpu.memref_slice %arg12[%dma_wait3A_182, %dma_wait3A_183] : memref<10240x128xf32, #tpu.memory_space<vmem_shared>> -> memref<10240x128xf32, #tpu.memory_space<vmem_shared>>
        tpu.wait_indirect_dma semaphore(%run_scoped3A_172 : memref<!tpu.dma_semaphore, #tpu.memory_space<semaphore_mem>>) src(%arg11 : memref<112x128xf32, #tpu.memory_space<vmem>>) dst(%dma_wait3A_184 : memref<10240x128xf32, #tpu.memory_space<vmem_shared>>)
        tpu.yield
      }) : () -> ()
      %add3A_164 = arith.constant 448 : i32
      %add3A_165 = arith.addi %add3A_105, %add3A_164 : i32
      %multiple_of3A_166 = tpu.assume_multiple %add3A_165, 112 : i32
      %run_scoped3A_167 = arith.constant 0 : i32
      "tpu.region"() ({
        %run_scoped3A_172 = tpu.sem_alloc : memref<!tpu.dma_semaphore, #tpu.memory_space<semaphore_mem>>
        %dma_start3A_173 = arith.constant 0 : i32
        %dma_start3A_174 = tpu.memref_slice %arg9[%run_scoped3A_167, %dma_start3A_173] : memref<2x112xi32, #tpu.memory_space<vmem>> -> memref<1x112xi32, #tpu.memory_space<vmem>>
        %dma_start3A_175 = tpu.memref_squeeze %dma_start3A_174 : memref<1x112xi32, #tpu.memory_space<vmem>> -> memref<112xi32, #tpu.memory_space<vmem>>
        %dma_start3A_176 = tpu.memref_slice %arg4[%multiple_of3A_166] : memref<329952xi32, #tpu.memory_space<hbm>> -> memref<112xi32, #tpu.memory_space<hbm>>
        %dma_start3A_177 = arith.constant 0 : i32
        %dma_start3A_178 = tpu.memref_slice %arg9[%run_scoped3A_167, %dma_start3A_177] : memref<2x112xi32, #tpu.memory_space<vmem>> -> memref<1x112xi32, #tpu.memory_space<vmem>>
        %dma_start3A_179 = tpu.memref_squeeze %dma_start3A_178 : memref<1x112xi32, #tpu.memory_space<vmem>> -> memref<112xi32, #tpu.memory_space<vmem>>
        %dma_start3A_180 = tpu.memref_slice %arg4[%multiple_of3A_166] : memref<329952xi32, #tpu.memory_space<hbm>> -> memref<112xi32, #tpu.memory_space<hbm>>
        tpu.enqueue_dma source(%dma_start3A_180 : memref<112xi32, #tpu.memory_space<hbm>>) target(%dma_start3A_179 : memref<112xi32, #tpu.memory_space<vmem>>) target_semaphore(%run_scoped3A_172 : memref<!tpu.dma_semaphore, #tpu.memory_space<semaphore_mem>>)
        %dma_wait3A_181 = arith.constant 0 : i32
        %dma_wait3A_182 = tpu.memref_slice %arg9[%run_scoped3A_167, %dma_wait3A_181] : memref<2x112xi32, #tpu.memory_space<vmem>> -> memref<1x112xi32, #tpu.memory_space<vmem>>
        %dma_wait3A_183 = tpu.memref_squeeze %dma_wait3A_182 : memref<1x112xi32, #tpu.memory_space<vmem>> -> memref<112xi32, #tpu.memory_space<vmem>>
        %dma_wait3A_184 = tpu.memref_slice %arg4[%multiple_of3A_166] : memref<329952xi32, #tpu.memory_space<hbm>> -> memref<112xi32, #tpu.memory_space<hbm>>
        %dma_wait3A_185 = arith.constant 0 : i32
        %dma_wait3A_186 = tpu.memref_slice %arg9[%run_scoped3A_167, %dma_wait3A_185] : memref<2x112xi32, #tpu.memory_space<vmem>> -> memref<1x112xi32, #tpu.memory_space<vmem>>
        %dma_wait3A_187 = tpu.memref_squeeze %dma_wait3A_186 : memref<1x112xi32, #tpu.memory_space<vmem>> -> memref<112xi32, #tpu.memory_space<vmem>>
        %dma_wait3A_188 = tpu.memref_slice %arg4[%multiple_of3A_166] : memref<329952xi32, #tpu.memory_space<hbm>> -> memref<112xi32, #tpu.memory_space<hbm>>
        tpu.wait_dma2 semaphore(%run_scoped3A_172 : memref<!tpu.dma_semaphore, #tpu.memory_space<semaphore_mem>>) src(%dma_wait3A_188 : memref<112xi32, #tpu.memory_space<hbm>>) dst(%dma_wait3A_187 : memref<112xi32, #tpu.memory_space<vmem>>)
        tpu.yield
      }) : () -> ()
      %add3A_168 = arith.constant 112 : i32
      %add3A_169 = arith.addi %add3A_165, %add3A_168 : i32
      %multiple_of3A_170 = tpu.assume_multiple %add3A_169, 112 : i32
      %run_scoped3A_171 = arith.constant 1 : i32
      "tpu.region"() ({
        %run_scoped3A_172 = tpu.sem_alloc : memref<!tpu.dma_semaphore, #tpu.memory_space<semaphore_mem>>
        %dma_start3A_173 = arith.constant 0 : i32
        %dma_start3A_174 = tpu.memref_slice %arg9[%run_scoped3A_171, %dma_start3A_173] : memref<2x112xi32, #tpu.memory_space<vmem>> -> memref<1x112xi32, #tpu.memory_space<vmem>>
        %dma_start3A_175 = tpu.memref_squeeze %dma_start3A_174 : memref<1x112xi32, #tpu.memory_space<vmem>> -> memref<112xi32, #tpu.memory_space<vmem>>
        %dma_start3A_176 = tpu.memref_slice %arg4[%multiple_of3A_170] : memref<329952xi32, #tpu.memory_space<hbm>> -> memref<112xi32, #tpu.memory_space<hbm>>
        %dma_start3A_177 = arith.constant 0 : i32
        %dma_start3A_178 = tpu.memref_slice %arg9[%run_scoped3A_171, %dma_start3A_177] : memref<2x112xi32, #tpu.memory_space<vmem>> -> memref<1x112xi32, #tpu.memory_space<vmem>>
        %dma_start3A_179 = tpu.memref_squeeze %dma_start3A_178 : memref<1x112xi32, #tpu.memory_space<vmem>> -> memref<112xi32, #tpu.memory_space<vmem>>
        %dma_start3A_180 = tpu.memref_slice %arg4[%multiple_of3A_170] : memref<329952xi32, #tpu.memory_space<hbm>> -> memref<112xi32, #tpu.memory_space<hbm>>
        tpu.enqueue_dma source(%dma_start3A_180 : memref<112xi32, #tpu.memory_space<hbm>>) target(%dma_start3A_179 : memref<112xi32, #tpu.memory_space<vmem>>) target_semaphore(%run_scoped3A_172 : memref<!tpu.dma_semaphore, #tpu.memory_space<semaphore_mem>>)
        %dma_wait3A_181 = arith.constant 0 : i32
        %dma_wait3A_182 = tpu.memref_slice %arg9[%run_scoped3A_171, %dma_wait3A_181] : memref<2x112xi32, #tpu.memory_space<vmem>> -> memref<1x112xi32, #tpu.memory_space<vmem>>
        %dma_wait3A_183 = tpu.memref_squeeze %dma_wait3A_182 : memref<1x112xi32, #tpu.memory_space<vmem>> -> memref<112xi32, #tpu.memory_space<vmem>>
        %dma_wait3A_184 = tpu.memref_slice %arg4[%multiple_of3A_170] : memref<329952xi32, #tpu.memory_space<hbm>> -> memref<112xi32, #tpu.memory_space<hbm>>
        %dma_wait3A_185 = arith.constant 0 : i32
        %dma_wait3A_186 = tpu.memref_slice %arg9[%run_scoped3A_171, %dma_wait3A_185] : memref<2x112xi32, #tpu.memory_space<vmem>> -> memref<1x112xi32, #tpu.memory_space<vmem>>
        %dma_wait3A_187 = tpu.memref_squeeze %dma_wait3A_186 : memref<1x112xi32, #tpu.memory_space<vmem>> -> memref<112xi32, #tpu.memory_space<vmem>>
        %dma_wait3A_188 = tpu.memref_slice %arg4[%multiple_of3A_170] : memref<329952xi32, #tpu.memory_space<hbm>> -> memref<112xi32, #tpu.memory_space<hbm>>
        tpu.wait_dma2 semaphore(%run_scoped3A_172 : memref<!tpu.dma_semaphore, #tpu.memory_space<semaphore_mem>>) src(%dma_wait3A_188 : memref<112xi32, #tpu.memory_space<hbm>>) dst(%dma_wait3A_187 : memref<112xi32, #tpu.memory_space<vmem>>)
        tpu.yield
      }) : () -> ()
    }
    %scan3A_43 = arith.constant 23 : i32
    %dma_wait3A = arith.constant 0 : i32
    %dma_wait3A_44 = tpu.memref_slice %arg7[%dma_wait3A] : memref<224xi32, #tpu.memory_space<vmem>> -> memref<112xi32, #tpu.memory_space<vmem>>
    %dma_wait3A_45 = arith.constant 0 : i32
    %dma_wait3A_46 = arith.constant 0 : i32
    %dma_wait3A_47 = tpu.memref_slice %arg2[%dma_wait3A_45, %dma_wait3A_46] : memref<10000x128xf32, #tpu.memory_space<hbm>> -> memref<10000x128xf32, #tpu.memory_space<hbm>>
    tpu.wait_indirect_dma semaphore(%arg13 : memref<!tpu.dma_semaphore, #tpu.memory_space<semaphore_mem>>) src(%dma_wait3A_47 : memref<10000x128xf32, #tpu.memory_space<hbm>>) dst(%arg10 : memref<112x128xf32, #tpu.memory_space<vmem>>)
    %barrier3A_48 = arith.constant 0 : index
    tpu.barrier barrier_id(%barrier3A_48)
    %mul3A_49 = arith.constant 10240 : i32
    %mul3A_50 = arith.muli %arg0, %mul3A_49 : i32
    %mul3A_51 = arith.constant 640 : i32
    %mul3A_52 = arith.muli %arg1, %mul3A_51 : i32
    %add3A_53 = arith.addi %mul3A_50, %mul3A_52 : i32
    %add3A_54 = arith.constant 0 : i32
    %add3A_55 = arith.addi %multiple_of3A, %add3A_54 : i32
    %multiple_of3A_56 = tpu.assume_multiple %add3A_55, 80 : i32
    %add3A_57 = arith.constant 0 : i32
    %add3A_58 = arith.addi %add3A_53, %add3A_57 : i32
    %multiple_of3A_59 = tpu.assume_multiple %add3A_58, 80 : i32
    "tpu.region"() ({
      %run_scoped3A_102 = tpu.sem_alloc : memref<!tpu.dma_semaphore, #tpu.memory_space<semaphore_mem>>
      %dma_start3A_103 = arith.constant 0 : i32
      %dma_start3A_104 = arith.constant 0 : i32
      %dma_start3A_105 = tpu.memref_slice %arg10[%dma_start3A_103, %dma_start3A_104] : memref<112x128xf32, #tpu.memory_space<vmem>> -> memref<80x128xf32, #tpu.memory_space<vmem>>
      %dma_start3A_106 = arith.constant 0 : i32
      %dma_start3A_107 = tpu.memref_slice %arg12[%multiple_of3A_56, %dma_start3A_106] : memref<10240x128xf32, #tpu.memory_space<vmem_shared>> -> memref<80x128xf32, #tpu.memory_space<vmem_shared>>
      %dma_start3A_108 = arith.constant 0 : i32
      %dma_start3A_109 = arith.constant 0 : i32
      %dma_start3A_110 = tpu.memref_slice %arg10[%dma_start3A_108, %dma_start3A_109] : memref<112x128xf32, #tpu.memory_space<vmem>> -> memref<80x128xf32, #tpu.memory_space<vmem>>
      %dma_start3A_111 = arith.constant 0 : i32
      %dma_start3A_112 = tpu.memref_slice %arg12[%multiple_of3A_56, %dma_start3A_111] : memref<10240x128xf32, #tpu.memory_space<vmem_shared>> -> memref<80x128xf32, #tpu.memory_space<vmem_shared>>
      tpu.enqueue_dma source(%dma_start3A_112 : memref<80x128xf32, #tpu.memory_space<vmem_shared>>) target(%dma_start3A_110 : memref<80x128xf32, #tpu.memory_space<vmem>>) target_semaphore(%run_scoped3A_102 : memref<!tpu.dma_semaphore, #tpu.memory_space<semaphore_mem>>)
      %dma_wait3A_113 = arith.constant 0 : i32
      %dma_wait3A_114 = arith.constant 0 : i32
      %dma_wait3A_115 = tpu.memref_slice %arg10[%dma_wait3A_113, %dma_wait3A_114] : memref<112x128xf32, #tpu.memory_space<vmem>> -> memref<80x128xf32, #tpu.memory_space<vmem>>
      %dma_wait3A_116 = arith.constant 0 : i32
      %dma_wait3A_117 = tpu.memref_slice %arg12[%multiple_of3A_56, %dma_wait3A_116] : memref<10240x128xf32, #tpu.memory_space<vmem_shared>> -> memref<80x128xf32, #tpu.memory_space<vmem_shared>>
      %dma_wait3A_118 = arith.constant 0 : i32
      %dma_wait3A_119 = arith.constant 0 : i32
      %dma_wait3A_120 = tpu.memref_slice %arg10[%dma_wait3A_118, %dma_wait3A_119] : memref<112x128xf32, #tpu.memory_space<vmem>> -> memref<80x128xf32, #tpu.memory_space<vmem>>
      %dma_wait3A_121 = arith.constant 0 : i32
      %dma_wait3A_122 = tpu.memref_slice %arg12[%multiple_of3A_56, %dma_wait3A_121] : memref<10240x128xf32, #tpu.memory_space<vmem_shared>> -> memref<80x128xf32, #tpu.memory_space<vmem_shared>>
      tpu.wait_dma2 semaphore(%run_scoped3A_102 : memref<!tpu.dma_semaphore, #tpu.memory_space<semaphore_mem>>) src(%dma_wait3A_122 : memref<80x128xf32, #tpu.memory_space<vmem_shared>>) dst(%dma_wait3A_120 : memref<80x128xf32, #tpu.memory_space<vmem>>)
      tpu.yield
    }) : () -> ()
    "tpu.region"() ({
      %run_scoped3A_102 = tpu.sem_alloc : memref<!tpu.dma_semaphore, #tpu.memory_space<semaphore_mem>>
      %dma_start3A_103 = arith.constant 0 : i32
      %dma_start3A_104 = arith.constant 0 : i32
      %dma_start3A_105 = tpu.memref_slice %arg10[%dma_start3A_103, %dma_start3A_104] : memref<112x128xf32, #tpu.memory_space<vmem>> -> memref<80x128xf32, #tpu.memory_space<vmem>>
      %dma_start3A_106 = arith.constant 0 : i32
      %dma_start3A_107 = tpu.memref_slice %arg6[%multiple_of3A_59, %dma_start3A_106] : memref<20480x128xf32, #tpu.memory_space<hbm>> -> memref<80x128xf32, #tpu.memory_space<hbm>>
      %dma_start3A_108 = arith.constant 0 : i32
      %dma_start3A_109 = tpu.memref_slice %arg6[%multiple_of3A_59, %dma_start3A_108] : memref<20480x128xf32, #tpu.memory_space<hbm>> -> memref<80x128xf32, #tpu.memory_space<hbm>>
      %dma_start3A_110 = arith.constant 0 : i32
      %dma_start3A_111 = arith.constant 0 : i32
      %dma_start3A_112 = tpu.memref_slice %arg10[%dma_start3A_110, %dma_start3A_111] : memref<112x128xf32, #tpu.memory_space<vmem>> -> memref<80x128xf32, #tpu.memory_space<vmem>>
      tpu.enqueue_dma source(%dma_start3A_112 : memref<80x128xf32, #tpu.memory_space<vmem>>) target(%dma_start3A_109 : memref<80x128xf32, #tpu.memory_space<hbm>>) target_semaphore(%run_scoped3A_102 : memref<!tpu.dma_semaphore, #tpu.memory_space<semaphore_mem>>)
      %dma_wait3A_113 = arith.constant 0 : i32
      %dma_wait3A_114 = arith.constant 0 : i32
      %dma_wait3A_115 = tpu.memref_slice %arg10[%dma_wait3A_113, %dma_wait3A_114] : memref<112x128xf32, #tpu.memory_space<vmem>> -> memref<80x128xf32, #tpu.memory_space<vmem>>
      %dma_wait3A_116 = arith.constant 0 : i32
      %dma_wait3A_117 = tpu.memref_slice %arg6[%multiple_of3A_59, %dma_wait3A_116] : memref<20480x128xf32, #tpu.memory_space<hbm>> -> memref<80x128xf32, #tpu.memory_space<hbm>>
      %dma_wait3A_118 = arith.constant 0 : i32
      %dma_wait3A_119 = tpu.memref_slice %arg6[%multiple_of3A_59, %dma_wait3A_118] : memref<20480x128xf32, #tpu.memory_space<hbm>> -> memref<80x128xf32, #tpu.memory_space<hbm>>
      %dma_wait3A_120 = arith.constant 0 : i32
      %dma_wait3A_121 = arith.constant 0 : i32
      %dma_wait3A_122 = tpu.memref_slice %arg10[%dma_wait3A_120, %dma_wait3A_121] : memref<112x128xf32, #tpu.memory_space<vmem>> -> memref<80x128xf32, #tpu.memory_space<vmem>>
      tpu.wait_dma2 semaphore(%run_scoped3A_102 : memref<!tpu.dma_semaphore, #tpu.memory_space<semaphore_mem>>) src(%dma_wait3A_122 : memref<80x128xf32, #tpu.memory_space<vmem>>) dst(%dma_wait3A_119 : memref<80x128xf32, #tpu.memory_space<hbm>>)
      tpu.yield
    }) : () -> ()
    %add3A_60 = arith.constant 80 : i32
    %add3A_61 = arith.addi %multiple_of3A, %add3A_60 : i32
    %multiple_of3A_62 = tpu.assume_multiple %add3A_61, 80 : i32
    %add3A_63 = arith.constant 80 : i32
    %add3A_64 = arith.addi %add3A_53, %add3A_63 : i32
    %multiple_of3A_65 = tpu.assume_multiple %add3A_64, 80 : i32
    "tpu.region"() ({
      %run_scoped3A_102 = tpu.sem_alloc : memref<!tpu.dma_semaphore, #tpu.memory_space<semaphore_mem>>
      %dma_start3A_103 = arith.constant 0 : i32
      %dma_start3A_104 = arith.constant 0 : i32
      %dma_start3A_105 = tpu.memref_slice %arg10[%dma_start3A_103, %dma_start3A_104] : memref<112x128xf32, #tpu.memory_space<vmem>> -> memref<80x128xf32, #tpu.memory_space<vmem>>
      %dma_start3A_106 = arith.constant 0 : i32
      %dma_start3A_107 = tpu.memref_slice %arg12[%multiple_of3A_62, %dma_start3A_106] : memref<10240x128xf32, #tpu.memory_space<vmem_shared>> -> memref<80x128xf32, #tpu.memory_space<vmem_shared>>
      %dma_start3A_108 = arith.constant 0 : i32
      %dma_start3A_109 = arith.constant 0 : i32
      %dma_start3A_110 = tpu.memref_slice %arg10[%dma_start3A_108, %dma_start3A_109] : memref<112x128xf32, #tpu.memory_space<vmem>> -> memref<80x128xf32, #tpu.memory_space<vmem>>
      %dma_start3A_111 = arith.constant 0 : i32
      %dma_start3A_112 = tpu.memref_slice %arg12[%multiple_of3A_62, %dma_start3A_111] : memref<10240x128xf32, #tpu.memory_space<vmem_shared>> -> memref<80x128xf32, #tpu.memory_space<vmem_shared>>
      tpu.enqueue_dma source(%dma_start3A_112 : memref<80x128xf32, #tpu.memory_space<vmem_shared>>) target(%dma_start3A_110 : memref<80x128xf32, #tpu.memory_space<vmem>>) target_semaphore(%run_scoped3A_102 : memref<!tpu.dma_semaphore, #tpu.memory_space<semaphore_mem>>)
      %dma_wait3A_113 = arith.constant 0 : i32
      %dma_wait3A_114 = arith.constant 0 : i32
      %dma_wait3A_115 = tpu.memref_slice %arg10[%dma_wait3A_113, %dma_wait3A_114] : memref<112x128xf32, #tpu.memory_space<vmem>> -> memref<80x128xf32, #tpu.memory_space<vmem>>
      %dma_wait3A_116 = arith.constant 0 : i32
      %dma_wait3A_117 = tpu.memref_slice %arg12[%multiple_of3A_62, %dma_wait3A_116] : memref<10240x128xf32, #tpu.memory_space<vmem_shared>> -> memref<80x128xf32, #tpu.memory_space<vmem_shared>>
      %dma_wait3A_118 = arith.constant 0 : i32
      %dma_wait3A_119 = arith.constant 0 : i32
      %dma_wait3A_120 = tpu.memref_slice %arg10[%dma_wait3A_118, %dma_wait3A_119] : memref<112x128xf32, #tpu.memory_space<vmem>> -> memref<80x128xf32, #tpu.memory_space<vmem>>
      %dma_wait3A_121 = arith.constant 0 : i32
      %dma_wait3A_122 = tpu.memref_slice %arg12[%multiple_of3A_62, %dma_wait3A_121] : memref<10240x128xf32, #tpu.memory_space<vmem_shared>> -> memref<80x128xf32, #tpu.memory_space<vmem_shared>>
      tpu.wait_dma2 semaphore(%run_scoped3A_102 : memref<!tpu.dma_semaphore, #tpu.memory_space<semaphore_mem>>) src(%dma_wait3A_122 : memref<80x128xf32, #tpu.memory_space<vmem_shared>>) dst(%dma_wait3A_120 : memref<80x128xf32, #tpu.memory_space<vmem>>)
      tpu.yield
    }) : () -> ()
    "tpu.region"() ({
      %run_scoped3A_102 = tpu.sem_alloc : memref<!tpu.dma_semaphore, #tpu.memory_space<semaphore_mem>>
      %dma_start3A_103 = arith.constant 0 : i32
      %dma_start3A_104 = arith.constant 0 : i32
      %dma_start3A_105 = tpu.memref_slice %arg10[%dma_start3A_103, %dma_start3A_104] : memref<112x128xf32, #tpu.memory_space<vmem>> -> memref<80x128xf32, #tpu.memory_space<vmem>>
      %dma_start3A_106 = arith.constant 0 : i32
      %dma_start3A_107 = tpu.memref_slice %arg6[%multiple_of3A_65, %dma_start3A_106] : memref<20480x128xf32, #tpu.memory_space<hbm>> -> memref<80x128xf32, #tpu.memory_space<hbm>>
      %dma_start3A_108 = arith.constant 0 : i32
      %dma_start3A_109 = tpu.memref_slice %arg6[%multiple_of3A_65, %dma_start3A_108] : memref<20480x128xf32, #tpu.memory_space<hbm>> -> memref<80x128xf32, #tpu.memory_space<hbm>>
      %dma_start3A_110 = arith.constant 0 : i32
      %dma_start3A_111 = arith.constant 0 : i32
      %dma_start3A_112 = tpu.memref_slice %arg10[%dma_start3A_110, %dma_start3A_111] : memref<112x128xf32, #tpu.memory_space<vmem>> -> memref<80x128xf32, #tpu.memory_space<vmem>>
      tpu.enqueue_dma source(%dma_start3A_112 : memref<80x128xf32, #tpu.memory_space<vmem>>) target(%dma_start3A_109 : memref<80x128xf32, #tpu.memory_space<hbm>>) target_semaphore(%run_scoped3A_102 : memref<!tpu.dma_semaphore, #tpu.memory_space<semaphore_mem>>)
      %dma_wait3A_113 = arith.constant 0 : i32
      %dma_wait3A_114 = arith.constant 0 : i32
      %dma_wait3A_115 = tpu.memref_slice %arg10[%dma_wait3A_113, %dma_wait3A_114] : memref<112x128xf32, #tpu.memory_space<vmem>> -> memref<80x128xf32, #tpu.memory_space<vmem>>
      %dma_wait3A_116 = arith.constant 0 : i32
      %dma_wait3A_117 = tpu.memref_slice %arg6[%multiple_of3A_65, %dma_wait3A_116] : memref<20480x128xf32, #tpu.memory_space<hbm>> -> memref<80x128xf32, #tpu.memory_space<hbm>>
      %dma_wait3A_118 = arith.constant 0 : i32
      %dma_wait3A_119 = tpu.memref_slice %arg6[%multiple_of3A_65, %dma_wait3A_118] : memref<20480x128xf32, #tpu.memory_space<hbm>> -> memref<80x128xf32, #tpu.memory_space<hbm>>
      %dma_wait3A_120 = arith.constant 0 : i32
      %dma_wait3A_121 = arith.constant 0 : i32
      %dma_wait3A_122 = tpu.memref_slice %arg10[%dma_wait3A_120, %dma_wait3A_121] : memref<112x128xf32, #tpu.memory_space<vmem>> -> memref<80x128xf32, #tpu.memory_space<vmem>>
      tpu.wait_dma2 semaphore(%run_scoped3A_102 : memref<!tpu.dma_semaphore, #tpu.memory_space<semaphore_mem>>) src(%dma_wait3A_122 : memref<80x128xf32, #tpu.memory_space<vmem>>) dst(%dma_wait3A_119 : memref<80x128xf32, #tpu.memory_space<hbm>>)
      tpu.yield
    }) : () -> ()
    %add3A_66 = arith.constant 160 : i32
    %add3A_67 = arith.addi %multiple_of3A, %add3A_66 : i32
    %multiple_of3A_68 = tpu.assume_multiple %add3A_67, 80 : i32
    %add3A_69 = arith.constant 160 : i32
    %add3A_70 = arith.addi %add3A_53, %add3A_69 : i32
    %multiple_of3A_71 = tpu.assume_multiple %add3A_70, 80 : i32
    "tpu.region"() ({
      %run_scoped3A_102 = tpu.sem_alloc : memref<!tpu.dma_semaphore, #tpu.memory_space<semaphore_mem>>
      %dma_start3A_103 = arith.constant 0 : i32
      %dma_start3A_104 = arith.constant 0 : i32
      %dma_start3A_105 = tpu.memref_slice %arg10[%dma_start3A_103, %dma_start3A_104] : memref<112x128xf32, #tpu.memory_space<vmem>> -> memref<80x128xf32, #tpu.memory_space<vmem>>
      %dma_start3A_106 = arith.constant 0 : i32
      %dma_start3A_107 = tpu.memref_slice %arg12[%multiple_of3A_68, %dma_start3A_106] : memref<10240x128xf32, #tpu.memory_space<vmem_shared>> -> memref<80x128xf32, #tpu.memory_space<vmem_shared>>
      %dma_start3A_108 = arith.constant 0 : i32
      %dma_start3A_109 = arith.constant 0 : i32
      %dma_start3A_110 = tpu.memref_slice %arg10[%dma_start3A_108, %dma_start3A_109] : memref<112x128xf32, #tpu.memory_space<vmem>> -> memref<80x128xf32, #tpu.memory_space<vmem>>
      %dma_start3A_111 = arith.constant 0 : i32
      %dma_start3A_112 = tpu.memref_slice %arg12[%multiple_of3A_68, %dma_start3A_111] : memref<10240x128xf32, #tpu.memory_space<vmem_shared>> -> memref<80x128xf32, #tpu.memory_space<vmem_shared>>
      tpu.enqueue_dma source(%dma_start3A_112 : memref<80x128xf32, #tpu.memory_space<vmem_shared>>) target(%dma_start3A_110 : memref<80x128xf32, #tpu.memory_space<vmem>>) target_semaphore(%run_scoped3A_102 : memref<!tpu.dma_semaphore, #tpu.memory_space<semaphore_mem>>)
      %dma_wait3A_113 = arith.constant 0 : i32
      %dma_wait3A_114 = arith.constant 0 : i32
      %dma_wait3A_115 = tpu.memref_slice %arg10[%dma_wait3A_113, %dma_wait3A_114] : memref<112x128xf32, #tpu.memory_space<vmem>> -> memref<80x128xf32, #tpu.memory_space<vmem>>
      %dma_wait3A_116 = arith.constant 0 : i32
      %dma_wait3A_117 = tpu.memref_slice %arg12[%multiple_of3A_68, %dma_wait3A_116] : memref<10240x128xf32, #tpu.memory_space<vmem_shared>> -> memref<80x128xf32, #tpu.memory_space<vmem_shared>>
      %dma_wait3A_118 = arith.constant 0 : i32
      %dma_wait3A_119 = arith.constant 0 : i32
      %dma_wait3A_120 = tpu.memref_slice %arg10[%dma_wait3A_118, %dma_wait3A_119] : memref<112x128xf32, #tpu.memory_space<vmem>> -> memref<80x128xf32, #tpu.memory_space<vmem>>
      %dma_wait3A_121 = arith.constant 0 : i32
      %dma_wait3A_122 = tpu.memref_slice %arg12[%multiple_of3A_68, %dma_wait3A_121] : memref<10240x128xf32, #tpu.memory_space<vmem_shared>> -> memref<80x128xf32, #tpu.memory_space<vmem_shared>>
      tpu.wait_dma2 semaphore(%run_scoped3A_102 : memref<!tpu.dma_semaphore, #tpu.memory_space<semaphore_mem>>) src(%dma_wait3A_122 : memref<80x128xf32, #tpu.memory_space<vmem_shared>>) dst(%dma_wait3A_120 : memref<80x128xf32, #tpu.memory_space<vmem>>)
      tpu.yield
    }) : () -> ()
    "tpu.region"() ({
      %run_scoped3A_102 = tpu.sem_alloc : memref<!tpu.dma_semaphore, #tpu.memory_space<semaphore_mem>>
      %dma_start3A_103 = arith.constant 0 : i32
      %dma_start3A_104 = arith.constant 0 : i32
      %dma_start3A_105 = tpu.memref_slice %arg10[%dma_start3A_103, %dma_start3A_104] : memref<112x128xf32, #tpu.memory_space<vmem>> -> memref<80x128xf32, #tpu.memory_space<vmem>>
      %dma_start3A_106 = arith.constant 0 : i32
      %dma_start3A_107 = tpu.memref_slice %arg6[%multiple_of3A_71, %dma_start3A_106] : memref<20480x128xf32, #tpu.memory_space<hbm>> -> memref<80x128xf32, #tpu.memory_space<hbm>>
      %dma_start3A_108 = arith.constant 0 : i32
      %dma_start3A_109 = tpu.memref_slice %arg6[%multiple_of3A_71, %dma_start3A_108] : memref<20480x128xf32, #tpu.memory_space<hbm>> -> memref<80x128xf32, #tpu.memory_space<hbm>>
      %dma_start3A_110 = arith.constant 0 : i32
      %dma_start3A_111 = arith.constant 0 : i32
      %dma_start3A_112 = tpu.memref_slice %arg10[%dma_start3A_110, %dma_start3A_111] : memref<112x128xf32, #tpu.memory_space<vmem>> -> memref<80x128xf32, #tpu.memory_space<vmem>>
      tpu.enqueue_dma source(%dma_start3A_112 : memref<80x128xf32, #tpu.memory_space<vmem>>) target(%dma_start3A_109 : memref<80x128xf32, #tpu.memory_space<hbm>>) target_semaphore(%run_scoped3A_102 : memref<!tpu.dma_semaphore, #tpu.memory_space<semaphore_mem>>)
      %dma_wait3A_113 = arith.constant 0 : i32
      %dma_wait3A_114 = arith.constant 0 : i32
      %dma_wait3A_115 = tpu.memref_slice %arg10[%dma_wait3A_113, %dma_wait3A_114] : memref<112x128xf32, #tpu.memory_space<vmem>> -> memref<80x128xf32, #tpu.memory_space<vmem>>
      %dma_wait3A_116 = arith.constant 0 : i32
      %dma_wait3A_117 = tpu.memref_slice %arg6[%multiple_of3A_71, %dma_wait3A_116] : memref<20480x128xf32, #tpu.memory_space<hbm>> -> memref<80x128xf32, #tpu.memory_space<hbm>>
      %dma_wait3A_118 = arith.constant 0 : i32
      %dma_wait3A_119 = tpu.memref_slice %arg6[%multiple_of3A_71, %dma_wait3A_118] : memref<20480x128xf32, #tpu.memory_space<hbm>> -> memref<80x128xf32, #tpu.memory_space<hbm>>
      %dma_wait3A_120 = arith.constant 0 : i32
      %dma_wait3A_121 = arith.constant 0 : i32
      %dma_wait3A_122 = tpu.memref_slice %arg10[%dma_wait3A_120, %dma_wait3A_121] : memref<112x128xf32, #tpu.memory_space<vmem>> -> memref<80x128xf32, #tpu.memory_space<vmem>>
      tpu.wait_dma2 semaphore(%run_scoped3A_102 : memref<!tpu.dma_semaphore, #tpu.memory_space<semaphore_mem>>) src(%dma_wait3A_122 : memref<80x128xf32, #tpu.memory_space<vmem>>) dst(%dma_wait3A_119 : memref<80x128xf32, #tpu.memory_space<hbm>>)
      tpu.yield
    }) : () -> ()
    %add3A_72 = arith.constant 240 : i32
    %add3A_73 = arith.addi %multiple_of3A, %add3A_72 : i32
    %multiple_of3A_74 = tpu.assume_multiple %add3A_73, 80 : i32
    %add3A_75 = arith.constant 240 : i32
    %add3A_76 = arith.addi %add3A_53, %add3A_75 : i32
    %multiple_of3A_77 = tpu.assume_multiple %add3A_76, 80 : i32
    "tpu.region"() ({
      %run_scoped3A_102 = tpu.sem_alloc : memref<!tpu.dma_semaphore, #tpu.memory_space<semaphore_mem>>
      %dma_start3A_103 = arith.constant 0 : i32
      %dma_start3A_104 = arith.constant 0 : i32
      %dma_start3A_105 = tpu.memref_slice %arg10[%dma_start3A_103, %dma_start3A_104] : memref<112x128xf32, #tpu.memory_space<vmem>> -> memref<80x128xf32, #tpu.memory_space<vmem>>
      %dma_start3A_106 = arith.constant 0 : i32
      %dma_start3A_107 = tpu.memref_slice %arg12[%multiple_of3A_74, %dma_start3A_106] : memref<10240x128xf32, #tpu.memory_space<vmem_shared>> -> memref<80x128xf32, #tpu.memory_space<vmem_shared>>
      %dma_start3A_108 = arith.constant 0 : i32
      %dma_start3A_109 = arith.constant 0 : i32
      %dma_start3A_110 = tpu.memref_slice %arg10[%dma_start3A_108, %dma_start3A_109] : memref<112x128xf32, #tpu.memory_space<vmem>> -> memref<80x128xf32, #tpu.memory_space<vmem>>
      %dma_start3A_111 = arith.constant 0 : i32
      %dma_start3A_112 = tpu.memref_slice %arg12[%multiple_of3A_74, %dma_start3A_111] : memref<10240x128xf32, #tpu.memory_space<vmem_shared>> -> memref<80x128xf32, #tpu.memory_space<vmem_shared>>
      tpu.enqueue_dma source(%dma_start3A_112 : memref<80x128xf32, #tpu.memory_space<vmem_shared>>) target(%dma_start3A_110 : memref<80x128xf32, #tpu.memory_space<vmem>>) target_semaphore(%run_scoped3A_102 : memref<!tpu.dma_semaphore, #tpu.memory_space<semaphore_mem>>)
      %dma_wait3A_113 = arith.constant 0 : i32
      %dma_wait3A_114 = arith.constant 0 : i32
      %dma_wait3A_115 = tpu.memref_slice %arg10[%dma_wait3A_113, %dma_wait3A_114] : memref<112x128xf32, #tpu.memory_space<vmem>> -> memref<80x128xf32, #tpu.memory_space<vmem>>
      %dma_wait3A_116 = arith.constant 0 : i32
      %dma_wait3A_117 = tpu.memref_slice %arg12[%multiple_of3A_74, %dma_wait3A_116] : memref<10240x128xf32, #tpu.memory_space<vmem_shared>> -> memref<80x128xf32, #tpu.memory_space<vmem_shared>>
      %dma_wait3A_118 = arith.constant 0 : i32
      %dma_wait3A_119 = arith.constant 0 : i32
      %dma_wait3A_120 = tpu.memref_slice %arg10[%dma_wait3A_118, %dma_wait3A_119] : memref<112x128xf32, #tpu.memory_space<vmem>> -> memref<80x128xf32, #tpu.memory_space<vmem>>
      %dma_wait3A_121 = arith.constant 0 : i32
      %dma_wait3A_122 = tpu.memref_slice %arg12[%multiple_of3A_74, %dma_wait3A_121] : memref<10240x128xf32, #tpu.memory_space<vmem_shared>> -> memref<80x128xf32, #tpu.memory_space<vmem_shared>>
      tpu.wait_dma2 semaphore(%run_scoped3A_102 : memref<!tpu.dma_semaphore, #tpu.memory_space<semaphore_mem>>) src(%dma_wait3A_122 : memref<80x128xf32, #tpu.memory_space<vmem_shared>>) dst(%dma_wait3A_120 : memref<80x128xf32, #tpu.memory_space<vmem>>)
      tpu.yield
    }) : () -> ()
    "tpu.region"() ({
      %run_scoped3A_102 = tpu.sem_alloc : memref<!tpu.dma_semaphore, #tpu.memory_space<semaphore_mem>>
      %dma_start3A_103 = arith.constant 0 : i32
      %dma_start3A_104 = arith.constant 0 : i32
      %dma_start3A_105 = tpu.memref_slice %arg10[%dma_start3A_103, %dma_start3A_104] : memref<112x128xf32, #tpu.memory_space<vmem>> -> memref<80x128xf32, #tpu.memory_space<vmem>>
      %dma_start3A_106 = arith.constant 0 : i32
      %dma_start3A_107 = tpu.memref_slice %arg6[%multiple_of3A_77, %dma_start3A_106] : memref<20480x128xf32, #tpu.memory_space<hbm>> -> memref<80x128xf32, #tpu.memory_space<hbm>>
      %dma_start3A_108 = arith.constant 0 : i32
      %dma_start3A_109 = tpu.memref_slice %arg6[%multiple_of3A_77, %dma_start3A_108] : memref<20480x128xf32, #tpu.memory_space<hbm>> -> memref<80x128xf32, #tpu.memory_space<hbm>>
      %dma_start3A_110 = arith.constant 0 : i32
      %dma_start3A_111 = arith.constant 0 : i32
      %dma_start3A_112 = tpu.memref_slice %arg10[%dma_start3A_110, %dma_start3A_111] : memref<112x128xf32, #tpu.memory_space<vmem>> -> memref<80x128xf32, #tpu.memory_space<vmem>>
      tpu.enqueue_dma source(%dma_start3A_112 : memref<80x128xf32, #tpu.memory_space<vmem>>) target(%dma_start3A_109 : memref<80x128xf32, #tpu.memory_space<hbm>>) target_semaphore(%run_scoped3A_102 : memref<!tpu.dma_semaphore, #tpu.memory_space<semaphore_mem>>)
      %dma_wait3A_113 = arith.constant 0 : i32
      %dma_wait3A_114 = arith.constant 0 : i32
      %dma_wait3A_115 = tpu.memref_slice %arg10[%dma_wait3A_113, %dma_wait3A_114] : memref<112x128xf32, #tpu.memory_space<vmem>> -> memref<80x128xf32, #tpu.memory_space<vmem>>
      %dma_wait3A_116 = arith.constant 0 : i32
      %dma_wait3A_117 = tpu.memref_slice %arg6[%multiple_of3A_77, %dma_wait3A_116] : memref<20480x128xf32, #tpu.memory_space<hbm>> -> memref<80x128xf32, #tpu.memory_space<hbm>>
      %dma_wait3A_118 = arith.constant 0 : i32
      %dma_wait3A_119 = tpu.memref_slice %arg6[%multiple_of3A_77, %dma_wait3A_118] : memref<20480x128xf32, #tpu.memory_space<hbm>> -> memref<80x128xf32, #tpu.memory_space<hbm>>
      %dma_wait3A_120 = arith.constant 0 : i32
      %dma_wait3A_121 = arith.constant 0 : i32
      %dma_wait3A_122 = tpu.memref_slice %arg10[%dma_wait3A_120, %dma_wait3A_121] : memref<112x128xf32, #tpu.memory_space<vmem>> -> memref<80x128xf32, #tpu.memory_space<vmem>>
      tpu.wait_dma2 semaphore(%run_scoped3A_102 : memref<!tpu.dma_semaphore, #tpu.memory_space<semaphore_mem>>) src(%dma_wait3A_122 : memref<80x128xf32, #tpu.memory_space<vmem>>) dst(%dma_wait3A_119 : memref<80x128xf32, #tpu.memory_space<hbm>>)
      tpu.yield
    }) : () -> ()
    %add3A_78 = arith.constant 320 : i32
    %add3A_79 = arith.addi %multiple_of3A, %add3A_78 : i32
    %multiple_of3A_80 = tpu.assume_multiple %add3A_79, 80 : i32
    %add3A_81 = arith.constant 320 : i32
    %add3A_82 = arith.addi %add3A_53, %add3A_81 : i32
    %multiple_of3A_83 = tpu.assume_multiple %add3A_82, 80 : i32
    "tpu.region"() ({
      %run_scoped3A_102 = tpu.sem_alloc : memref<!tpu.dma_semaphore, #tpu.memory_space<semaphore_mem>>
      %dma_start3A_103 = arith.constant 0 : i32
      %dma_start3A_104 = arith.constant 0 : i32
      %dma_start3A_105 = tpu.memref_slice %arg10[%dma_start3A_103, %dma_start3A_104] : memref<112x128xf32, #tpu.memory_space<vmem>> -> memref<80x128xf32, #tpu.memory_space<vmem>>
      %dma_start3A_106 = arith.constant 0 : i32
      %dma_start3A_107 = tpu.memref_slice %arg12[%multiple_of3A_80, %dma_start3A_106] : memref<10240x128xf32, #tpu.memory_space<vmem_shared>> -> memref<80x128xf32, #tpu.memory_space<vmem_shared>>
      %dma_start3A_108 = arith.constant 0 : i32
      %dma_start3A_109 = arith.constant 0 : i32
      %dma_start3A_110 = tpu.memref_slice %arg10[%dma_start3A_108, %dma_start3A_109] : memref<112x128xf32, #tpu.memory_space<vmem>> -> memref<80x128xf32, #tpu.memory_space<vmem>>
      %dma_start3A_111 = arith.constant 0 : i32
      %dma_start3A_112 = tpu.memref_slice %arg12[%multiple_of3A_80, %dma_start3A_111] : memref<10240x128xf32, #tpu.memory_space<vmem_shared>> -> memref<80x128xf32, #tpu.memory_space<vmem_shared>>
      tpu.enqueue_dma source(%dma_start3A_112 : memref<80x128xf32, #tpu.memory_space<vmem_shared>>) target(%dma_start3A_110 : memref<80x128xf32, #tpu.memory_space<vmem>>) target_semaphore(%run_scoped3A_102 : memref<!tpu.dma_semaphore, #tpu.memory_space<semaphore_mem>>)
      %dma_wait3A_113 = arith.constant 0 : i32
      %dma_wait3A_114 = arith.constant 0 : i32
      %dma_wait3A_115 = tpu.memref_slice %arg10[%dma_wait3A_113, %dma_wait3A_114] : memref<112x128xf32, #tpu.memory_space<vmem>> -> memref<80x128xf32, #tpu.memory_space<vmem>>
      %dma_wait3A_116 = arith.constant 0 : i32
      %dma_wait3A_117 = tpu.memref_slice %arg12[%multiple_of3A_80, %dma_wait3A_116] : memref<10240x128xf32, #tpu.memory_space<vmem_shared>> -> memref<80x128xf32, #tpu.memory_space<vmem_shared>>
      %dma_wait3A_118 = arith.constant 0 : i32
      %dma_wait3A_119 = arith.constant 0 : i32
      %dma_wait3A_120 = tpu.memref_slice %arg10[%dma_wait3A_118, %dma_wait3A_119] : memref<112x128xf32, #tpu.memory_space<vmem>> -> memref<80x128xf32, #tpu.memory_space<vmem>>
      %dma_wait3A_121 = arith.constant 0 : i32
      %dma_wait3A_122 = tpu.memref_slice %arg12[%multiple_of3A_80, %dma_wait3A_121] : memref<10240x128xf32, #tpu.memory_space<vmem_shared>> -> memref<80x128xf32, #tpu.memory_space<vmem_shared>>
      tpu.wait_dma2 semaphore(%run_scoped3A_102 : memref<!tpu.dma_semaphore, #tpu.memory_space<semaphore_mem>>) src(%dma_wait3A_122 : memref<80x128xf32, #tpu.memory_space<vmem_shared>>) dst(%dma_wait3A_120 : memref<80x128xf32, #tpu.memory_space<vmem>>)
      tpu.yield
    }) : () -> ()
    "tpu.region"() ({
      %run_scoped3A_102 = tpu.sem_alloc : memref<!tpu.dma_semaphore, #tpu.memory_space<semaphore_mem>>
      %dma_start3A_103 = arith.constant 0 : i32
      %dma_start3A_104 = arith.constant 0 : i32
      %dma_start3A_105 = tpu.memref_slice %arg10[%dma_start3A_103, %dma_start3A_104] : memref<112x128xf32, #tpu.memory_space<vmem>> -> memref<80x128xf32, #tpu.memory_space<vmem>>
      %dma_start3A_106 = arith.constant 0 : i32
      %dma_start3A_107 = tpu.memref_slice %arg6[%multiple_of3A_83, %dma_start3A_106] : memref<20480x128xf32, #tpu.memory_space<hbm>> -> memref<80x128xf32, #tpu.memory_space<hbm>>
      %dma_start3A_108 = arith.constant 0 : i32
      %dma_start3A_109 = tpu.memref_slice %arg6[%multiple_of3A_83, %dma_start3A_108] : memref<20480x128xf32, #tpu.memory_space<hbm>> -> memref<80x128xf32, #tpu.memory_space<hbm>>
      %dma_start3A_110 = arith.constant 0 : i32
      %dma_start3A_111 = arith.constant 0 : i32
      %dma_start3A_112 = tpu.memref_slice %arg10[%dma_start3A_110, %dma_start3A_111] : memref<112x128xf32, #tpu.memory_space<vmem>> -> memref<80x128xf32, #tpu.memory_space<vmem>>
      tpu.enqueue_dma source(%dma_start3A_112 : memref<80x128xf32, #tpu.memory_space<vmem>>) target(%dma_start3A_109 : memref<80x128xf32, #tpu.memory_space<hbm>>) target_semaphore(%run_scoped3A_102 : memref<!tpu.dma_semaphore, #tpu.memory_space<semaphore_mem>>)
      %dma_wait3A_113 = arith.constant 0 : i32
      %dma_wait3A_114 = arith.constant 0 : i32
      %dma_wait3A_115 = tpu.memref_slice %arg10[%dma_wait3A_113, %dma_wait3A_114] : memref<112x128xf32, #tpu.memory_space<vmem>> -> memref<80x128xf32, #tpu.memory_space<vmem>>
      %dma_wait3A_116 = arith.constant 0 : i32
      %dma_wait3A_117 = tpu.memref_slice %arg6[%multiple_of3A_83, %dma_wait3A_116] : memref<20480x128xf32, #tpu.memory_space<hbm>> -> memref<80x128xf32, #tpu.memory_space<hbm>>
      %dma_wait3A_118 = arith.constant 0 : i32
      %dma_wait3A_119 = tpu.memref_slice %arg6[%multiple_of3A_83, %dma_wait3A_118] : memref<20480x128xf32, #tpu.memory_space<hbm>> -> memref<80x128xf32, #tpu.memory_space<hbm>>
      %dma_wait3A_120 = arith.constant 0 : i32
      %dma_wait3A_121 = arith.constant 0 : i32
      %dma_wait3A_122 = tpu.memref_slice %arg10[%dma_wait3A_120, %dma_wait3A_121] : memref<112x128xf32, #tpu.memory_space<vmem>> -> memref<80x128xf32, #tpu.memory_space<vmem>>
      tpu.wait_dma2 semaphore(%run_scoped3A_102 : memref<!tpu.dma_semaphore, #tpu.memory_space<semaphore_mem>>) src(%dma_wait3A_122 : memref<80x128xf32, #tpu.memory_space<vmem>>) dst(%dma_wait3A_119 : memref<80x128xf32, #tpu.memory_space<hbm>>)
      tpu.yield
    }) : () -> ()
    %add3A_84 = arith.constant 400 : i32
    %add3A_85 = arith.addi %multiple_of3A, %add3A_84 : i32
    %multiple_of3A_86 = tpu.assume_multiple %add3A_85, 80 : i32
    %add3A_87 = arith.constant 400 : i32
    %add3A_88 = arith.addi %add3A_53, %add3A_87 : i32
    %multiple_of3A_89 = tpu.assume_multiple %add3A_88, 80 : i32
    "tpu.region"() ({
      %run_scoped3A_102 = tpu.sem_alloc : memref<!tpu.dma_semaphore, #tpu.memory_space<semaphore_mem>>
      %dma_start3A_103 = arith.constant 0 : i32
      %dma_start3A_104 = arith.constant 0 : i32
      %dma_start3A_105 = tpu.memref_slice %arg10[%dma_start3A_103, %dma_start3A_104] : memref<112x128xf32, #tpu.memory_space<vmem>> -> memref<80x128xf32, #tpu.memory_space<vmem>>
      %dma_start3A_106 = arith.constant 0 : i32
      %dma_start3A_107 = tpu.memref_slice %arg12[%multiple_of3A_86, %dma_start3A_106] : memref<10240x128xf32, #tpu.memory_space<vmem_shared>> -> memref<80x128xf32, #tpu.memory_space<vmem_shared>>
      %dma_start3A_108 = arith.constant 0 : i32
      %dma_start3A_109 = arith.constant 0 : i32
      %dma_start3A_110 = tpu.memref_slice %arg10[%dma_start3A_108, %dma_start3A_109] : memref<112x128xf32, #tpu.memory_space<vmem>> -> memref<80x128xf32, #tpu.memory_space<vmem>>
      %dma_start3A_111 = arith.constant 0 : i32
      %dma_start3A_112 = tpu.memref_slice %arg12[%multiple_of3A_86, %dma_start3A_111] : memref<10240x128xf32, #tpu.memory_space<vmem_shared>> -> memref<80x128xf32, #tpu.memory_space<vmem_shared>>
      tpu.enqueue_dma source(%dma_start3A_112 : memref<80x128xf32, #tpu.memory_space<vmem_shared>>) target(%dma_start3A_110 : memref<80x128xf32, #tpu.memory_space<vmem>>) target_semaphore(%run_scoped3A_102 : memref<!tpu.dma_semaphore, #tpu.memory_space<semaphore_mem>>)
      %dma_wait3A_113 = arith.constant 0 : i32
      %dma_wait3A_114 = arith.constant 0 : i32
      %dma_wait3A_115 = tpu.memref_slice %arg10[%dma_wait3A_113, %dma_wait3A_114] : memref<112x128xf32, #tpu.memory_space<vmem>> -> memref<80x128xf32, #tpu.memory_space<vmem>>
      %dma_wait3A_116 = arith.constant 0 : i32
      %dma_wait3A_117 = tpu.memref_slice %arg12[%multiple_of3A_86, %dma_wait3A_116] : memref<10240x128xf32, #tpu.memory_space<vmem_shared>> -> memref<80x128xf32, #tpu.memory_space<vmem_shared>>
      %dma_wait3A_118 = arith.constant 0 : i32
      %dma_wait3A_119 = arith.constant 0 : i32
      %dma_wait3A_120 = tpu.memref_slice %arg10[%dma_wait3A_118, %dma_wait3A_119] : memref<112x128xf32, #tpu.memory_space<vmem>> -> memref<80x128xf32, #tpu.memory_space<vmem>>
      %dma_wait3A_121 = arith.constant 0 : i32
      %dma_wait3A_122 = tpu.memref_slice %arg12[%multiple_of3A_86, %dma_wait3A_121] : memref<10240x128xf32, #tpu.memory_space<vmem_shared>> -> memref<80x128xf32, #tpu.memory_space<vmem_shared>>
      tpu.wait_dma2 semaphore(%run_scoped3A_102 : memref<!tpu.dma_semaphore, #tpu.memory_space<semaphore_mem>>) src(%dma_wait3A_122 : memref<80x128xf32, #tpu.memory_space<vmem_shared>>) dst(%dma_wait3A_120 : memref<80x128xf32, #tpu.memory_space<vmem>>)
      tpu.yield
    }) : () -> ()
    "tpu.region"() ({
      %run_scoped3A_102 = tpu.sem_alloc : memref<!tpu.dma_semaphore, #tpu.memory_space<semaphore_mem>>
      %dma_start3A_103 = arith.constant 0 : i32
      %dma_start3A_104 = arith.constant 0 : i32
      %dma_start3A_105 = tpu.memref_slice %arg10[%dma_start3A_103, %dma_start3A_104] : memref<112x128xf32, #tpu.memory_space<vmem>> -> memref<80x128xf32, #tpu.memory_space<vmem>>
      %dma_start3A_106 = arith.constant 0 : i32
      %dma_start3A_107 = tpu.memref_slice %arg6[%multiple_of3A_89, %dma_start3A_106] : memref<20480x128xf32, #tpu.memory_space<hbm>> -> memref<80x128xf32, #tpu.memory_space<hbm>>
      %dma_start3A_108 = arith.constant 0 : i32
      %dma_start3A_109 = tpu.memref_slice %arg6[%multiple_of3A_89, %dma_start3A_108] : memref<20480x128xf32, #tpu.memory_space<hbm>> -> memref<80x128xf32, #tpu.memory_space<hbm>>
      %dma_start3A_110 = arith.constant 0 : i32
      %dma_start3A_111 = arith.constant 0 : i32
      %dma_start3A_112 = tpu.memref_slice %arg10[%dma_start3A_110, %dma_start3A_111] : memref<112x128xf32, #tpu.memory_space<vmem>> -> memref<80x128xf32, #tpu.memory_space<vmem>>
      tpu.enqueue_dma source(%dma_start3A_112 : memref<80x128xf32, #tpu.memory_space<vmem>>) target(%dma_start3A_109 : memref<80x128xf32, #tpu.memory_space<hbm>>) target_semaphore(%run_scoped3A_102 : memref<!tpu.dma_semaphore, #tpu.memory_space<semaphore_mem>>)
      %dma_wait3A_113 = arith.constant 0 : i32
      %dma_wait3A_114 = arith.constant 0 : i32
      %dma_wait3A_115 = tpu.memref_slice %arg10[%dma_wait3A_113, %dma_wait3A_114] : memref<112x128xf32, #tpu.memory_space<vmem>> -> memref<80x128xf32, #tpu.memory_space<vmem>>
      %dma_wait3A_116 = arith.constant 0 : i32
      %dma_wait3A_117 = tpu.memref_slice %arg6[%multiple_of3A_89, %dma_wait3A_116] : memref<20480x128xf32, #tpu.memory_space<hbm>> -> memref<80x128xf32, #tpu.memory_space<hbm>>
      %dma_wait3A_118 = arith.constant 0 : i32
      %dma_wait3A_119 = tpu.memref_slice %arg6[%multiple_of3A_89, %dma_wait3A_118] : memref<20480x128xf32, #tpu.memory_space<hbm>> -> memref<80x128xf32, #tpu.memory_space<hbm>>
      %dma_wait3A_120 = arith.constant 0 : i32
      %dma_wait3A_121 = arith.constant 0 : i32
      %dma_wait3A_122 = tpu.memref_slice %arg10[%dma_wait3A_120, %dma_wait3A_121] : memref<112x128xf32, #tpu.memory_space<vmem>> -> memref<80x128xf32, #tpu.memory_space<vmem>>
      tpu.wait_dma2 semaphore(%run_scoped3A_102 : memref<!tpu.dma_semaphore, #tpu.memory_space<semaphore_mem>>) src(%dma_wait3A_122 : memref<80x128xf32, #tpu.memory_space<vmem>>) dst(%dma_wait3A_119 : memref<80x128xf32, #tpu.memory_space<hbm>>)
      tpu.yield
    }) : () -> ()
    %add3A_90 = arith.constant 480 : i32
    %add3A_91 = arith.addi %multiple_of3A, %add3A_90 : i32
    %multiple_of3A_92 = tpu.assume_multiple %add3A_91, 80 : i32
    %add3A_93 = arith.constant 480 : i32
    %add3A_94 = arith.addi %add3A_53, %add3A_93 : i32
    %multiple_of3A_95 = tpu.assume_multiple %add3A_94, 80 : i32
    "tpu.region"() ({
      %run_scoped3A_102 = tpu.sem_alloc : memref<!tpu.dma_semaphore, #tpu.memory_space<semaphore_mem>>
      %dma_start3A_103 = arith.constant 0 : i32
      %dma_start3A_104 = arith.constant 0 : i32
      %dma_start3A_105 = tpu.memref_slice %arg10[%dma_start3A_103, %dma_start3A_104] : memref<112x128xf32, #tpu.memory_space<vmem>> -> memref<80x128xf32, #tpu.memory_space<vmem>>
      %dma_start3A_106 = arith.constant 0 : i32
      %dma_start3A_107 = tpu.memref_slice %arg12[%multiple_of3A_92, %dma_start3A_106] : memref<10240x128xf32, #tpu.memory_space<vmem_shared>> -> memref<80x128xf32, #tpu.memory_space<vmem_shared>>
      %dma_start3A_108 = arith.constant 0 : i32
      %dma_start3A_109 = arith.constant 0 : i32
      %dma_start3A_110 = tpu.memref_slice %arg10[%dma_start3A_108, %dma_start3A_109] : memref<112x128xf32, #tpu.memory_space<vmem>> -> memref<80x128xf32, #tpu.memory_space<vmem>>
      %dma_start3A_111 = arith.constant 0 : i32
      %dma_start3A_112 = tpu.memref_slice %arg12[%multiple_of3A_92, %dma_start3A_111] : memref<10240x128xf32, #tpu.memory_space<vmem_shared>> -> memref<80x128xf32, #tpu.memory_space<vmem_shared>>
      tpu.enqueue_dma source(%dma_start3A_112 : memref<80x128xf32, #tpu.memory_space<vmem_shared>>) target(%dma_start3A_110 : memref<80x128xf32, #tpu.memory_space<vmem>>) target_semaphore(%run_scoped3A_102 : memref<!tpu.dma_semaphore, #tpu.memory_space<semaphore_mem>>)
      %dma_wait3A_113 = arith.constant 0 : i32
      %dma_wait3A_114 = arith.constant 0 : i32
      %dma_wait3A_115 = tpu.memref_slice %arg10[%dma_wait3A_113, %dma_wait3A_114] : memref<112x128xf32, #tpu.memory_space<vmem>> -> memref<80x128xf32, #tpu.memory_space<vmem>>
      %dma_wait3A_116 = arith.constant 0 : i32
      %dma_wait3A_117 = tpu.memref_slice %arg12[%multiple_of3A_92, %dma_wait3A_116] : memref<10240x128xf32, #tpu.memory_space<vmem_shared>> -> memref<80x128xf32, #tpu.memory_space<vmem_shared>>
      %dma_wait3A_118 = arith.constant 0 : i32
      %dma_wait3A_119 = arith.constant 0 : i32
      %dma_wait3A_120 = tpu.memref_slice %arg10[%dma_wait3A_118, %dma_wait3A_119] : memref<112x128xf32, #tpu.memory_space<vmem>> -> memref<80x128xf32, #tpu.memory_space<vmem>>
      %dma_wait3A_121 = arith.constant 0 : i32
      %dma_wait3A_122 = tpu.memref_slice %arg12[%multiple_of3A_92, %dma_wait3A_121] : memref<10240x128xf32, #tpu.memory_space<vmem_shared>> -> memref<80x128xf32, #tpu.memory_space<vmem_shared>>
      tpu.wait_dma2 semaphore(%run_scoped3A_102 : memref<!tpu.dma_semaphore, #tpu.memory_space<semaphore_mem>>) src(%dma_wait3A_122 : memref<80x128xf32, #tpu.memory_space<vmem_shared>>) dst(%dma_wait3A_120 : memref<80x128xf32, #tpu.memory_space<vmem>>)
      tpu.yield
    }) : () -> ()
    "tpu.region"() ({
      %run_scoped3A_102 = tpu.sem_alloc : memref<!tpu.dma_semaphore, #tpu.memory_space<semaphore_mem>>
      %dma_start3A_103 = arith.constant 0 : i32
      %dma_start3A_104 = arith.constant 0 : i32
      %dma_start3A_105 = tpu.memref_slice %arg10[%dma_start3A_103, %dma_start3A_104] : memref<112x128xf32, #tpu.memory_space<vmem>> -> memref<80x128xf32, #tpu.memory_space<vmem>>
      %dma_start3A_106 = arith.constant 0 : i32
      %dma_start3A_107 = tpu.memref_slice %arg6[%multiple_of3A_95, %dma_start3A_106] : memref<20480x128xf32, #tpu.memory_space<hbm>> -> memref<80x128xf32, #tpu.memory_space<hbm>>
      %dma_start3A_108 = arith.constant 0 : i32
      %dma_start3A_109 = tpu.memref_slice %arg6[%multiple_of3A_95, %dma_start3A_108] : memref<20480x128xf32, #tpu.memory_space<hbm>> -> memref<80x128xf32, #tpu.memory_space<hbm>>
      %dma_start3A_110 = arith.constant 0 : i32
      %dma_start3A_111 = arith.constant 0 : i32
      %dma_start3A_112 = tpu.memref_slice %arg10[%dma_start3A_110, %dma_start3A_111] : memref<112x128xf32, #tpu.memory_space<vmem>> -> memref<80x128xf32, #tpu.memory_space<vmem>>
      tpu.enqueue_dma source(%dma_start3A_112 : memref<80x128xf32, #tpu.memory_space<vmem>>) target(%dma_start3A_109 : memref<80x128xf32, #tpu.memory_space<hbm>>) target_semaphore(%run_scoped3A_102 : memref<!tpu.dma_semaphore, #tpu.memory_space<semaphore_mem>>)
      %dma_wait3A_113 = arith.constant 0 : i32
      %dma_wait3A_114 = arith.constant 0 : i32
      %dma_wait3A_115 = tpu.memref_slice %arg10[%dma_wait3A_113, %dma_wait3A_114] : memref<112x128xf32, #tpu.memory_space<vmem>> -> memref<80x128xf32, #tpu.memory_space<vmem>>
      %dma_wait3A_116 = arith.constant 0 : i32
      %dma_wait3A_117 = tpu.memref_slice %arg6[%multiple_of3A_95, %dma_wait3A_116] : memref<20480x128xf32, #tpu.memory_space<hbm>> -> memref<80x128xf32, #tpu.memory_space<hbm>>
      %dma_wait3A_118 = arith.constant 0 : i32
      %dma_wait3A_119 = tpu.memref_slice %arg6[%multiple_of3A_95, %dma_wait3A_118] : memref<20480x128xf32, #tpu.memory_space<hbm>> -> memref<80x128xf32, #tpu.memory_space<hbm>>
      %dma_wait3A_120 = arith.constant 0 : i32
      %dma_wait3A_121 = arith.constant 0 : i32
      %dma_wait3A_122 = tpu.memref_slice %arg10[%dma_wait3A_120, %dma_wait3A_121] : memref<112x128xf32, #tpu.memory_space<vmem>> -> memref<80x128xf32, #tpu.memory_space<vmem>>
      tpu.wait_dma2 semaphore(%run_scoped3A_102 : memref<!tpu.dma_semaphore, #tpu.memory_space<semaphore_mem>>) src(%dma_wait3A_122 : memref<80x128xf32, #tpu.memory_space<vmem>>) dst(%dma_wait3A_119 : memref<80x128xf32, #tpu.memory_space<hbm>>)
      tpu.yield
    }) : () -> ()
    %add3A_96 = arith.constant 560 : i32
    %add3A_97 = arith.addi %multiple_of3A, %add3A_96 : i32
    %multiple_of3A_98 = tpu.assume_multiple %add3A_97, 80 : i32
    %add3A_99 = arith.constant 560 : i32
    %add3A_100 = arith.addi %add3A_53, %add3A_99 : i32
    %multiple_of3A_101 = tpu.assume_multiple %add3A_100, 80 : i32
    "tpu.region"() ({
      %run_scoped3A_102 = tpu.sem_alloc : memref<!tpu.dma_semaphore, #tpu.memory_space<semaphore_mem>>
      %dma_start3A_103 = arith.constant 0 : i32
      %dma_start3A_104 = arith.constant 0 : i32
      %dma_start3A_105 = tpu.memref_slice %arg10[%dma_start3A_103, %dma_start3A_104] : memref<112x128xf32, #tpu.memory_space<vmem>> -> memref<80x128xf32, #tpu.memory_space<vmem>>
      %dma_start3A_106 = arith.constant 0 : i32
      %dma_start3A_107 = tpu.memref_slice %arg12[%multiple_of3A_98, %dma_start3A_106] : memref<10240x128xf32, #tpu.memory_space<vmem_shared>> -> memref<80x128xf32, #tpu.memory_space<vmem_shared>>
      %dma_start3A_108 = arith.constant 0 : i32
      %dma_start3A_109 = arith.constant 0 : i32
      %dma_start3A_110 = tpu.memref_slice %arg10[%dma_start3A_108, %dma_start3A_109] : memref<112x128xf32, #tpu.memory_space<vmem>> -> memref<80x128xf32, #tpu.memory_space<vmem>>
      %dma_start3A_111 = arith.constant 0 : i32
      %dma_start3A_112 = tpu.memref_slice %arg12[%multiple_of3A_98, %dma_start3A_111] : memref<10240x128xf32, #tpu.memory_space<vmem_shared>> -> memref<80x128xf32, #tpu.memory_space<vmem_shared>>
      tpu.enqueue_dma source(%dma_start3A_112 : memref<80x128xf32, #tpu.memory_space<vmem_shared>>) target(%dma_start3A_110 : memref<80x128xf32, #tpu.memory_space<vmem>>) target_semaphore(%run_scoped3A_102 : memref<!tpu.dma_semaphore, #tpu.memory_space<semaphore_mem>>)
      %dma_wait3A_113 = arith.constant 0 : i32
      %dma_wait3A_114 = arith.constant 0 : i32
      %dma_wait3A_115 = tpu.memref_slice %arg10[%dma_wait3A_113, %dma_wait3A_114] : memref<112x128xf32, #tpu.memory_space<vmem>> -> memref<80x128xf32, #tpu.memory_space<vmem>>
      %dma_wait3A_116 = arith.constant 0 : i32
      %dma_wait3A_117 = tpu.memref_slice %arg12[%multiple_of3A_98, %dma_wait3A_116] : memref<10240x128xf32, #tpu.memory_space<vmem_shared>> -> memref<80x128xf32, #tpu.memory_space<vmem_shared>>
      %dma_wait3A_118 = arith.constant 0 : i32
      %dma_wait3A_119 = arith.constant 0 : i32
      %dma_wait3A_120 = tpu.memref_slice %arg10[%dma_wait3A_118, %dma_wait3A_119] : memref<112x128xf32, #tpu.memory_space<vmem>> -> memref<80x128xf32, #tpu.memory_space<vmem>>
      %dma_wait3A_121 = arith.constant 0 : i32
      %dma_wait3A_122 = tpu.memref_slice %arg12[%multiple_of3A_98, %dma_wait3A_121] : memref<10240x128xf32, #tpu.memory_space<vmem_shared>> -> memref<80x128xf32, #tpu.memory_space<vmem_shared>>
      tpu.wait_dma2 semaphore(%run_scoped3A_102 : memref<!tpu.dma_semaphore, #tpu.memory_space<semaphore_mem>>) src(%dma_wait3A_122 : memref<80x128xf32, #tpu.memory_space<vmem_shared>>) dst(%dma_wait3A_120 : memref<80x128xf32, #tpu.memory_space<vmem>>)
      tpu.yield
    }) : () -> ()
    "tpu.region"() ({
      %run_scoped3A_102 = tpu.sem_alloc : memref<!tpu.dma_semaphore, #tpu.memory_space<semaphore_mem>>
      %dma_start3A_103 = arith.constant 0 : i32
      %dma_start3A_104 = arith.constant 0 : i32
      %dma_start3A_105 = tpu.memref_slice %arg10[%dma_start3A_103, %dma_start3A_104] : memref<112x128xf32, #tpu.memory_space<vmem>> -> memref<80x128xf32, #tpu.memory_space<vmem>>
      %dma_start3A_106 = arith.constant 0 : i32
      %dma_start3A_107 = tpu.memref_slice %arg6[%multiple_of3A_101, %dma_start3A_106] : memref<20480x128xf32, #tpu.memory_space<hbm>> -> memref<80x128xf32, #tpu.memory_space<hbm>>
      %dma_start3A_108 = arith.constant 0 : i32
      %dma_start3A_109 = tpu.memref_slice %arg6[%multiple_of3A_101, %dma_start3A_108] : memref<20480x128xf32, #tpu.memory_space<hbm>> -> memref<80x128xf32, #tpu.memory_space<hbm>>
      %dma_start3A_110 = arith.constant 0 : i32
      %dma_start3A_111 = arith.constant 0 : i32
      %dma_start3A_112 = tpu.memref_slice %arg10[%dma_start3A_110, %dma_start3A_111] : memref<112x128xf32, #tpu.memory_space<vmem>> -> memref<80x128xf32, #tpu.memory_space<vmem>>
      tpu.enqueue_dma source(%dma_start3A_112 : memref<80x128xf32, #tpu.memory_space<vmem>>) target(%dma_start3A_109 : memref<80x128xf32, #tpu.memory_space<hbm>>) target_semaphore(%run_scoped3A_102 : memref<!tpu.dma_semaphore, #tpu.memory_space<semaphore_mem>>)
      %dma_wait3A_113 = arith.constant 0 : i32
      %dma_wait3A_114 = arith.constant 0 : i32
      %dma_wait3A_115 = tpu.memref_slice %arg10[%dma_wait3A_113, %dma_wait3A_114] : memref<112x128xf32, #tpu.memory_space<vmem>> -> memref<80x128xf32, #tpu.memory_space<vmem>>
      %dma_wait3A_116 = arith.constant 0 : i32
      %dma_wait3A_117 = tpu.memref_slice %arg6[%multiple_of3A_101, %dma_wait3A_116] : memref<20480x128xf32, #tpu.memory_space<hbm>> -> memref<80x128xf32, #tpu.memory_space<hbm>>
      %dma_wait3A_118 = arith.constant 0 : i32
      %dma_wait3A_119 = tpu.memref_slice %arg6[%multiple_of3A_101, %dma_wait3A_118] : memref<20480x128xf32, #tpu.memory_space<hbm>> -> memref<80x128xf32, #tpu.memory_space<hbm>>
      %dma_wait3A_120 = arith.constant 0 : i32
      %dma_wait3A_121 = arith.constant 0 : i32
      %dma_wait3A_122 = tpu.memref_slice %arg10[%dma_wait3A_120, %dma_wait3A_121] : memref<112x128xf32, #tpu.memory_space<vmem>> -> memref<80x128xf32, #tpu.memory_space<vmem>>
      tpu.wait_dma2 semaphore(%run_scoped3A_102 : memref<!tpu.dma_semaphore, #tpu.memory_space<semaphore_mem>>) src(%dma_wait3A_122 : memref<80x128xf32, #tpu.memory_space<vmem>>) dst(%dma_wait3A_119 : memref<80x128xf32, #tpu.memory_space<hbm>>)
      tpu.yield
    }) : () -> ()
    return
  }
}

module attributes {stable_mosaic.version = 14 : i64} {
  func.func @_tc_body(%arg0: i32, %arg1: memref<2x1024x128xf32, #tpu.memory_space<vmem>>, %arg2: memref<2x1024x128xf32, #tpu.memory_space<vmem>>, %arg3: memref<128x128xf32, #tpu.memory_space<vmem>>, %arg4: memref<1x128xf32, #tpu.memory_space<vmem>>, %arg5: memref<1024x128xf32, #tpu.memory_space<vmem>>) attributes {dimension_semantics = [#tpu.dimension_semantics<arbitrary>], iteration_bounds = array<i64: 10>, scalar_prefetch = 0 : i64, scratch_operands = 0 : i64, tpu.core_type = #tpu.core_type<tc>, window_params = [{transform_indices = @transform_0, window_bounds = array<i64: 2, 1024, 128>}, {transform_indices = @transform_1, window_bounds = array<i64: 2, 1024, 128>}, {pipeline_mode = #tpu.pipeline_mode<synchronous>, transform_indices = @transform_2, window_bounds = array<i64: 128, 128>}, {pipeline_mode = #tpu.pipeline_mode<synchronous>, transform_indices = @transform_3, window_bounds = array<i64: 1, 128>}, {transform_indices = @transform_4, window_bounds = array<i64: 1024, 128>}]} {
    %get3A = arith.constant 0 : index
    %get3A_0 = arith.constant 0 : index
    %get3A_1 = arith.constant 0 : index
    %get3A_2 = vector.load %arg1[%get3A, %get3A_0, %get3A_1] : memref<2x1024x128xf32, #tpu.memory_space<vmem>>, vector<1x1024x128xf32>
    %get3A_3 = vector.shape_cast %get3A_2 : vector<1x1024x128xf32> to vector<1024x128xf32>
    %get3A_4 = arith.constant 1 : index
    %get3A_5 = arith.constant 0 : index
    %get3A_6 = arith.constant 0 : index
    %get3A_7 = vector.load %arg1[%get3A_4, %get3A_5, %get3A_6] : memref<2x1024x128xf32, #tpu.memory_space<vmem>>, vector<1x1024x128xf32>
    %get3A_8 = vector.shape_cast %get3A_7 : vector<1x1024x128xf32> to vector<1024x128xf32>
    %add3A = arith.addf %get3A_3, %get3A_8 : vector<1024x128xf32>
    %get3A_9 = arith.constant 0 : index
    %get3A_10 = arith.constant 0 : index
    %get3A_11 = arith.constant 0 : index
    %get3A_12 = vector.load %arg2[%get3A_9, %get3A_10, %get3A_11] : memref<2x1024x128xf32, #tpu.memory_space<vmem>>, vector<1x1024x1xf32>
    %get3A_13 = vector.shape_cast %get3A_12 : vector<1x1024x1xf32> to vector<1024xf32>
    %get3A_14 = arith.constant 1 : index
    %get3A_15 = arith.constant 0 : index
    %get3A_16 = arith.constant 0 : index
    %get3A_17 = vector.load %arg2[%get3A_14, %get3A_15, %get3A_16] : memref<2x1024x128xf32, #tpu.memory_space<vmem>>, vector<1x1024x1xf32>
    %get3A_18 = vector.shape_cast %get3A_17 : vector<1x1024x1xf32> to vector<1024xf32>
    %add3A_19 = arith.addf %get3A_13, %get3A_18 : vector<1024xf32>
    %max3A = arith.constant 1.000000e+00 : f32
    %max3A_20 = vector.broadcast %max3A : f32 to vector<1024xf32>
    %max3A_21 = arith.maximumf %add3A_19, %max3A_20 : vector<1024xf32>
    %div3A = arith.constant 1.000000e+00 : f32
    %div3A_22 = vector.broadcast %div3A : f32 to vector<1024xf32>
    %div3A_23 = arith.divf %div3A_22, %max3A_21 : vector<1024xf32>
    %get3A_24 = arith.constant 0 : index
    %get3A_25 = arith.constant 0 : index
    %get3A_26 = vector.load %arg3[%get3A_24, %get3A_25] : memref<128x128xf32, #tpu.memory_space<vmem>>, vector<128x128xf32>
    %dot_general3A = arith.constant dense<0.000000e+00> : vector<1024x128xf32>
    %dot_general3A_27 = tpu.matmul %add3A, %get3A_26, %dot_general3A {dimension_numbers = #tpu.dot_dimension_numbers<[1], [1], [0], [0], [0, 0, 1, 0], [], []>, transpose_lhs_hint = false} : vector<1024x128xf32>, vector<128x128xf32>, vector<1024x128xf32> -> vector<1024x128xf32>
    %gt3A = arith.constant 0.000000e+00 : f32
    %gt3A_28 = vector.broadcast %gt3A : f32 to vector<1024xf32>
    %gt3A_29 = arith.cmpf ogt, %add3A_19, %gt3A_28 : vector<1024xf32>
    %jit3A = arith.constant 1.000000e+00 : f32
    %jit3A_30 = arith.constant 0.000000e+00 : f32
    %broadcast_in_dim3A = vector.broadcast %jit3A : f32 to vector<1024xf32>
    %broadcast_in_dim3A_31 = vector.broadcast %jit3A_30 : f32 to vector<1024xf32>
    %select_n3A = arith.select %gt3A_29, %broadcast_in_dim3A, %broadcast_in_dim3A_31 : vector<1024xi1>, vector<1024xf32>
    %broadcast_in_dim3A_32 = vector.shape_cast %select_n3A : vector<1024xf32> to vector<1024x1xf32>
    %get3A_33 = arith.constant 0 : index
    %get3A_34 = arith.constant 0 : index
    %get3A_35 = vector.load %arg4[%get3A_33, %get3A_34] : memref<1x128xf32, #tpu.memory_space<vmem>>, vector<1x128xf32>
    %get3A_36 = vector.shape_cast %get3A_35 : vector<1x128xf32> to vector<128xf32>
    %broadcast_in_dim3A_37 = vector.shape_cast %get3A_36 : vector<128xf32> to vector<1x128xf32>
    %mul3A = vector.broadcast %broadcast_in_dim3A_32 : vector<1024x1xf32> to vector<1024x128xf32>
    %mul3A_38 = vector.broadcast %broadcast_in_dim3A_37 : vector<1x128xf32> to vector<1024x128xf32>
    %mul3A_39 = arith.mulf %mul3A, %mul3A_38 : vector<1024x128xf32>
    %broadcast_in_dim3A_40 = vector.shape_cast %div3A_23 : vector<1024xf32> to vector<1024x1xf32>
    %mul3A_41 = vector.broadcast %broadcast_in_dim3A_40 : vector<1024x1xf32> to vector<1024x128xf32>
    %mul3A_42 = arith.mulf %dot_general3A_27, %mul3A_41 : vector<1024x128xf32>
    %add3A_43 = arith.addf %mul3A_42, %mul3A_39 : vector<1024x128xf32>
    %swap3A = arith.constant 0 : index
    %swap3A_44 = arith.constant 0 : index
    %swap3A_45 = vector.load %arg5[%swap3A, %swap3A_44] : memref<1024x128xf32, #tpu.memory_space<vmem>>, vector<1024x128xf32>
    tpu.vector_store %arg5[%swap3A, %swap3A_44], %add3A_43 {strides = array<i32>} : memref<1024x128xf32, #tpu.memory_space<vmem>>, vector<1024x128xf32>,
    return
  }
  func.func @transform_0(%arg0: i32) -> (i32, i32, i32) {
    %c0_i32 = arith.constant 0 : i32
    %c0_i32_0 = arith.constant 0 : i32
    %c0_i32_1 = arith.constant 0 : i32
    return %c0_i32, %arg0, %c0_i32_0 : i32, i32, i32
  }
  func.func @transform_1(%arg0: i32) -> (i32, i32, i32) {
    %c0_i32 = arith.constant 0 : i32
    %c0_i32_0 = arith.constant 0 : i32
    %c0_i32_1 = arith.constant 0 : i32
    return %c0_i32, %arg0, %c0_i32_0 : i32, i32, i32
  }
  func.func @transform_2(%arg0: i32) -> (i32, i32) {
    %c0_i32 = arith.constant 0 : i32
    %c0_i32_0 = arith.constant 0 : i32
    %c0_i32_1 = arith.constant 0 : i32
    return %c0_i32, %c0_i32_0 : i32, i32
  }
  func.func @transform_3(%arg0: i32) -> (i32, i32) {
    %c0_i32 = arith.constant 0 : i32
    %c0_i32_0 = arith.constant 0 : i32
    %c0_i32_1 = arith.constant 0 : i32
    return %c0_i32, %c0_i32_0 : i32, i32
  }
  func.func @transform_4(%arg0: i32) -> (i32, i32) {
    %c0_i32 = arith.constant 0 : i32
    %c0_i32_0 = arith.constant 0 : i32
    return %arg0, %c0_i32 : i32, i32
  }
}

</mosaic_0001>

<sc_bundles>
// kernel: kernel.5.cloned.1.call-start
scs
__scs_entry_jumppad:
0x0: {  	(pc) =	sbr.rel $0x88, $3  }
0x1: {  	(tag) =	ssettag $0x0;
	lr =	simm.s32 $0x1  }
0x2: {  	[smem:$0x3F9D] =	sst lr;
	_ =	strace $0xD0000000  }
0x3: {  	_ = 	snop  }
0x4: {  	_ = 	snop  }
0x5: {  	_ = 	snop  }
0x6: {  	_ = 	snop  }
0x7: {  	_ = 	snop  }
__scs_overlays_trampoline_lowered:
0x8: {  	[smem:$0x3FAC] =	sst s0  }
0x9: {  	[smem:$0x3FAD] =	sst s1  }
0xa: {  	[smem:$0x3FAE] =	sst s2  }
0xb: {  	[smem:$0x3FAF] =	sst s3  }
0xc: {  	[smem:$0x3FB0] =	sst s4  }
0xd: {  	[smem:$0x3FB1] =	sst s5  }
0xe: {  	[smem:$0x3FB2] =	sst s6  }
0xf: {  	[smem:$0x3FB3] =	sst s7  }
0x10: {  	[smem:$0x3FB4] =	sst s8  }
0x11: {  	[smem:$0x3FB5] =	sst s9;
	s0 =	simm.s32 @!p0 $0x0  }
0x12: {  	s1 =	sld [smem:$0x3F9B];
	s0 =	simm.s32 @p0 $0x1  }
0x13: {  	[smem:$0x3FB6] =	sst s0;
	s0 =	simm.s32 @!p1 $0x0  }
0x14: {  	s2 =	sld [smem:$0x3F9A];
	s0 =	simm.s32 @p1 $0x1  }
0x15: {  	[smem:$0x3FB7] =	sst s0;
	s0 =	simm.s32 @!p2 $0x0  }
0x16: {  	s3 =	sld [smem:$0x3FDB];
	s0 =	simm.s32 @p2 $0x1  }
0x17: {  	s4 =	simm.s32 $0x1BF5;
	[smem:$0x3FB9] =	sst s0  }
0x18: {  	s0 =	sld [smem:$0x3F9C];
	_ =	swait.ge [sflag:s4], $0x0  }
0x19: {  	s7 =	sld [smem:$0x3F9D]  }
0x1a: {  	s8 =	sadd.s32 $0xFFFFE003, lr  }
0x1b: {  	s9 =	sadd.s32 $0xFFFFFEF7, lr;
	s5 =	simm.s32 $0xFFFFFFFF;
	p2 =	slt.u32 s8, $0xFFFFF086  }
0x1c: {  	p1 =	slt.u32 s9, $0xF7A;
	s5 =	simm.s32 @!p2 $0x0  }
0x1d: {  	s5 =	simm.s32 @p1 $0x1;
	p0 =	seq.s32 s7, s2  }
0x1e: {  	s7 =	smul.u32 @!p0 $0xF7A, s2;
	p2 =	seq.s32 @!p0 s5, $0x0  }
0x1f: {  	s9 =	smul.u32 $0xF7A, s1;
	s8 =	simm.s32 @!p0 $0x1BF5;
	p2 =	por !p2, p0  }
0x20: {  	[sflag:s8] =	ssyncset.s32 @!p0 $0xFFFFF086;
	s6 =	sadd.s32 @!p0 s3, s7;
	s7 =	simm.s32 @!p0 $0x108  }
0x21: {  	s3 =	sadd.s32 s3, s9;
	s6 =	sadd.s32 @!p0 $0x88, s6;
	s7 =	simm.s32 @p2 $0x1082  }
0x22: {  	[simem:s7], [sflag:s8] =	dma.local @!p0 [hbm:s6], $0xF7A  }
0x23: {  	s9 =	sor.u32 $0xD0000000, s2;
	s6 =	simm.s32 $0x108;
	_ =	swait.ge @!p0 [sflag:s8], $0x0  }
0x24: {  	s3 =	sadd.s32 $0x88, s3;
	s6 =	simm.s32 @!p1 $0x1082;
	[sflag:s4] =	ssyncset.s32 $0xFFFFF086  }
0x25: {  	[simem:s6], [sflag:s4] =	dma.local [hbm:s3], $0xF7A  }
0x26: {  	[smem:$0x3F9D] =	sst s1;
	(tag) =	ssettag s2;
	_ =	strace s9  }
0x27: {  	s1 =	sld [smem:$0x3FAD]  }
0x28: {  	s2 =	sld [smem:$0x3FAE]  }
0x29: {  	s4 =	sld [smem:$0x3FB0]  }
0x2a: {  	p0 =	seq.s32 s5, $0x0;
	s5 =	sld [smem:$0x3FB1]  }
0x2b: {  	s6 =	sld [smem:$0x3FB2]  }
0x2c: {  	s7 =	sld [smem:$0x3FB3]  }
0x2d: {  	s3 =	simm.s32 $0x108;
	s8 =	sld [smem:$0x3FB4]  }
0x2e: {  	s3 =	simm.s32 @!p0 $0x1082;
	s9 =	sld [smem:$0x3FB5]  }
0x2f: {  	lr =	sadd.s32 s0, s3;
	s0 =	sld [smem:$0x3FAC]  }
0x30: {  	s3 =	sld [smem:$0x3FAF]  }
0x31: {  	[smem:$0x3FB8] =	sst s10  }
0x32: {  	s10 =	sld [smem:$0x3FB6];
	_ =	sdelay $0x3  }
0x33: {  	p0 =	seq.s32 s10, $0x1;
	s10 =	sld [smem:$0x3FB8];
	_ =	sdelay $0x3  }
0x34: {  	[smem:$0x3FB8] =	sst s10  }
0x35: {  	s10 =	sld [smem:$0x3FB7];
	_ =	sdelay $0x3  }
0x36: {  	p1 =	seq.s32 s10, $0x1;
	s10 =	sld [smem:$0x3FB8];
	_ =	sdelay $0x3  }
0x37: {  	[smem:$0x3FB8] =	sst s10  }
0x38: {  	s10 =	sld [smem:$0x3FB9]  }
0x39: {  	_ = 	snop;
	(pc) =	sbr.ind lr, $3  }
0x3a: {  	_ = 	snop  }
0x3b: {  	_ = 	snop  }
0x3c: {  	p2 =	seq.s32 s10, $0x1;
	s10 =	sld [smem:$0x3FB8]  }
0x3d: {  	_ =	shalt  }
0x3e: {  	_ =	shalt  }
0x3f: {  	_ =	shalt  }
0x40: {  	_ =	shalt  }
0x41: {  	_ =	shalt  }
0x42: {  	_ =	shalt  }
0x43: {  	_ =	shalt  }
0x44: {  	_ =	shalt  }
0x45: {  	_ =	shalt  }
0x46: {  	_ =	shalt  }
0x47: {  	_ =	shalt  }
0x48: {  	_ =	shalt  }
0x49: {  	_ =	shalt  }
0x4a: {  	_ =	shalt  }
0x4b: {  	_ =	shalt  }
0x4c: {  	_ =	shalt  }
0x4d: {  	_ =	shalt  }
0x4e: {  	_ =	shalt  }
0x4f: {  	_ =	shalt  }
0x50: {  	_ =	shalt  }
0x51: {  	_ =	shalt  }
0x52: {  	_ =	shalt  }
0x53: {  	_ =	shalt  }
0x54: {  	_ =	shalt  }
0x55: {  	_ =	shalt  }
0x56: {  	_ =	shalt  }
0x57: {  	_ =	shalt  }
0x58: {  	_ =	shalt  }
0x59: {  	_ =	shalt  }
0x5a: {  	_ =	shalt  }
0x5b: {  	_ =	shalt  }
0x5c: {  	_ =	shalt  }
0x5d: {  	_ =	shalt  }
0x5e: {  	_ =	shalt  }
0x5f: {  	_ =	shalt  }
0x60: {  	_ =	shalt  }
0x61: {  	_ =	shalt  }
0x62: {  	_ =	shalt  }
0x63: {  	_ =	shalt  }
0x64: {  	_ =	shalt  }
0x65: {  	_ =	shalt  }
0x66: {  	_ =	shalt  }
0x67: {  	_ =	shalt  }
0x68: {  	_ =	shalt  }
0x69: {  	_ =	shalt  }
0x6a: {  	_ =	shalt  }
0x6b: {  	_ =	shalt  }
0x6c: {  	_ =	shalt  }
0x6d: {  	_ =	shalt  }
0x6e: {  	_ =	shalt  }
0x6f: {  	_ =	shalt  }
0x70: {  	_ =	shalt  }
0x71: {  	_ =	shalt  }
0x72: {  	_ =	shalt  }
0x73: {  	_ =	shalt  }
0x74: {  	_ =	shalt  }
0x75: {  	_ =	shalt  }
0x76: {  	_ =	shalt  }
0x77: {  	_ =	shalt  }
0x78: {  	_ =	shalt  }
0x79: {  	_ =	shalt  }
0x7a: {  	_ =	shalt  }
0x7b: {  	_ =	shalt  }
0x7c: {  	_ =	shalt  }
0x7d: {  	_ =	shalt  }
0x7e: {  	_ =	shalt  }
0x7f: {  	_ =	shalt  }
0x80: {  	_ =	shalt  }
0x81: {  	_ =	shalt  }
0x82: {  	_ =	shalt  }
0x83: {  	_ =	shalt  }
0x84: {  	_ =	shalt  }
0x85: {  	_ =	shalt  }
0x86: {  	_ =	shalt  }
0x87: {  	_ =	shalt  }
.Lfunc_end0:
.L_simem_size_0:
called_computation_lowered:
.L_overlay_start_0:
0x88: {  	s2 =	sld [smem:$0x3FD9]  }
0x89: {  	s3 =	sld [smem:$0x3FFE];
	_ =	sdelay $0x1  }
0x8a: {  	s1 =	srdreg.scid  }
0x8b: {  	s0 =	sand.u32 $0x1, s1  }
0x8c: {  	s17 =	sshll.u32 s0, $0xA;
	s2 =	sadd.s32 s3, s2  }
0x8d: {  	s2 =	sadd.s32 s2, s17  }
0x8e: {  	[smem:$0x3FC4] =	sst s2  }
0x8f: {  	_ = 	snop  }
0x90: {  	s2 =	sld [smem:$0x3FC9]  }
0x91: {  	s18 =	sld [smem:$0x3FD0];
	(tm) =	ssettm $0x1  }
0x92: {  	s4 =	sld [smem:$0x3FFB];
	_ =	sdelay $0x3  }
0x93: {  	_ =	strace s4  }
0x94: {  	s4 =	sld [smem:$0x3FFC];
	_ =	sdelay $0x3  }
0x95: {  	_ =	strace s4  }
0x96: {  	s4 =	sld [smem:$0x3FFD];
	_ =	sdelay $0x3  }
0x97: {  	_ =	strace s4  }
0x98: {  	_ =	strace $0x8FFFFFFF  }
0x99: {  	s19 =	sld [smem:$0x3FDB];
	_ =	sdelay $0x1  }
0x9a: {  	s5 =	simm.s32 $_scs_section_size  }
0x9b: {  	s6 =	simm.s32 $_size__tile_overlayer_lowered;
	s7 =	simm.s32 $_tile_overlayer_lowered  }
0x9c: {  	s22 =	simm.s32 $0x1BFF;
	s21 =	sshll.u32 s7, $0x1;
	s4 =	sadd.s32 s5, s19  }
0x9d: {  	s8 =	simm.s32 $0x0;
	s20 =	sshll.u32 s6, $0x1;
	s6 =	sadd.s32 s21, s4  }
0x9e: {  	[timem:s8], [sflag:s22] =	dma.local [hbm:s6], s20  }
0x9f: {  	_ =	swait.ge [sflag:s22], s20  }
0xa0: {  	s5 =	ssub.s32 $0x0, s20;
	[sflag:s22] =	ssyncset.done $0x0  }
0xa1: {  	[sflag:s22] =	ssyncadd.s32 s5;
	_ =	sdelay $0x1  }
0xa2: {  	s23 =	simm.s32 $0x1B8B  }
0xa3: {  	_ =	swait.ge [sflag:s23], $0x1  }
0xa4: {  	[sflag:s23] =	ssyncset.done $0x0  }
0xa5: {  	s25 =	simm.s32 $0x1B8E;
	s24 =	sld [smem:$0x3FFE];
	[sflag:s23] =	ssyncadd.s32 $0xFFFFFFFF  }
0xa6: {  	s26 =	simm.s32 $execute0_lowered;
	[smem:$0x3FD2] =	sst s25  }
0xa7: {  	s6 =	sshll.u32 s26, $0x1;
	_ =	strace $0x80000046;
	[dreg:$0x1] =	wrdreg $0xFFFFFFFF  }
0xa8: {  	s28 =	simm.s32 $_size_execute0_lowered;
	s4 =	sadd.s32 s4, s6;
	[dreg:$0x0] =	wrdreg $0x0  }
0xa9: {  	s6 =	sshll.u32 s28, $0x1;
	[dreg:$0x2] =	wrdreg s4  }
0xaa: {  	[dreg:$0x3] =	wrdreg s6  }
0xab: {  	[dreg:$0x4] =	wrdreg $0xC0  }
0xac: {  	_ =	task [dreg:s8], $0x5FFFF  }
0xad: {  	[dreg:$0x1] =	wrdreg $0xFFFFFFFF  }
0xae: {  	[dreg:$0x0] =	wrdreg $0x60  }
0xaf: {  	[dreg:$0x2] =	wrdreg s2  }
0xb0: {  	[dreg:$0x3] =	wrdreg s24  }
0xb1: {  	[dreg:$0x4] =	wrdreg s18  }
0xb2: {  	[dreg:$0x5] =	wrdreg $0x73000  }
0xb3: {  	[dreg:$0x6] =	wrdreg $0x9  }
0xb4: {  	_ =	task.clear_ibuf [dreg:s8], $0x7FFFF;
	_ =	strace $0x90000046  }
0xb5: {  	s29 =	simm.s32 $0x9;
	_ =	strace $0x80000048  }
0xb6: {  	_ =	swait.ge [sflag:s29], $0x1  }
0xb7: {  	[sflag:s29] =	ssyncadd.s32 $0xFFFFFFFF  }
0xb8: {  	_ =	strace $0x90000048  }
0xb9: {  	_ =	sfence  }
0xba: {  	s30 =	sld [smem:$0x0];
	_ =	sdelay $0x2  }
0xbb: {  	s31 =	sshll.u32 s1, $0xD;
	s1 =	sshrl.u32 s1, $0x2  }
0xbc: {  	s3 =	sand.u32 $0x4000, s31;
	s1 =	sadd.s32 s1, s30  }
0xbd: {  	s0 =	sor.u32 s3, s0;
	s1 =	sshll.u32 s1, $0x11  }
0xbe: {  	s0 =	sor.u32 s1, s0  }
0xbf: {  	s0 =	sadd.s32 $0x8F2B, s0  }
0xc0: {  	[sflag:s0] =	ssyncadd.remote.s32 $0x1  }
0xc1: {  	_ =	sfence.sel $0xFFFF  }
0xc2: {  	[dreg:$0x0] =	wrdreg $0xFFFFFFFF;
	(pc) =	sbr.abs _section_cstart, $3  }
0xc3: {  	[dreg:$0x1] =	wrdreg $0xFFFFFFFF  }
0xc4: {  	_ =	task.clear_ibuf [dreg:s8], $0x2FFFF;
	_ =	strace $0x9FFFFFFF  }
0xc5: {  	(tm) =	ssettm $0x7FFFFFFF  }
tec
execute0_lowered:
.L_overlay_start_1:
0x0: {  	(tag) =	ssettag $0x1  }
0x1: {  	s1 =	rddreg [dreg:$0x0]  }
0x2: {  	s0 =	rddreg [dreg:$0x1]  }
0x3: {  	s3 =	rddreg [dreg:$0x2]  }
0x4: {  	s4 =	rddreg [dreg:$0x3];
	s13 =	stileid.u32  }
0x5: {  	s2 =	srdreg.scid;
	s7 =	smul.u32 $0x280, s13  }
0x6: {  	s5 =	simm.s32 $0x0;
	s2 =	sand.u32 $0x1, s2;
	s30 =	smul.u32 $0x50000, s13  }
0x7: {  	[smem:$0x7FF] =	sst s5;
	s6 =	sadd.s32 $0x800, s0;
	s14 =	smul.u32 $0x2840, s13  }
0x8: {  	s9 =	sadd.s32 $0xAA00, s0;
	s8 =	smul.u32 $0x2800, s2;
	_ =	strace $0x80000047  }
0x9: {  	[dreg:$0x5] =	wrdreg s9;
	s26 =	sshll.u32 s2, $0x4;
	s10 =	ssub.s32 $0x2, s2  }
0xa: {  	s2 =	smul.u32 $0x28400, s2;
	s11 =	sshrl.u32 s10, $0x1;
	s9 =	sshrl.u32 s30, $0x2  }
0xb: {  	s7 =	sadd.s32 s7, s8;
	s8 =	sor.u32 s13, s26;
	s31 =	ssub.s32 s10, s11  }
0xc: {  	s28 =	sadd.s32 s9, s4;
	s2 =	sadd.s32 s14, s2;
	s10 =	simm.s32 $0x3  }
0xd: {  	s13 =	simm.s32 $0x280;
	s14 =	simm.s32 $0x70;
	s7 =	sshll.u32 s7, $0x4  }
0xe: {  	s23 =	sadd.s32 $0x230, s2;
	s24 =	smax.u32 s31, $0x1;
	s26 =	sadd.s32 $0x150, s2  }
0xf: {  	s30 =	sadd.s32 $0xE0, s2;
	s2 =	sadd.s32 $0x1C0, s2;
	[dreg:$0x10] =	wrdreg s24  }
0x10: {  	s29 =	sadd.s32 $0x11800, s28;
	s0 =	sadd.s32 s7, s0;
	[dreg:$0x11] =	wrdreg s2  }
0x11: {  	s12 =	smul.u32 $0x2840, s8;
	[dreg:$0x14] =	wrdreg s29;
	s15 =	sadd.s32 $0xB200, s0  }
0x12: {  	s20 =	sadd.s32 $0x2800, s28;
	s16 =	sadd.s32 $0xB700, s0;
	[dreg:$0x8] =	wrdreg s15  }
0x13: {  	s9 =	sadd.s32 $0x5000, s28;
	s17 =	sadd.s32 $0xBC00, s0;
	[dreg:$0x9] =	wrdreg s16  }
0x14: {  	s25 =	sshrl.u32 s23, $0x3;
	s18 =	sadd.s32 $0xC100, s0;
	[dreg:$0xa] =	wrdreg s17  }
0x15: {  	s7 =	sshrl.u32 s30, $0x3;
	s19 =	sadd.s32 $0xC600, s0;
	[dreg:$0xb] =	wrdreg s18  }
0x16: {  	s8 =	sshrl.u32 s12, $0x3;
	s21 =	sadd.s32 $0xCB00, s0;
	[dreg:$0xc] =	wrdreg s19  }
0x17: {  	s22 =	sadd.s32 $0xD000, s0;
	s0 =	sadd.s32 $0xD500, s0;
	[dreg:$0xd] =	wrdreg s21  }
0x18: {  	s24 =	sadd.s32 s7, s3;
	s11 =	sadd.s32 s6, s8;
	[dreg:$0xe] =	wrdreg s22  }
0x19: {  	s12 =	sadd.s32 s3, s8;
	[dreg:$0xf] =	wrdreg s0;
	s21 =	sadd.s32 s25, s3  }
0x1a: {  	s0 =	sshrl.u32 s26, $0x3;
	s25 =	sadd.s32 s7, s6;
	s22 =	sadd.s32 $0x7800, s28  }
0x1b: {  	s26 =	sadd.s32 $0xA000, s28;
	s8 =	sadd.s32 $0xF000, s28;
	s7 =	simm.s32 $0x300  }
0x1c: {  	s15 =	simm.s32 $0x3B00;
	s16 =	simm.s32 $0x1;
	[dreg:$0x6] =	wrdreg s11  }
0x1d: {  	s17 =	simm.s32 $0x100;
	s18 =	simm.s32 $0x2;
	[dreg:$0x7] =	wrdreg s12  }
0x1e: {  	s19 =	simm.s32 $0x170;
	s31 =	sadd.s32 $0xE, s12;
	[dreg:$0x12] =	wrdreg s8  }
0x1f: {  	s23 =	sadd.s32 s0, s3;
	s0 =	sadd.s32 $0xC800, s28;
	[dreg:$0x15] =	wrdreg s31  }
0x20: {  	s12 =	simm.s32 $0x200;
	s11 =	simm.s32 $0x0;
	[dreg:$0x13] =	wrdreg s0  }
.LBB2_1:
0x21: {  	s2 =	rddreg [dreg:$0x5]  }
0x22: {  	[tilespmem:s7], [sflag:$0x3] =	stream.linear.gather [hbm4b:s2+s5], $0x3800, $0x38;
	[tilespmem:$0x1B300] =	vst v63  }
0x23: {  	_ =	swait.ge [sflag:s10], $0x3800  }
0x24: {  	[sflag:s10] =	ssyncset.done $0x0  }
0x25: {  	[sflag:s10] =	ssyncadd.s32 $0xFFFFC800  }
0x26: {  	[spmem:s28] =	stream.linear.scatter [tilespmem:s7], [sflag:$0x3], $0x2800, $0x38;
	[tilespmem:$0x1B300] =	vst v63  }
0x27: {  	_ =	swait.ge [sflag:s10], $0x2800  }
0x28: {  	[sflag:s10] =	ssyncset.done $0x0  }
0x29: {  	[sflag:s10] =	ssyncadd.s32 $0xFFFFD800  }
0x2a: {  	[spmem:s20] =	stream.linear.scatter [tilespmem:s7], [sflag:$0x3], $0x2800, $0x38;
	[tilespmem:$0x1B300] =	vst v63  }
0x2b: {  	_ =	swait.ge [sflag:s10], $0x2800  }
0x2c: {  	[sflag:s10] =	ssyncset.done $0x0  }
0x2d: {  	[sflag:s10] =	ssyncadd.s32 $0xFFFFD800  }
0x2e: {  	[spmem:s9] =	stream.linear.scatter [tilespmem:s7], [sflag:$0x3], $0x2800, $0x38;
	[tilespmem:$0x1B300] =	vst v63  }
0x2f: {  	_ =	swait.ge [sflag:s10], $0x2800  }
0x30: {  	[sflag:s10] =	ssyncset.done $0x0  }
0x31: {  	[sflag:s10] =	ssyncadd.s32 $0xFFFFD800  }
0x32: {  	[spmem:s22] =	stream.linear.scatter [tilespmem:s7], [sflag:$0x3], $0x2800, $0x38;
	[tilespmem:$0x1B300] =	vst v63  }
0x33: {  	_ =	swait.ge [sflag:s10], $0x2800  }
0x34: {  	[sflag:s10] =	ssyncset.done $0x0  }
0x35: {  	[sflag:s10] =	ssyncadd.s32 $0xFFFFD800  }
0x36: {  	[spmem:s26] =	stream.linear.scatter [tilespmem:s7], [sflag:$0x3], $0x2800, $0x38;
	[tilespmem:$0x1B300] =	vst v63  }
0x37: {  	_ =	swait.ge [sflag:s10], $0x2800  }
0x38: {  	[sflag:s10] =	ssyncset.done $0x0  }
0x39: {  	s2 =	smov.u32 s0;
	[sflag:s10] =	ssyncadd.s32 $0xFFFFD800  }
0x3a: {  	[spmem:s2] =	stream.linear.scatter [tilespmem:s7], [sflag:$0x3], $0x2800, $0x38;
	[tilespmem:$0x1B300] =	vst v63  }
0x3b: {  	_ =	swait.ge [sflag:s10], $0x2800  }
0x3c: {  	[sflag:s10] =	ssyncset.done $0x0  }
0x3d: {  	[sflag:s10] =	ssyncadd.s32 $0xFFFFD800  }
0x3e: {  	[spmem:s8] =	stream.linear.scatter [tilespmem:s7], [sflag:$0x3], $0x2800, $0x38;
	[tilespmem:$0x1B300] =	vst v63  }
0x3f: {  	_ =	swait.ge [sflag:s10], $0x2800  }
0x40: {  	s31 =	smov.u32 s28;
	[sflag:s10] =	ssyncset.done $0x0  }
0x41: {  	s28 =	smov.u32 s20;
	s20 =	smov.u32 s29;
	[sflag:s10] =	ssyncadd.s32 $0xFFFFD800  }
0x42: {  	[spmem:s20] =	stream.linear.scatter [tilespmem:s7], [sflag:$0x3], $0x2800, $0x38;
	[tilespmem:$0x1B300] =	vst v63  }
0x43: {  	_ =	swait.ge [sflag:s10], $0x2800  }
0x44: {  	[sflag:s10] =	ssyncset.done $0x0  }
0x45: {  	[sflag:s10] =	ssyncadd.s32 $0xFFFFD800  }
0x46: {  	[bflag:$0x0] =	sbarrier.arrive $0xFFFF  }
0x47: {  	s0 =	smov.u32 s26;
	s26 =	rddreg [dreg:$0x6]  }
0x48: {  	[tilespmem:s5], [sflag:$0x3] =	stream.linear.gather [hbm4b:s26+s5], $0xE0, $0x38;
	[tilespmem:$0x1B300] =	vst v63  }
0x49: {  	_ =	swait.ge [sflag:s10], $0xE0  }
0x4a: {  	[sflag:s10] =	ssyncset.done $0x0  }
0x4b: {  	s8 =	rddreg [dreg:$0x7];
	[sflag:s10] =	ssyncadd.s32 $0xFFFFFF20  }
0x4c: {  	[tilespmem:s12], [sflag:$0x3] =	stream.linear.gather [hbm4b:s8+s5], $0x70, $0x38;
	[tilespmem:$0x1B300] =	vst v63  }
0x4d: {  	_ =	swait.ge [sflag:s10], $0x70  }
0x4e: {  	[sflag:s10] =	ssyncset.done $0x0  }
0x4f: {  	s29 =	smov.u32 s9;
	s9 =	rddreg [dreg:$0x15];
	[sflag:s10] =	ssyncadd.s32 $0xFFFFFF90  }
0x50: {  	[tilespmem:s13], [sflag:$0x3] =	stream.linear.gather [hbm4b:s9+s5], $0x70, $0x38;
	[tilespmem:$0x1B300] =	vst v63  }
0x51: {  	_ =	swait.ge [sflag:s10], $0x70  }
0x52: {  	[sflag:s10] =	ssyncset.done $0x0  }
0x53: {  	[sflag:s10] =	ssyncadd.s32 $0xFFFFFF90  }
0x54: {  	[tilespmem:s7], [sflag:$0x1] =	stream.indirect.gather [hbm4b:s1+s14], $0x80, s5, s14, $0xb8;
	[tilespmem:$0x1B300] =	vst v63  }
0x55: {  	_ = 	snop  }
0x56: {  	[tilespmem:s15], [sflag:$0x2] =	stream.indirect.gather [hbm4b:s1+s14], $0x80, s14, s14, $0xb8;
	[tilespmem:$0x1B300] =	vst v63  }
0x57: {  	_ =	swait.ge [sflag:s16], $0x3800  }
0x58: {  	[sflag:s16] =	ssyncset.done $0x0  }
0x59: {  	[sflag:s16] =	ssyncadd.s32 $0xFFFFC800  }
0x5a: {  	[spmem:s4] =	stream.indirect.scatter.add.f32 [tilespmem:s7], [sflag:$0x3], $0x80, s12, s14, $0xb8;
	[tilespmem:$0x1B300] =	vst v63  }
0x5b: {  	_ =	swait.ge [sflag:s10], $0x3800  }
0x5c: {  	[sflag:s10] =	ssyncset.done $0x0  }
0x5d: {  	s20 =	sadd.s32 $0x0, s25;
	[sflag:s10] =	ssyncadd.s32 $0xFFFFC800  }
0x5e: {  	[tilespmem:s17], [sflag:$0x3] =	stream.linear.gather [hbm4b:s20+s5], $0xE0, $0x38;
	[tilespmem:$0x1B300] =	vst v63  }
0x5f: {  	_ =	swait.ge [sflag:s10], $0xE0  }
0x60: {  	[sflag:s10] =	ssyncset.done $0x0  }
0x61: {  	[sflag:s10] =	ssyncadd.s32 $0xFFFFFF20  }
0x62: {  	[tilespmem:s7], [sflag:$0x1] =	stream.indirect.gather [hbm4b:s1+s14], $0x80, s17, s14, $0xb8;
	[tilespmem:$0x1B300] =	vst v63  }
0x63: {  	_ =	swait.ge [sflag:s18], $0x3800  }
0x64: {  	[sflag:s18] =	ssyncset.done $0x0  }
0x65: {  	[sflag:s18] =	ssyncadd.s32 $0xFFFFC800  }
0x66: {  	[spmem:s4] =	stream.indirect.scatter.add.f32 [tilespmem:s15], [sflag:$0x3], $0x80, s13, s14, $0xb8;
	[tilespmem:$0x1B300] =	vst v63  }
0x67: {  	_ =	swait.ge [sflag:s10], $0x3800  }
0x68: {  	[sflag:s10] =	ssyncset.done $0x0  }
0x69: {  	s30 =	smov.u32 s22;
	s22 =	sadd.s32 $0x0, s24;
	[sflag:s10] =	ssyncadd.s32 $0xFFFFC800  }
0x6a: {  	[tilespmem:s12], [sflag:$0x3] =	stream.linear.gather [hbm4b:s22+s5], $0x70, $0x38;
	[tilespmem:$0x1B300] =	vst v63  }
0x6b: {  	_ =	swait.ge [sflag:s10], $0x70  }
0x6c: {  	[sflag:s10] =	ssyncset.done $0x0  }
0x6d: {  	s26 =	sadd.s32 $0x0, s23;
	[sflag:s10] =	ssyncadd.s32 $0xFFFFFF90  }
0x6e: {  	[tilespmem:s13], [sflag:$0x3] =	stream.linear.gather [hbm4b:s26+s5], $0x70, $0x38;
	[tilespmem:$0x1B300] =	vst v63  }
0x6f: {  	_ =	swait.ge [sflag:s10], $0x70  }
0x70: {  	[sflag:s10] =	ssyncset.done $0x0  }
0x71: {  	[sflag:s10] =	ssyncadd.s32 $0xFFFFFF90  }
0x72: {  	[tilespmem:s15], [sflag:$0x2] =	stream.indirect.gather [hbm4b:s1+s14], $0x80, s19, s14, $0xb8;
	[tilespmem:$0x1B300] =	vst v63  }
0x73: {  	_ =	swait.ge [sflag:s16], $0x3800  }
0x74: {  	[sflag:s16] =	ssyncset.done $0x0  }
0x75: {  	[sflag:s16] =	ssyncadd.s32 $0xFFFFC800  }
0x76: {  	[spmem:s4] =	stream.indirect.scatter.add.f32 [tilespmem:s7], [sflag:$0x3], $0x80, s12, s14, $0xb8;
	[tilespmem:$0x1B300] =	vst v63  }
0x77: {  	_ =	swait.ge [sflag:s10], $0x3800  }
0x78: {  	s22 =	rddreg [dreg:$0x11]  }
0x79: {  	[sflag:s10] =	ssyncset.done $0x0;
	s2 =	sshrl.u32 s22, $0x3  }
0x7a: {  	[sflag:s10] =	ssyncadd.s32 $0xFFFFC800;
	s8 =	sadd.s32 s6, s2  }
0x7b: {  	[tilespmem:s5], [sflag:$0x3] =	stream.linear.gather [hbm4b:s8+s5], $0xE0, $0x38;
	[tilespmem:$0x1B300] =	vst v63  }
0x7c: {  	_ =	swait.ge [sflag:s10], $0xE0  }
0x7d: {  	[sflag:s10] =	ssyncset.done $0x0  }
0x7e: {  	[sflag:s10] =	ssyncadd.s32 $0xFFFFFF20  }
0x7f: {  	[tilespmem:s7], [sflag:$0x1] =	stream.indirect.gather [hbm4b:s1+s14], $0x80, s5, s14, $0xb8;
	[tilespmem:$0x1B300] =	vst v63  }
0x80: {  	_ =	swait.ge [sflag:s18], $0x3800  }
0x81: {  	[sflag:s18] =	ssyncset.done $0x0  }
0x82: {  	[sflag:s18] =	ssyncadd.s32 $0xFFFFC800  }
0x83: {  	[spmem:s4] =	stream.indirect.scatter.add.f32 [tilespmem:s15], [sflag:$0x3], $0x80, s13, s14, $0xb8;
	[tilespmem:$0x1B300] =	vst v63  }
0x84: {  	_ =	swait.ge [sflag:s10], $0x3800  }
0x85: {  	[sflag:s10] =	ssyncset.done $0x0  }
0x86: {  	s9 =	sadd.s32 s3, s2;
	[sflag:s10] =	ssyncadd.s32 $0xFFFFC800  }
0x87: {  	[tilespmem:s12], [sflag:$0x3] =	stream.linear.gather [hbm4b:s9+s5], $0x70, $0x38;
	[tilespmem:$0x1B300] =	vst v63  }
0x88: {  	_ =	swait.ge [sflag:s10], $0x70  }
0x89: {  	[sflag:s10] =	ssyncset.done $0x0  }
0x8a: {  	s26 =	sadd.s32 $0x0, s21;
	[sflag:s10] =	ssyncadd.s32 $0xFFFFFF90  }
0x8b: {  	[tilespmem:s13], [sflag:$0x3] =	stream.linear.gather [hbm4b:s26+s5], $0x70, $0x38;
	[tilespmem:$0x1B300] =	vst v63  }
0x8c: {  	_ =	swait.ge [sflag:s10], $0x70  }
0x8d: {  	s20 =	simm.s32 $0x38;
	[sflag:s10] =	ssyncset.done $0x0  }
.LBB2_2:
0x8e: {  	p0 =	sne.s32 s20, $0x4D0;
	[sflag:s10] =	ssyncadd.s32 $0xFFFFFF90;
	s22 =	sadd.s32 $0x1C0, s22  }
0x8f: {  	[tilespmem:s15], [sflag:$0x2] =	stream.indirect.gather [hbm4b:s1+s14], $0x80, s14, s14, $0xb8;
	[tilespmem:$0x1B300] =	vst v63  }
0x90: {  	s9 =	smov.u32 s20;
	s20 =	sadd.s32 $0x38, s20;
	_ =	swait.ge [sflag:s16], $0x3800  }
0x91: {  	[sflag:s16] =	ssyncset.done $0x0  }
0x92: {  	[sflag:s16] =	ssyncadd.s32 $0xFFFFC800  }
0x93: {  	[spmem:s4] =	stream.indirect.scatter.add.f32 [tilespmem:s7], [sflag:$0x3], $0x80, s12, s14, $0xb8;
	[tilespmem:$0x1B300] =	vst v63  }
0x94: {  	_ =	swait.ge [sflag:s10], $0x3800  }
0x95: {  	[sflag:s10] =	ssyncset.done $0x0  }
0x96: {  	s2 =	sadd.s32 s9, s25;
	[sflag:s10] =	ssyncadd.s32 $0xFFFFC800  }
0x97: {  	[tilespmem:s17], [sflag:$0x3] =	stream.linear.gather [hbm4b:s2+s5], $0xE0, $0x38;
	[tilespmem:$0x1B300] =	vst v63  }
0x98: {  	_ =	swait.ge [sflag:s10], $0xE0  }
0x99: {  	[sflag:s10] =	ssyncset.done $0x0  }
0x9a: {  	[sflag:s10] =	ssyncadd.s32 $0xFFFFFF20  }
0x9b: {  	[tilespmem:s7], [sflag:$0x1] =	stream.indirect.gather [hbm4b:s1+s14], $0x80, s17, s14, $0xb8;
	[tilespmem:$0x1B300] =	vst v63  }
0x9c: {  	_ =	swait.ge [sflag:s18], $0x3800  }
0x9d: {  	[sflag:s18] =	ssyncset.done $0x0  }
0x9e: {  	[sflag:s18] =	ssyncadd.s32 $0xFFFFC800  }
0x9f: {  	[spmem:s4] =	stream.indirect.scatter.add.f32 [tilespmem:s15], [sflag:$0x3], $0x80, s13, s14, $0xb8;
	[tilespmem:$0x1B300] =	vst v63  }
0xa0: {  	_ =	swait.ge [sflag:s10], $0x3800  }
0xa1: {  	[sflag:s10] =	ssyncset.done $0x0  }
0xa2: {  	s2 =	sadd.s32 s9, s24;
	[sflag:s10] =	ssyncadd.s32 $0xFFFFC800  }
0xa3: {  	[tilespmem:s12], [sflag:$0x3] =	stream.linear.gather [hbm4b:s2+s5], $0x70, $0x38;
	[tilespmem:$0x1B300] =	vst v63  }
0xa4: {  	_ =	swait.ge [sflag:s10], $0x70  }
0xa5: {  	[sflag:s10] =	ssyncset.done $0x0  }
0xa6: {  	s2 =	sadd.s32 s9, s23;
	[sflag:s10] =	ssyncadd.s32 $0xFFFFFF90  }
0xa7: {  	[tilespmem:s13], [sflag:$0x3] =	stream.linear.gather [hbm4b:s2+s5], $0x70, $0x38;
	[tilespmem:$0x1B300] =	vst v63  }
0xa8: {  	_ =	swait.ge [sflag:s10], $0x70  }
0xa9: {  	[sflag:s10] =	ssyncset.done $0x0  }
0xaa: {  	[sflag:s10] =	ssyncadd.s32 $0xFFFFFF90  }
0xab: {  	[tilespmem:s15], [sflag:$0x2] =	stream.indirect.gather [hbm4b:s1+s14], $0x80, s19, s14, $0xb8;
	[tilespmem:$0x1B300] =	vst v63  }
0xac: {  	_ =	swait.ge [sflag:s16], $0x3800  }
0xad: {  	[sflag:s16] =	ssyncset.done $0x0  }
0xae: {  	[sflag:s16] =	ssyncadd.s32 $0xFFFFC800  }
0xaf: {  	[spmem:s4] =	stream.indirect.scatter.add.f32 [tilespmem:s7], [sflag:$0x3], $0x80, s12, s14, $0xb8;
	[tilespmem:$0x1B300] =	vst v63  }
0xb0: {  	_ =	swait.ge [sflag:s10], $0x3800  }
0xb1: {  	s2 =	sshrl.u32 s22, $0x3;
	[sflag:s10] =	ssyncset.done $0x0  }
0xb2: {  	s26 =	sadd.s32 s6, s2;
	[sflag:s10] =	ssyncadd.s32 $0xFFFFC800  }
0xb3: {  	[tilespmem:s5], [sflag:$0x3] =	stream.linear.gather [hbm4b:s26+s5], $0xE0, $0x38;
	[tilespmem:$0x1B300] =	vst v63  }
0xb4: {  	_ =	swait.ge [sflag:s10], $0xE0  }
0xb5: {  	[sflag:s10] =	ssyncset.done $0x0  }
0xb6: {  	[sflag:s10] =	ssyncadd.s32 $0xFFFFFF20  }
0xb7: {  	[tilespmem:s7], [sflag:$0x1] =	stream.indirect.gather [hbm4b:s1+s14], $0x80, s5, s14, $0xb8;
	[tilespmem:$0x1B300] =	vst v63  }
0xb8: {  	_ =	swait.ge [sflag:s18], $0x3800  }
0xb9: {  	[sflag:s18] =	ssyncset.done $0x0  }
0xba: {  	[sflag:s18] =	ssyncadd.s32 $0xFFFFC800  }
0xbb: {  	[spmem:s4] =	stream.indirect.scatter.add.f32 [tilespmem:s15], [sflag:$0x3], $0x80, s13, s14, $0xb8;
	[tilespmem:$0x1B300] =	vst v63  }
0xbc: {  	_ =	swait.ge [sflag:s10], $0x3800  }
0xbd: {  	[sflag:s10] =	ssyncset.done $0x0  }
0xbe: {  	s2 =	sadd.s32 s3, s2;
	[sflag:s10] =	ssyncadd.s32 $0xFFFFC800  }
0xbf: {  	[tilespmem:s12], [sflag:$0x3] =	stream.linear.gather [hbm4b:s2+s5], $0x70, $0x38;
	[tilespmem:$0x1B300] =	vst v63  }
0xc0: {  	_ =	swait.ge [sflag:s10], $0x70  }
.Ltmp0:
0xc1: {  	[sflag:s10] =	ssyncset.done $0x0;
	(pc) =	sbr.rel @p0 .LBB2_2-.Ltmp0, $4  }
0xc2: {  	s2 =	sadd.s32 s9, s21;
	[sflag:s10] =	ssyncadd.s32 $0xFFFFFF90  }
0xc3: {  	[tilespmem:s13], [sflag:$0x3] =	stream.linear.gather [hbm4b:s2+s5], $0x70, $0x38;
	[tilespmem:$0x1B300] =	vst v63  }
0xc4: {  	_ =	swait.ge [sflag:s10], $0x70  }
0xc5: {  	[sflag:s10] =	ssyncset.done $0x0  }
0xc6: {  	[sflag:s10] =	ssyncadd.s32 $0xFFFFFF90  }
0xc7: {  	_ =	swait.ge [sflag:s16], $0x3800  }
0xc8: {  	[sflag:s16] =	ssyncset.done $0x0  }
0xc9: {  	[sflag:s16] =	ssyncadd.s32 $0xFFFFC800  }
0xca: {  	[bflag:$0x0] =	sbarrier.arrive $0xFFFF  }
0xcb: {  	[tilespmem:s7], [sflag:$0x3] =	stream.linear.gather [spmem:s31], $0x2800, $0x38;
	[tilespmem:$0x1B300] =	vst v63  }
0xcc: {  	_ =	swait.ge [sflag:s10], $0x2800  }
0xcd: {  	[sflag:s10] =	ssyncset.done $0x0  }
0xce: {  	s2 =	rddreg [dreg:$0x8];
	[sflag:s10] =	ssyncadd.s32 $0xFFFFD800  }
0xcf: {  	[hbm4b:s2+s5] =	stream.linear.scatter [tilespmem:s7], [sflag:$0x3], $0x2800, $0x38;
	[tilespmem:$0x1B300] =	vst v63  }
0xd0: {  	_ =	swait.ge [sflag:s10], $0x2800  }
0xd1: {  	[sflag:s10] =	ssyncset.done $0x0  }
0xd2: {  	s20 =	smov.u32 s28;
	[sflag:s10] =	ssyncadd.s32 $0xFFFFD800  }
0xd3: {  	[tilespmem:s7], [sflag:$0x3] =	stream.linear.gather [spmem:s20], $0x2800, $0x38;
	[tilespmem:$0x1B300] =	vst v63  }
0xd4: {  	_ =	swait.ge [sflag:s10], $0x2800  }
0xd5: {  	[sflag:s10] =	ssyncset.done $0x0  }
0xd6: {  	s22 =	rddreg [dreg:$0x9];
	[sflag:s10] =	ssyncadd.s32 $0xFFFFD800  }
0xd7: {  	[hbm4b:s22+s5] =	stream.linear.scatter [tilespmem:s7], [sflag:$0x3], $0x2800, $0x38;
	[tilespmem:$0x1B300] =	vst v63  }
0xd8: {  	_ =	swait.ge [sflag:s10], $0x2800  }
0xd9: {  	[sflag:s10] =	ssyncset.done $0x0  }
0xda: {  	[sflag:s10] =	ssyncadd.s32 $0xFFFFD800  }
0xdb: {  	[tilespmem:s7], [sflag:$0x3] =	stream.linear.gather [spmem:s29], $0x2800, $0x38;
	[tilespmem:$0x1B300] =	vst v63  }
0xdc: {  	_ =	swait.ge [sflag:s10], $0x2800  }
0xdd: {  	[sflag:s10] =	ssyncset.done $0x0  }
0xde: {  	s26 =	rddreg [dreg:$0xa];
	[sflag:s10] =	ssyncadd.s32 $0xFFFFD800  }
0xdf: {  	[hbm4b:s26+s5] =	stream.linear.scatter [tilespmem:s7], [sflag:$0x3], $0x2800, $0x38;
	[tilespmem:$0x1B300] =	vst v63  }
0xe0: {  	_ =	swait.ge [sflag:s10], $0x2800  }
0xe1: {  	[sflag:s10] =	ssyncset.done $0x0  }
0xe2: {  	[sflag:s10] =	ssyncadd.s32 $0xFFFFD800  }
0xe3: {  	[tilespmem:s7], [sflag:$0x3] =	stream.linear.gather [spmem:s30], $0x2800, $0x38;
	[tilespmem:$0x1B300] =	vst v63  }
0xe4: {  	_ =	swait.ge [sflag:s10], $0x2800  }
0xe5: {  	[sflag:s10] =	ssyncset.done $0x0  }
0xe6: {  	s28 =	smov.u32 s31;
	s31 =	rddreg [dreg:$0xb];
	[sflag:s10] =	ssyncadd.s32 $0xFFFFD800  }
0xe7: {  	[hbm4b:s31+s5] =	stream.linear.scatter [tilespmem:s7], [sflag:$0x3], $0x2800, $0x38;
	[tilespmem:$0x1B300] =	vst v63  }
0xe8: {  	_ =	swait.ge [sflag:s10], $0x2800  }
0xe9: {  	[sflag:s10] =	ssyncset.done $0x0  }
0xea: {  	[sflag:s10] =	ssyncadd.s32 $0xFFFFD800  }
0xeb: {  	[tilespmem:s7], [sflag:$0x3] =	stream.linear.gather [spmem:s0], $0x2800, $0x38;
	[tilespmem:$0x1B300] =	vst v63  }
0xec: {  	_ =	swait.ge [sflag:s10], $0x2800  }
0xed: {  	[sflag:s10] =	ssyncset.done $0x0  }
0xee: {  	s8 =	rddreg [dreg:$0xc];
	[sflag:s10] =	ssyncadd.s32 $0xFFFFD800  }
0xef: {  	[hbm4b:s8+s5] =	stream.linear.scatter [tilespmem:s7], [sflag:$0x3], $0x2800, $0x38;
	[tilespmem:$0x1B300] =	vst v63  }
0xf0: {  	_ =	swait.ge [sflag:s10], $0x2800  }
0xf1: {  	[sflag:s10] =	ssyncset.done $0x0  }
0xf2: {  	s26 =	smov.u32 s0;
	s0 =	rddreg [dreg:$0x13];
	[sflag:s10] =	ssyncadd.s32 $0xFFFFD800  }
0xf3: {  	[tilespmem:s7], [sflag:$0x3] =	stream.linear.gather [spmem:s0], $0x2800, $0x38;
	[tilespmem:$0x1B300] =	vst v63  }
0xf4: {  	_ =	swait.ge [sflag:s10], $0x2800  }
0xf5: {  	[sflag:s10] =	ssyncset.done $0x0  }
0xf6: {  	s22 =	smov.u32 s30;
	s30 =	rddreg [dreg:$0xd];
	[sflag:s10] =	ssyncadd.s32 $0xFFFFD800  }
0xf7: {  	[hbm4b:s30+s5] =	stream.linear.scatter [tilespmem:s7], [sflag:$0x3], $0x2800, $0x38;
	[tilespmem:$0x1B300] =	vst v63  }
0xf8: {  	_ =	swait.ge [sflag:s10], $0x2800  }
0xf9: {  	[sflag:s10] =	ssyncset.done $0x0  }
0xfa: {  	s8 =	rddreg [dreg:$0x12];
	[sflag:s10] =	ssyncadd.s32 $0xFFFFD800  }
0xfb: {  	[tilespmem:s7], [sflag:$0x3] =	stream.linear.gather [spmem:s8], $0x2800, $0x38;
	[tilespmem:$0x1B300] =	vst v63  }
0xfc: {  	_ =	swait.ge [sflag:s10], $0x2800  }
0xfd: {  	[sflag:s10] =	ssyncset.done $0x0  }
0xfe: {  	s31 =	rddreg [dreg:$0xe];
	[sflag:s10] =	ssyncadd.s32 $0xFFFFD800  }
0xff: {  	[hbm4b:s31+s5] =	stream.linear.scatter [tilespmem:s7], [sflag:$0x3], $0x2800, $0x38;
	[tilespmem:$0x1B300] =	vst v63  }
0x100: {  	_ =	swait.ge [sflag:s10], $0x2800  }
0x101: {  	[sflag:s10] =	ssyncset.done $0x0  }
0x102: {  	s9 =	smov.u32 s29;
	s29 =	rddreg [dreg:$0x14];
	[sflag:s10] =	ssyncadd.s32 $0xFFFFD800  }
0x103: {  	[tilespmem:s7], [sflag:$0x3] =	stream.linear.gather [spmem:s29], $0x2800, $0x38;
	[tilespmem:$0x1B300] =	vst v63  }
0x104: {  	_ =	swait.ge [sflag:s10], $0x2800  }
0x105: {  	[sflag:s10] =	ssyncset.done $0x0  }
0x106: {  	s30 =	rddreg [dreg:$0xf];
	[sflag:s10] =	ssyncadd.s32 $0xFFFFD800  }
0x107: {  	[hbm4b:s30+s5] =	stream.linear.scatter [tilespmem:s7], [sflag:$0x3], $0x2800, $0x38;
	[tilespmem:$0x1B300] =	vst v63  }
0x108: {  	_ =	swait.ge [sflag:s10], $0x2800  }
0x109: {  	s11 =	sadd.s32 $0x1, s11;
	s31 =	rddreg [dreg:$0x10]  }
0x10a: {  	p0 =	sne.s32 s11, s31  }
.Ltmp1:
0x10b: {  	_ = 	snop;
	(pc) =	sbr.rel @p0 .LBB2_1-.Ltmp1, $3  }
0x10c: {  	_ =	sdelay $0x1  }
0x10d: {  	[sflag:s10] =	ssyncset.done $0x0  }
0x10e: {  	[sflag:s10] =	ssyncadd.s32 $0xFFFFD800  }
0x10f: {  	_ =	sfence.sel $0x180000  }
0x110: {  	[bflag:$0x0] =	sbarrier.arrive $0xFFFF  }
0x111: {  	_ =	strace $0x90000047  }
0x112: {  	s0 =	stileid.u32;
	[bflag:$0x2] =	sbarrier.arrive $0xFFFF  }
0x113: {  	p0 =	sne.s32 s0, $0x0;
	s0 =	rddreg [dreg:$0x4]  }
0x114: {  	s0 =	sadd.s32 @!p0 $0x100000, s0  }
0x115: {  	[sflag:s0] =	ssyncadd.tile.s32 @!p0 $0x1;
	_ =	shalt  }
.Lfunc_end2:
_tile_overlayer_lowered:
.L_overlay_start_2:
0x116: {  	(tag) =	ssettag $0x2  }
0x117: {  	s0 =	rddreg [dreg:$0x0];
	s2 =	stileid.u32  }
0x118: {  	s1 =	rddreg [dreg:$0x1];
	p0 =	sne.s32 s2, $0x0  }
0x119: {  	s3 =	rddreg [dreg:$0x2];
	[bflag:$0x3] =	sbarrier.arrive $0xFFFF;
	s2 =	simm.s32 @!p0 $0x1C03  }
0x11a: {  	[timem:s3], [sflag:s2] =	dma.local @!p0 [hbm:s0], s1  }
0x11b: {  	s0 =	simm.s32 @!p0 $0x3  }
0x11c: {  	_ =	swait.ge @!p0 [sflag:s0], s1  }
0x11d: {  	s1 =	ssub.s32 @!p0 $0x0, s1;
	[sflag:s0] =	ssyncset.done @!p0 $0x0  }
0x11e: {  	[sflag:s0] =	ssyncadd.s32 @!p0 s1  }
0x11f: {  	[bflag:$0x3] =	sbarrier.arrive $0xFFFF  }
0x120: {  	_ =	shalt  }

// kernel: kernel.8.cloned.1.call-start
scs
__scs_entry_jumppad:
0x0: {  	(pc) =	sbr.rel $0x88, $3  }
0x1: {  	(tag) =	ssettag $0x0;
	lr =	simm.s32 $0x1  }
0x2: {  	[smem:$0x3F9D] =	sst lr;
	_ =	strace $0xD0000000  }
0x3: {  	_ = 	snop  }
0x4: {  	_ = 	snop  }
0x5: {  	_ = 	snop  }
0x6: {  	_ = 	snop  }
0x7: {  	_ = 	snop  }
__scs_overlays_trampoline_lowered:
0x8: {  	[smem:$0x3FAC] =	sst s0  }
0x9: {  	[smem:$0x3FAD] =	sst s1  }
0xa: {  	[smem:$0x3FAE] =	sst s2  }
0xb: {  	[smem:$0x3FAF] =	sst s3  }
0xc: {  	[smem:$0x3FB0] =	sst s4  }
0xd: {  	[smem:$0x3FB1] =	sst s5  }
0xe: {  	[smem:$0x3FB2] =	sst s6  }
0xf: {  	[smem:$0x3FB3] =	sst s7  }
0x10: {  	[smem:$0x3FB4] =	sst s8  }
0x11: {  	[smem:$0x3FB5] =	sst s9;
	s0 =	simm.s32 @!p0 $0x0  }
0x12: {  	s1 =	sld [smem:$0x3F9B];
	s0 =	simm.s32 @p0 $0x1  }
0x13: {  	[smem:$0x3FB6] =	sst s0;
	s0 =	simm.s32 @!p1 $0x0  }
0x14: {  	s2 =	sld [smem:$0x3F9A];
	s0 =	simm.s32 @p1 $0x1  }
0x15: {  	[smem:$0x3FB7] =	sst s0;
	s0 =	simm.s32 @!p2 $0x0  }
0x16: {  	s3 =	sld [smem:$0x3FDB];
	s0 =	simm.s32 @p2 $0x1  }
0x17: {  	s4 =	simm.s32 $0x1BF5;
	[smem:$0x3FB9] =	sst s0  }
0x18: {  	s0 =	sld [smem:$0x3F9C];
	_ =	swait.ge [sflag:s4], $0x0  }
0x19: {  	s7 =	sld [smem:$0x3F9D]  }
0x1a: {  	s8 =	sadd.s32 $0xFFFFE003, lr  }
0x1b: {  	s9 =	sadd.s32 $0xFFFFFEF7, lr;
	s5 =	simm.s32 $0xFFFFFFFF;
	p2 =	slt.u32 s8, $0xFFFFF086  }
0x1c: {  	p1 =	slt.u32 s9, $0xF7A;
	s5 =	simm.s32 @!p2 $0x0  }
0x1d: {  	s5 =	simm.s32 @p1 $0x1;
	p0 =	seq.s32 s7, s2  }
0x1e: {  	s7 =	smul.u32 @!p0 $0xF7A, s2;
	p2 =	seq.s32 @!p0 s5, $0x0  }
0x1f: {  	s9 =	smul.u32 $0xF7A, s1;
	s8 =	simm.s32 @!p0 $0x1BF5;
	p2 =	por !p2, p0  }
0x20: {  	[sflag:s8] =	ssyncset.s32 @!p0 $0xFFFFF086;
	s6 =	sadd.s32 @!p0 s3, s7;
	s7 =	simm.s32 @!p0 $0x108  }
0x21: {  	s3 =	sadd.s32 s3, s9;
	s6 =	sadd.s32 @!p0 $0x88, s6;
	s7 =	simm.s32 @p2 $0x1082  }
0x22: {  	[simem:s7], [sflag:s8] =	dma.local @!p0 [hbm:s6], $0xF7A  }
0x23: {  	s9 =	sor.u32 $0xD0000000, s2;
	s6 =	simm.s32 $0x108;
	_ =	swait.ge @!p0 [sflag:s8], $0x0  }
0x24: {  	s3 =	sadd.s32 $0x88, s3;
	s6 =	simm.s32 @!p1 $0x1082;
	[sflag:s4] =	ssyncset.s32 $0xFFFFF086  }
0x25: {  	[simem:s6], [sflag:s4] =	dma.local [hbm:s3], $0xF7A  }
0x26: {  	[smem:$0x3F9D] =	sst s1;
	(tag) =	ssettag s2;
	_ =	strace s9  }
0x27: {  	s1 =	sld [smem:$0x3FAD]  }
0x28: {  	s2 =	sld [smem:$0x3FAE]  }
0x29: {  	s4 =	sld [smem:$0x3FB0]  }
0x2a: {  	p0 =	seq.s32 s5, $0x0;
	s5 =	sld [smem:$0x3FB1]  }
0x2b: {  	s6 =	sld [smem:$0x3FB2]  }
0x2c: {  	s7 =	sld [smem:$0x3FB3]  }
0x2d: {  	s3 =	simm.s32 $0x108;
	s8 =	sld [smem:$0x3FB4]  }
0x2e: {  	s3 =	simm.s32 @!p0 $0x1082;
	s9 =	sld [smem:$0x3FB5]  }
0x2f: {  	lr =	sadd.s32 s0, s3;
	s0 =	sld [smem:$0x3FAC]  }
0x30: {  	s3 =	sld [smem:$0x3FAF]  }
0x31: {  	[smem:$0x3FB8] =	sst s10  }
0x32: {  	s10 =	sld [smem:$0x3FB6];
	_ =	sdelay $0x3  }
0x33: {  	p0 =	seq.s32 s10, $0x1;
	s10 =	sld [smem:$0x3FB8];
	_ =	sdelay $0x3  }
0x34: {  	[smem:$0x3FB8] =	sst s10  }
0x35: {  	s10 =	sld [smem:$0x3FB7];
	_ =	sdelay $0x3  }
0x36: {  	p1 =	seq.s32 s10, $0x1;
	s10 =	sld [smem:$0x3FB8];
	_ =	sdelay $0x3  }
0x37: {  	[smem:$0x3FB8] =	sst s10  }
0x38: {  	s10 =	sld [smem:$0x3FB9]  }
0x39: {  	_ = 	snop;
	(pc) =	sbr.ind lr, $3  }
0x3a: {  	_ = 	snop  }
0x3b: {  	_ = 	snop  }
0x3c: {  	p2 =	seq.s32 s10, $0x1;
	s10 =	sld [smem:$0x3FB8]  }
0x3d: {  	_ =	shalt  }
0x3e: {  	_ =	shalt  }
0x3f: {  	_ =	shalt  }
0x40: {  	_ =	shalt  }
0x41: {  	_ =	shalt  }
0x42: {  	_ =	shalt  }
0x43: {  	_ =	shalt  }
0x44: {  	_ =	shalt  }
0x45: {  	_ =	shalt  }
0x46: {  	_ =	shalt  }
0x47: {  	_ =	shalt  }
0x48: {  	_ =	shalt  }
0x49: {  	_ =	shalt  }
0x4a: {  	_ =	shalt  }
0x4b: {  	_ =	shalt  }
0x4c: {  	_ =	shalt  }
0x4d: {  	_ =	shalt  }
0x4e: {  	_ =	shalt  }
0x4f: {  	_ =	shalt  }
0x50: {  	_ =	shalt  }
0x51: {  	_ =	shalt  }
0x52: {  	_ =	shalt  }
0x53: {  	_ =	shalt  }
0x54: {  	_ =	shalt  }
0x55: {  	_ =	shalt  }
0x56: {  	_ =	shalt  }
0x57: {  	_ =	shalt  }
0x58: {  	_ =	shalt  }
0x59: {  	_ =	shalt  }
0x5a: {  	_ =	shalt  }
0x5b: {  	_ =	shalt  }
0x5c: {  	_ =	shalt  }
0x5d: {  	_ =	shalt  }
0x5e: {  	_ =	shalt  }
0x5f: {  	_ =	shalt  }
0x60: {  	_ =	shalt  }
0x61: {  	_ =	shalt  }
0x62: {  	_ =	shalt  }
0x63: {  	_ =	shalt  }
0x64: {  	_ =	shalt  }
0x65: {  	_ =	shalt  }
0x66: {  	_ =	shalt  }
0x67: {  	_ =	shalt  }
0x68: {  	_ =	shalt  }
0x69: {  	_ =	shalt  }
0x6a: {  	_ =	shalt  }
0x6b: {  	_ =	shalt  }
0x6c: {  	_ =	shalt  }
0x6d: {  	_ =	shalt  }
0x6e: {  	_ =	shalt  }
0x6f: {  	_ =	shalt  }
0x70: {  	_ =	shalt  }
0x71: {  	_ =	shalt  }
0x72: {  	_ =	shalt  }
0x73: {  	_ =	shalt  }
0x74: {  	_ =	shalt  }
0x75: {  	_ =	shalt  }
0x76: {  	_ =	shalt  }
0x77: {  	_ =	shalt  }
0x78: {  	_ =	shalt  }
0x79: {  	_ =	shalt  }
0x7a: {  	_ =	shalt  }
0x7b: {  	_ =	shalt  }
0x7c: {  	_ =	shalt  }
0x7d: {  	_ =	shalt  }
0x7e: {  	_ =	shalt  }
0x7f: {  	_ =	shalt  }
0x80: {  	_ =	shalt  }
0x81: {  	_ =	shalt  }
0x82: {  	_ =	shalt  }
0x83: {  	_ =	shalt  }
0x84: {  	_ =	shalt  }
0x85: {  	_ =	shalt  }
0x86: {  	_ =	shalt  }
0x87: {  	_ =	shalt  }
.Lfunc_end0:
.L_simem_size_0:
called_computation.1_lowered:
.L_overlay_start_0:
0x88: {  	s2 =	sld [smem:$0x3FD9]  }
0x89: {  	s3 =	sld [smem:$0x3FFE];
	_ =	sdelay $0x1  }
0x8a: {  	s1 =	srdreg.scid  }
0x8b: {  	s0 =	sand.u32 $0x1, s1  }
0x8c: {  	s17 =	sshll.u32 s0, $0xA;
	s2 =	sadd.s32 s3, s2  }
0x8d: {  	s2 =	sadd.s32 s2, s17  }
0x8e: {  	[smem:$0x3FC4] =	sst s2  }
0x8f: {  	_ = 	snop  }
0x90: {  	(tm) =	ssettm $0x1  }
0x91: {  	s18 =	sld [smem:$0x3FFB];
	_ =	sdelay $0x3  }
0x92: {  	_ =	strace s18  }
0x93: {  	s2 =	sld [smem:$0x3FFC];
	_ =	sdelay $0x3  }
0x94: {  	_ =	strace s2  }
0x95: {  	s2 =	sld [smem:$0x3FFD];
	_ =	sdelay $0x3  }
0x96: {  	_ =	strace s2  }
0x97: {  	_ =	strace $0x8FFFFFFF  }
0x98: {  	s19 =	sld [smem:$0x3FDB];
	_ =	sdelay $0x1  }
0x99: {  	s20 =	simm.s32 $_scs_section_size  }
0x9a: {  	s4 =	simm.s32 $_size__tile_overlayer_lowered;
	s5 =	simm.s32 $_tile_overlayer_lowered  }
0x9b: {  	s6 =	simm.s32 $0x1BFF;
	s21 =	sshll.u32 s5, $0x1;
	s3 =	sadd.s32 s20, s19  }
0x9c: {  	s22 =	simm.s32 $0x0;
	s4 =	sshll.u32 s4, $0x1;
	s5 =	sadd.s32 s21, s3  }
0x9d: {  	[timem:s22], [sflag:s6] =	dma.local [hbm:s5], s4  }
0x9e: {  	_ =	swait.ge [sflag:s6], s4  }
0x9f: {  	s4 =	ssub.s32 $0x0, s4;
	[sflag:s6] =	ssyncset.done $0x0  }
0xa0: {  	[sflag:s6] =	ssyncadd.s32 s4;
	_ =	sdelay $0x1  }
0xa1: {  	s23 =	simm.s32 $0x1B8B  }
0xa2: {  	_ =	swait.ge [sflag:s23], $0x1  }
0xa3: {  	[sflag:s23] =	ssyncset.done $0x0  }
0xa4: {  	[sflag:s23] =	ssyncadd.s32 $0xFFFFFFFF  }
0xa5: {  	s4 =	sld [smem:$0x0]  }
0xa6: {  	s5 =	sand.u32 $0xFFFFFFFE, s1  }
0xa7: {  	p0 =	sne.s32 s1, s5  }
0xa8: {  	s5 =	sshll.u32 @p0 s5, $0xE  }
0xa9: {  	s5 =	sadd.s32 @p0 $0x11B8D, s5;
	s6 =	sshll.u32 @p0 s4, $0x11  }
0xaa: {  	s5 =	sor.u32 @p0 s6, s5  }
0xab: {  	[sflag:s5] =	ssyncadd.remote.s32 @p0 $0x1;
	_ =	sdelay $0x1  }
0xac: {  	s5 =	simm.s32 @p0 $0x1B8D  }
0xad: {  	_ =	swait.eq @p0 [sflag:s5], $0x1  }
0xae: {  	[sflag:s5] =	ssyncadd.s32 @p0 $0xFFFFFFFF  }
0xaf: {  	s6 =	sshll.u32 @!p0 s1, $0xE  }
0xb0: {  	s6 =	sor.u32 @!p0 $0x4000, s6;
	s5 =	simm.s32 @!p0 $0x1B8D  }
0xb1: {  	s4 =	sshll.u32 @!p0 s4, $0x11;
	s6 =	sadd.s32 @!p0 $0x11B8D, s6;
	_ =	swait.eq @!p0 [sflag:s5], $0x1  }
0xb2: {  	s4 =	sor.u32 @!p0 s4, s6;
	[sflag:s5] =	ssyncadd.s32 @!p0 $0xFFFFFFFF  }
0xb3: {  	s25 =	simm.s32 $0x1B8E;
	s24 =	sld [smem:$0x3FFE];
	[sflag:s4] =	ssyncadd.remote.s32 @!p0 $0x1  }
0xb4: {  	s26 =	simm.s32 $execute0_lowered;
	[smem:$0x3FD2] =	sst s25  }
0xb5: {  	s5 =	sshll.u32 s26, $0x1;
	_ =	strace $0x80000049;
	[dreg:$0x1] =	wrdreg $0xFFFFFFFF  }
0xb6: {  	s28 =	simm.s32 $_size_execute0_lowered;
	s3 =	sadd.s32 s3, s5;
	[dreg:$0x0] =	wrdreg $0x0  }
0xb7: {  	s5 =	sshll.u32 s28, $0x1;
	[dreg:$0x2] =	wrdreg s3  }
0xb8: {  	[dreg:$0x3] =	wrdreg s5  }
0xb9: {  	[dreg:$0x4] =	wrdreg $0xC0  }
0xba: {  	_ =	task [dreg:s22], $0x5FFFF  }
0xbb: {  	[dreg:$0x1] =	wrdreg $0xFFFFFFFF  }
0xbc: {  	[dreg:$0x0] =	wrdreg $0x60  }
0xbd: {  	[dreg:$0x2] =	wrdreg s24  }
0xbe: {  	[dreg:$0x3] =	wrdreg $0x42000  }
0xbf: {  	[dreg:$0x4] =	wrdreg $0xA  }
0xc0: {  	_ =	task.clear_ibuf [dreg:s22], $0x5FFFF;
	_ =	strace $0x90000049  }
0xc1: {  	s29 =	simm.s32 $0xA;
	_ =	strace $0x8000004B  }
0xc2: {  	_ =	swait.ge [sflag:s29], $0x1  }
0xc3: {  	[sflag:s29] =	ssyncadd.s32 $0xFFFFFFFF  }
0xc4: {  	_ =	strace $0x9000004B  }
0xc5: {  	_ =	sfence  }
0xc6: {  	s30 =	sld [smem:$0x0];
	_ =	sdelay $0x2  }
0xc7: {  	s31 =	sshll.u32 s1, $0xD;
	s1 =	sshrl.u32 s1, $0x2  }
0xc8: {  	s4 =	sand.u32 $0x4000, s31;
	s1 =	sadd.s32 s1, s30  }
0xc9: {  	s0 =	sor.u32 s4, s0;
	s1 =	sshll.u32 s1, $0x11  }
0xca: {  	s0 =	sor.u32 s1, s0  }
0xcb: {  	s0 =	sadd.s32 $0x8F2B, s0  }
0xcc: {  	[sflag:s0] =	ssyncadd.remote.s32 $0x1  }
0xcd: {  	_ =	sfence.sel $0xFFFF  }
0xce: {  	[dreg:$0x0] =	wrdreg $0xFFFFFFFF;
	(pc) =	sbr.abs _section_cstart, $3  }
0xcf: {  	[dreg:$0x1] =	wrdreg $0xFFFFFFFF  }
0xd0: {  	_ =	task.clear_ibuf [dreg:s22], $0x2FFFF;
	_ =	strace $0x9FFFFFFF  }
0xd1: {  	(tm) =	ssettm $0x7FFFFFFF  }
tec
execute0_lowered:
.L_overlay_start_1:
0x0: {  	(tag) =	ssettag $0x1  }
0x1: {  	s0 =	rddreg [dreg:$0x0]  }
0x2: {  	s2 =	rddreg [dreg:$0x1]  }
0x3: {  	s1 =	srdreg.scid;
	s5 =	stileid.u32  }
0x4: {  	s3 =	simm.s32 $0x0;
	s28 =	simm.s32 $0x80;
	s29 =	simm.s32 $0x100  }
0x5: {  	s30 =	simm.s32 $0x180;
	s31 =	simm.s32 $0x0;
	s7 =	smul.u32 $0x280, s5  }
0x6: {  	s1 =	sand.u32 $0x1, s1;
	[smem:$0x7FF] =	sst s3;
	s9 =	smul.u32 $0x50000, s5  }
0x7: {  	s4 =	sadd.s32 $0x5B200, s0;
	s6 =	sadd.s32 $0xAA00, s0;
	s25 =	sadd.s32 $0x65200, s0  }
0x8: {  	s24 =	smul.u32 $0x2800, s5;
	_ =	strace $0x8000004A;
	[dreg:$0x3] =	wrdreg s6  }
0x9: {  	s8 =	smul.u32 $0x2800, s1;
	[dreg:$0x4] =	wrdreg s25;
	s26 =	ssub.s32 $0x2, s1  }
0xa: {  	s1 =	smul.u32 $0x28000, s1;
	s25 =	simm.s32 $0x200;
	s11 =	sshrl.u32 s26, $0x1  }
0xb: {  	s9 =	sshrl.u32 s9, $0x2;
	s7 =	sadd.s32 s7, s8;
	s23 =	ssub.s32 s26, s11  }
0xc: {  	s24 =	sadd.s32 s24, s1;
	s26 =	simm.s32 $0x1;
	s10 =	sshll.u32 s7, $0x4  }
0xd: {  	s7 =	sadd.s32 s9, s2;
	s23 =	smax.u32 s23, $0x1;
	s0 =	sadd.s32 s10, s0  }
0xe: {  	s8 =	sadd.s32 $0x2800, s7;
	s9 =	sadd.s32 $0x5000, s7;
	s10 =	sadd.s32 $0x7800, s7  }
0xf: {  	s11 =	sadd.s32 $0xA000, s7;
	s12 =	sadd.s32 $0xC800, s7;
	s13 =	sadd.s32 $0xF000, s7  }
0x10: {  	s14 =	sadd.s32 $0x11800, s7;
	s15 =	sadd.s32 $0x65A00, s0;
	s16 =	sadd.s32 $0x65F00, s0  }
0x11: {  	s17 =	sadd.s32 $0x66400, s0;
	s18 =	sadd.s32 $0x66900, s0;
	s19 =	sadd.s32 $0x66E00, s0  }
0x12: {  	s20 =	sadd.s32 $0x67300, s0;
	s21 =	sadd.s32 $0x67800, s0;
	s22 =	sadd.s32 $0x67D00, s0  }
.LBB2_1:
0x13: {  	s0 =	rddreg [dreg:$0x3]  }
0x14: {  	[tilespmem:s25], [sflag:$0x1] =	stream.linear.gather [hbm4b:s0+s3], $0x4000, $0x38;
	[tilespmem:$0x18200] =	vst v63  }
0x15: {  	_ =	swait.ge [sflag:s26], $0x4000  }
0x16: {  	[sflag:s26] =	ssyncset.done $0x0  }
0x17: {  	[sflag:s26] =	ssyncadd.s32 $0xFFFFC000  }
0x18: {  	[spmem:s7] =	stream.linear.scatter [tilespmem:s25], [sflag:$0x1], $0x2800, $0x38;
	[tilespmem:$0x18200] =	vst v63  }
0x19: {  	_ =	swait.ge [sflag:s26], $0x2800  }
0x1a: {  	[sflag:s26] =	ssyncset.done $0x0  }
0x1b: {  	[sflag:s26] =	ssyncadd.s32 $0xFFFFD800  }
0x1c: {  	[spmem:s8] =	stream.linear.scatter [tilespmem:s25], [sflag:$0x1], $0x2800, $0x38;
	[tilespmem:$0x18200] =	vst v63  }
0x1d: {  	_ =	swait.ge [sflag:s26], $0x2800  }
0x1e: {  	[sflag:s26] =	ssyncset.done $0x0  }
0x1f: {  	[sflag:s26] =	ssyncadd.s32 $0xFFFFD800  }
0x20: {  	[spmem:s9] =	stream.linear.scatter [tilespmem:s25], [sflag:$0x1], $0x2800, $0x38;
	[tilespmem:$0x18200] =	vst v63  }
0x21: {  	_ =	swait.ge [sflag:s26], $0x2800  }
0x22: {  	[sflag:s26] =	ssyncset.done $0x0  }
0x23: {  	[sflag:s26] =	ssyncadd.s32 $0xFFFFD800  }
0x24: {  	[spmem:s10] =	stream.linear.scatter [tilespmem:s25], [sflag:$0x1], $0x2800, $0x38;
	[tilespmem:$0x18200] =	vst v63  }
0x25: {  	_ =	swait.ge [sflag:s26], $0x2800  }
0x26: {  	[sflag:s26] =	ssyncset.done $0x0  }
0x27: {  	[sflag:s26] =	ssyncadd.s32 $0xFFFFD800  }
0x28: {  	[spmem:s11] =	stream.linear.scatter [tilespmem:s25], [sflag:$0x1], $0x2800, $0x38;
	[tilespmem:$0x18200] =	vst v63  }
0x29: {  	_ =	swait.ge [sflag:s26], $0x2800  }
0x2a: {  	[sflag:s26] =	ssyncset.done $0x0  }
0x2b: {  	[sflag:s26] =	ssyncadd.s32 $0xFFFFD800  }
0x2c: {  	[spmem:s12] =	stream.linear.scatter [tilespmem:s25], [sflag:$0x1], $0x2800, $0x38;
	[tilespmem:$0x18200] =	vst v63  }
0x2d: {  	_ =	swait.ge [sflag:s26], $0x2800  }
0x2e: {  	[sflag:s26] =	ssyncset.done $0x0  }
0x2f: {  	[sflag:s26] =	ssyncadd.s32 $0xFFFFD800  }
0x30: {  	[spmem:s13] =	stream.linear.scatter [tilespmem:s25], [sflag:$0x1], $0x2800, $0x38;
	[tilespmem:$0x18200] =	vst v63  }
0x31: {  	_ =	swait.ge [sflag:s26], $0x2800  }
0x32: {  	[sflag:s26] =	ssyncset.done $0x0  }
0x33: {  	[sflag:s26] =	ssyncadd.s32 $0xFFFFD800  }
0x34: {  	[spmem:s14] =	stream.linear.scatter [tilespmem:s25], [sflag:$0x1], $0x2800, $0x38;
	[tilespmem:$0x18200] =	vst v63  }
0x35: {  	_ =	swait.ge [sflag:s26], $0x2800  }
0x36: {  	[sflag:s26] =	ssyncset.done $0x0  }
0x37: {  	s1 =	sadd.s32 $0x0, s24;
	s6 =	rddreg [dreg:$0x4];
	[sflag:s26] =	ssyncadd.s32 $0xFFFFD800  }
0x38: {  	[tilespmem:s25], [sflag:$0x1] =	stream.linear.gather [hbm4b:s6+s3], $0x4000, $0x38;
	[tilespmem:$0x18200] =	vst v63  }
0x39: {  	s0 =	sand.u32 $0xFFC00, s1;
	s1 =	sand.u32 $0x200, s3;
	_ =	swait.ge [sflag:s26], $0x4000  }
0x3a: {  	s0 =	sor.u32 s1, s0;
	[sflag:s26] =	ssyncset.done $0x0  }
0x3b: {  	s0 =	sshrl.u32 s0, $0x3;
	[sflag:s26] =	ssyncadd.s32 $0xFFFFC000  }
0x3c: {  	s0 =	sadd.s32 s4, s0;
	[bflag:$0x0] =	sbarrier.arrive $0xFFFF  }
0x3d: {  	[tilespmem:s3], [sflag:$0x1] =	stream.linear.gather [hbm4b:s0+s3], $0x200, $0x38;
	[tilespmem:$0x18200] =	vst v63  }
0x3e: {  	_ =	swait.ge [sflag:s26], $0x200  }
0x3f: {  	[sflag:s26] =	ssyncset.done $0x0  }
0x40: {  	[sflag:s26] =	ssyncadd.s32 $0xFFFFFE00  }
0x41: {  	[spmem:s2] =	stream.indirect.scatter.add.f32 [tilespmem:s25], [sflag:$0x1], $0x80, s3, s28, $0xb8;
	[tilespmem:$0x18200] =	vst v63  }
0x42: {  	_ =	swait.ge [sflag:s26], $0x4000  }
0x43: {  	[sflag:s26] =	ssyncset.done $0x0  }
0x44: {  	[sflag:s26] =	ssyncadd.s32 $0xFFFFC000  }
0x45: {  	[spmem:s2] =	stream.indirect.scatter.add.f32 [tilespmem:s25], [sflag:$0x1], $0x80, s28, s28, $0xb8;
	[tilespmem:$0x18200] =	vst v63  }
0x46: {  	_ =	swait.ge [sflag:s26], $0x4000  }
0x47: {  	[sflag:s26] =	ssyncset.done $0x0  }
0x48: {  	[sflag:s26] =	ssyncadd.s32 $0xFFFFC000  }
0x49: {  	[spmem:s2] =	stream.indirect.scatter.add.f32 [tilespmem:s25], [sflag:$0x1], $0x80, s29, s28, $0xb8;
	[tilespmem:$0x18200] =	vst v63  }
0x4a: {  	_ =	swait.ge [sflag:s26], $0x4000  }
0x4b: {  	[sflag:s26] =	ssyncset.done $0x0  }
0x4c: {  	s5 =	simm.s32 $0x200;
	s6 =	sadd.s32 $0x200, s24;
	[sflag:s26] =	ssyncadd.s32 $0xFFFFC000  }
0x4d: {  	[spmem:s2] =	stream.indirect.scatter.add.f32 [tilespmem:s25], [sflag:$0x1], $0x80, s30, s28, $0xb8;
	[tilespmem:$0x18200] =	vst v63  }
0x4e: {  	s5 =	sand.u32 $0x200, s5;
	s1 =	sand.u32 $0xFFC00, s6;
	_ =	swait.ge [sflag:s26], $0x4000  }
0x4f: {  	s1 =	sor.u32 s5, s1;
	s0 =	simm.s32 $0x400;
	[sflag:s26] =	ssyncset.done $0x0  }
.LBB2_2:
0x50: {  	s1 =	sshrl.u32 s1, $0x3  }
0x51: {  	[sflag:s26] =	ssyncadd.s32 $0xFFFFC000;
	s5 =	smov.u32 s0;
	s6 =	sadd.s32 $0x200, s0  }
0x52: {  	p0 =	sne.s32 s0, $0x2600;
	s0 =	sadd.s32 s4, s1  }
0x53: {  	[tilespmem:s3], [sflag:$0x1] =	stream.linear.gather [hbm4b:s0+s3], $0x200, $0x38;
	[tilespmem:$0x18200] =	vst v63  }
0x54: {  	_ =	swait.ge [sflag:s26], $0x200  }
0x55: {  	[sflag:s26] =	ssyncset.done $0x0  }
0x56: {  	[sflag:s26] =	ssyncadd.s32 $0xFFFFFE00  }
0x57: {  	[spmem:s2] =	stream.indirect.scatter.add.f32 [tilespmem:s25], [sflag:$0x1], $0x80, s3, s28, $0xb8;
	[tilespmem:$0x18200] =	vst v63  }
0x58: {  	_ =	swait.ge [sflag:s26], $0x4000  }
0x59: {  	[sflag:s26] =	ssyncset.done $0x0  }
0x5a: {  	[sflag:s26] =	ssyncadd.s32 $0xFFFFC000  }
0x5b: {  	[spmem:s2] =	stream.indirect.scatter.add.f32 [tilespmem:s25], [sflag:$0x1], $0x80, s28, s28, $0xb8;
	[tilespmem:$0x18200] =	vst v63  }
0x5c: {  	_ =	swait.ge [sflag:s26], $0x4000  }
0x5d: {  	[sflag:s26] =	ssyncset.done $0x0  }
0x5e: {  	[sflag:s26] =	ssyncadd.s32 $0xFFFFC000  }
0x5f: {  	[spmem:s2] =	stream.indirect.scatter.add.f32 [tilespmem:s25], [sflag:$0x1], $0x80, s29, s28, $0xb8;
	[tilespmem:$0x18200] =	vst v63  }
0x60: {  	_ =	swait.ge [sflag:s26], $0x4000  }
.Ltmp0:
0x61: {  	[sflag:s26] =	ssyncset.done $0x0;
	(pc) =	sbr.rel @p0 .LBB2_2-.Ltmp0, $4  }
0x62: {  	s0 =	sadd.s32 s5, s24;
	[sflag:s26] =	ssyncadd.s32 $0xFFFFC000  }
0x63: {  	[spmem:s2] =	stream.indirect.scatter.add.f32 [tilespmem:s25], [sflag:$0x1], $0x80, s30, s28, $0xb8;
	[tilespmem:$0x18200] =	vst v63  }
0x64: {  	s1 =	sand.u32 $0x200, s5;
	s0 =	sand.u32 $0xFFC00, s0;
	_ =	swait.ge [sflag:s26], $0x4000  }
0x65: {  	s1 =	sor.u32 s1, s0;
	s0 =	smov.u32 s6;
	[sflag:s26] =	ssyncset.done $0x0  }
0x66: {  	s0 =	sshrl.u32 s1, $0x3  }
0x67: {  	[sflag:s26] =	ssyncadd.s32 $0xFFFFC000;
	s0 =	sadd.s32 s4, s0  }
0x68: {  	[tilespmem:s3], [sflag:$0x1] =	stream.linear.gather [hbm4b:s0+s3], $0x200, $0x38;
	[tilespmem:$0x18200] =	vst v63  }
0x69: {  	_ =	swait.ge [sflag:s26], $0x200  }
0x6a: {  	[sflag:s26] =	ssyncset.done $0x0  }
0x6b: {  	[sflag:s26] =	ssyncadd.s32 $0xFFFFFE00  }
0x6c: {  	[spmem:s2] =	stream.indirect.scatter.add.f32 [tilespmem:s25], [sflag:$0x1], $0x80, s3, s28, $0xb8;
	[tilespmem:$0x18200] =	vst v63  }
0x6d: {  	_ =	swait.ge [sflag:s26], $0x4000  }
0x6e: {  	[sflag:s26] =	ssyncset.done $0x0  }
0x6f: {  	[sflag:s26] =	ssyncadd.s32 $0xFFFFC000  }
0x70: {  	[spmem:s2] =	stream.indirect.scatter.add.f32 [tilespmem:s25], [sflag:$0x1], $0x80, s28, s28, $0xb8;
	[tilespmem:$0x18200] =	vst v63  }
0x71: {  	_ =	swait.ge [sflag:s26], $0x4000  }
0x72: {  	[sflag:s26] =	ssyncset.done $0x0  }
0x73: {  	[sflag:s26] =	ssyncadd.s32 $0xFFFFC000  }
0x74: {  	[spmem:s2] =	stream.indirect.scatter.add.f32 [tilespmem:s25], [sflag:$0x1], $0x80, s29, s28, $0xb8;
	[tilespmem:$0x18200] =	vst v63  }
0x75: {  	_ =	swait.ge [sflag:s26], $0x4000  }
0x76: {  	[sflag:s26] =	ssyncset.done $0x0  }
0x77: {  	[sflag:s26] =	ssyncadd.s32 $0xFFFFC000  }
0x78: {  	[spmem:s2] =	stream.indirect.scatter.add.f32 [tilespmem:s25], [sflag:$0x1], $0x80, s30, s28, $0xb8;
	[tilespmem:$0x18200] =	vst v63  }
0x79: {  	_ =	swait.ge [sflag:s26], $0x4000  }
0x7a: {  	[sflag:s26] =	ssyncset.done $0x0  }
0x7b: {  	[sflag:s26] =	ssyncadd.s32 $0xFFFFC000  }
0x7c: {  	[bflag:$0x0] =	sbarrier.arrive $0xFFFF  }
0x7d: {  	[tilespmem:s25], [sflag:$0x1] =	stream.linear.gather [spmem:s7], $0x2800, $0x38;
	[tilespmem:$0x18200] =	vst v63  }
0x7e: {  	_ =	swait.ge [sflag:s26], $0x2800  }
0x7f: {  	[sflag:s26] =	ssyncset.done $0x0  }
0x80: {  	[sflag:s26] =	ssyncadd.s32 $0xFFFFD800  }
0x81: {  	[hbm4b:s15+s3] =	stream.linear.scatter [tilespmem:s25], [sflag:$0x1], $0x2800, $0x38;
	[tilespmem:$0x18200] =	vst v63  }
0x82: {  	_ =	swait.ge [sflag:s26], $0x2800  }
0x83: {  	[sflag:s26] =	ssyncset.done $0x0  }
0x84: {  	[sflag:s26] =	ssyncadd.s32 $0xFFFFD800  }
0x85: {  	[tilespmem:s25], [sflag:$0x1] =	stream.linear.gather [spmem:s8], $0x2800, $0x38;
	[tilespmem:$0x18200] =	vst v63  }
0x86: {  	_ =	swait.ge [sflag:s26], $0x2800  }
0x87: {  	[sflag:s26] =	ssyncset.done $0x0  }
0x88: {  	[sflag:s26] =	ssyncadd.s32 $0xFFFFD800  }
0x89: {  	[hbm4b:s16+s3] =	stream.linear.scatter [tilespmem:s25], [sflag:$0x1], $0x2800, $0x38;
	[tilespmem:$0x18200] =	vst v63  }
0x8a: {  	_ =	swait.ge [sflag:s26], $0x2800  }
0x8b: {  	[sflag:s26] =	ssyncset.done $0x0  }
0x8c: {  	[sflag:s26] =	ssyncadd.s32 $0xFFFFD800  }
0x8d: {  	[tilespmem:s25], [sflag:$0x1] =	stream.linear.gather [spmem:s9], $0x2800, $0x38;
	[tilespmem:$0x18200] =	vst v63  }
0x8e: {  	_ =	swait.ge [sflag:s26], $0x2800  }
0x8f: {  	[sflag:s26] =	ssyncset.done $0x0  }
0x90: {  	[sflag:s26] =	ssyncadd.s32 $0xFFFFD800  }
0x91: {  	[hbm4b:s17+s3] =	stream.linear.scatter [tilespmem:s25], [sflag:$0x1], $0x2800, $0x38;
	[tilespmem:$0x18200] =	vst v63  }
0x92: {  	_ =	swait.ge [sflag:s26], $0x2800  }
0x93: {  	[sflag:s26] =	ssyncset.done $0x0  }
0x94: {  	[sflag:s26] =	ssyncadd.s32 $0xFFFFD800  }
0x95: {  	[tilespmem:s25], [sflag:$0x1] =	stream.linear.gather [spmem:s10], $0x2800, $0x38;
	[tilespmem:$0x18200] =	vst v63  }
0x96: {  	_ =	swait.ge [sflag:s26], $0x2800  }
0x97: {  	[sflag:s26] =	ssyncset.done $0x0  }
0x98: {  	[sflag:s26] =	ssyncadd.s32 $0xFFFFD800  }
0x99: {  	[hbm4b:s18+s3] =	stream.linear.scatter [tilespmem:s25], [sflag:$0x1], $0x2800, $0x38;
	[tilespmem:$0x18200] =	vst v63  }
0x9a: {  	_ =	swait.ge [sflag:s26], $0x2800  }
0x9b: {  	[sflag:s26] =	ssyncset.done $0x0  }
0x9c: {  	[sflag:s26] =	ssyncadd.s32 $0xFFFFD800  }
0x9d: {  	[tilespmem:s25], [sflag:$0x1] =	stream.linear.gather [spmem:s11], $0x2800, $0x38;
	[tilespmem:$0x18200] =	vst v63  }
0x9e: {  	_ =	swait.ge [sflag:s26], $0x2800  }
0x9f: {  	[sflag:s26] =	ssyncset.done $0x0  }
0xa0: {  	[sflag:s26] =	ssyncadd.s32 $0xFFFFD800  }
0xa1: {  	[hbm4b:s19+s3] =	stream.linear.scatter [tilespmem:s25], [sflag:$0x1], $0x2800, $0x38;
	[tilespmem:$0x18200] =	vst v63  }
0xa2: {  	_ =	swait.ge [sflag:s26], $0x2800  }
0xa3: {  	[sflag:s26] =	ssyncset.done $0x0  }
0xa4: {  	[sflag:s26] =	ssyncadd.s32 $0xFFFFD800  }
0xa5: {  	[tilespmem:s25], [sflag:$0x1] =	stream.linear.gather [spmem:s12], $0x2800, $0x38;
	[tilespmem:$0x18200] =	vst v63  }
0xa6: {  	_ =	swait.ge [sflag:s26], $0x2800  }
0xa7: {  	[sflag:s26] =	ssyncset.done $0x0  }
0xa8: {  	[sflag:s26] =	ssyncadd.s32 $0xFFFFD800  }
0xa9: {  	[hbm4b:s20+s3] =	stream.linear.scatter [tilespmem:s25], [sflag:$0x1], $0x2800, $0x38;
	[tilespmem:$0x18200] =	vst v63  }
0xaa: {  	_ =	swait.ge [sflag:s26], $0x2800  }
0xab: {  	[sflag:s26] =	ssyncset.done $0x0  }
0xac: {  	[sflag:s26] =	ssyncadd.s32 $0xFFFFD800  }
0xad: {  	[tilespmem:s25], [sflag:$0x1] =	stream.linear.gather [spmem:s13], $0x2800, $0x38;
	[tilespmem:$0x18200] =	vst v63  }
0xae: {  	_ =	swait.ge [sflag:s26], $0x2800  }
0xaf: {  	[sflag:s26] =	ssyncset.done $0x0  }
0xb0: {  	[sflag:s26] =	ssyncadd.s32 $0xFFFFD800  }
0xb1: {  	[hbm4b:s21+s3] =	stream.linear.scatter [tilespmem:s25], [sflag:$0x1], $0x2800, $0x38;
	[tilespmem:$0x18200] =	vst v63  }
0xb2: {  	_ =	swait.ge [sflag:s26], $0x2800  }
0xb3: {  	[sflag:s26] =	ssyncset.done $0x0  }
0xb4: {  	[sflag:s26] =	ssyncadd.s32 $0xFFFFD800  }
0xb5: {  	[tilespmem:s25], [sflag:$0x1] =	stream.linear.gather [spmem:s14], $0x2800, $0x38;
	[tilespmem:$0x18200] =	vst v63  }
0xb6: {  	s31 =	sadd.s32 $0x1, s31;
	_ =	swait.ge [sflag:s26], $0x2800  }
0xb7: {  	p0 =	sne.s32 s31, s23;
	[sflag:s26] =	ssyncset.done $0x0  }
.Ltmp1:
0xb8: {  	[sflag:s26] =	ssyncadd.s32 $0xFFFFD800;
	(pc) =	sbr.rel @p0 .LBB2_1-.Ltmp1, $4  }
0xb9: {  	[hbm4b:s22+s3] =	stream.linear.scatter [tilespmem:s25], [sflag:$0x1], $0x2800, $0x38;
	[tilespmem:$0x18200] =	vst v63  }
0xba: {  	_ =	swait.ge [sflag:s26], $0x2800  }
0xbb: {  	[sflag:s26] =	ssyncset.done $0x0  }
0xbc: {  	[sflag:s26] =	ssyncadd.s32 $0xFFFFD800  }
0xbd: {  	_ =	sfence.sel $0x180000  }
0xbe: {  	[bflag:$0x0] =	sbarrier.arrive $0xFFFF  }
0xbf: {  	_ =	strace $0x9000004A  }
0xc0: {  	s0 =	stileid.u32;
	[bflag:$0x2] =	sbarrier.arrive $0xFFFF  }
0xc1: {  	p0 =	sne.s32 s0, $0x0;
	s0 =	rddreg [dreg:$0x2]  }
0xc2: {  	s0 =	sadd.s32 @!p0 $0x100000, s0  }
0xc3: {  	[sflag:s0] =	ssyncadd.tile.s32 @!p0 $0x1;
	_ =	shalt  }
.Lfunc_end2:
_tile_overlayer_lowered:
.L_overlay_start_2:
0xc4: {  	(tag) =	ssettag $0x2  }
0xc5: {  	s0 =	rddreg [dreg:$0x0];
	s2 =	stileid.u32  }
0xc6: {  	s1 =	rddreg [dreg:$0x1];
	p0 =	sne.s32 s2, $0x0  }
0xc7: {  	s3 =	rddreg [dreg:$0x2];
	[bflag:$0x3] =	sbarrier.arrive $0xFFFF;
	s2 =	simm.s32 @!p0 $0x1C01  }
0xc8: {  	[timem:s3], [sflag:s2] =	dma.local @!p0 [hbm:s0], s1  }
0xc9: {  	s0 =	simm.s32 @!p0 $0x1  }
0xca: {  	_ =	swait.ge @!p0 [sflag:s0], s1  }
0xcb: {  	s1 =	ssub.s32 @!p0 $0x0, s1;
	[sflag:s0] =	ssyncset.done @!p0 $0x0  }
0xcc: {  	[sflag:s0] =	ssyncadd.s32 @!p0 s1  }
0xcd: {  	[bflag:$0x3] =	sbarrier.arrive $0xFFFF  }
0xce: {  	_ =	shalt  }

</sc_bundles>
